<compile_context>
chip_gen: v7x
topology: tpu7x:2x2x1
jax: 0.10.2.dev20260603
libtpu: 0.0.44.dev20260713+nightly
codegen_flags: <defaults>
</compile_context>

<pallas_src>
import functools

import jax
import jax.numpy as jnp
from jax import lax
from jax.experimental import pallas as pl
from jax.experimental.pallas import tpu as pltpu
from jax.experimental.pallas import tpu_sc as plsc

N = 10000
NP = 10240
E = 320000
DIN = 128
HID = 256
DOUT = 128

BLK = 1024
NB = NP // BLK

NC = 2
NS = 16
CH = 128
NCHT = 80
NQ = NCHT // 2
EPAD = NC * NS * NCHT * CH
SLAB = NP // NS


def _segsum128(tables, src2d, dst2d, zeros):
    nt = len(tables)
    mesh = plsc.VectorSubcoreMesh(core_axis_name="c", subcore_axis_name="s")

    @functools.partial(
        pl.kernel,
        out_type=jax.ShapeDtypeStruct((nt * 2 * NP, 128), jnp.float32),
        mesh=mesh,
        scratch_types=[
            pltpu.VMEM((NQ, CH), jnp.int32),
            pltpu.VMEM((NQ, CH), jnp.int32),
            pltpu.VMEM((CH, 128), jnp.float32),
            pltpu.VMEM((CH, 128), jnp.float32),
            pltpu.VMEM_SHARED((NP, 128), jnp.float32),
            pltpu.SemaphoreType.DMA,
            pltpu.SemaphoreType.DMA,
            pltpu.SemaphoreType.DMA,
            pltpu.SemaphoreType.DMA,
        ],
    )
    def k(*refs):
        tbls = refs[:nt]
        src_hbm, dst_hbm, zero_hbm, out_hbm = refs[nt:nt + 4]
        (srcv, dstv, rows0, rows1, acc,
         sem0, sem1, ssem0, ssem1) = refs[nt + 4:]
        c = lax.axis_index("c")
        s = lax.axis_index("s")
        wid = s * NC + c
        for p, tbl in enumerate(tbls):
            pltpu.sync_copy(zero_hbm.at[pl.ds(s * SLAB, SLAB)],
                            acc.at[pl.ds(s * SLAB, SLAB)])
            plsc.subcore_barrier()
            for q in range(2):
                base = wid * NCHT + q * NQ
                pltpu.sync_copy(src_hbm.at[pl.ds(base, NQ)], srcv)
                pltpu.sync_copy(dst_hbm.at[pl.ds(base, NQ)], dstv)
                pltpu.async_copy(tbl.at[srcv.at[0]], rows0, sem0)
                pltpu.async_copy(tbl.at[srcv.at[1]], rows1, sem1)

                def body(jj, carry, tbl=tbl):
                    j = jj * 2
                    pltpu.make_async_copy(tbl.at[pl.ds(0, CH)], rows0,
                                          sem0).wait()
                    pltpu.async_copy(rows0, acc.at[dstv.at[j]], ssem0,
                                     add=True)
                    pltpu.make_async_copy(tbl.at[pl.ds(0, CH)], rows1,
                                          sem1).wait()
                    pltpu.async_copy(rows1, acc.at[dstv.at[j + 1]], ssem1,
                                     add=True)
                    pltpu.make_async_copy(rows0, acc.at[dstv.at[j]],
                                          ssem0).wait()

                    @pl.when(j + 2 < NQ)
                    def _():
                        pltpu.async_copy(tbl.at[srcv.at[j + 2]], rows0, sem0)

                    pltpu.make_async_copy(rows1, acc.at[dstv.at[j + 1]],
                                          ssem1).wait()

                    @pl.when(j + 3 < NQ)
                    def _():
                        pltpu.async_copy(tbl.at[srcv.at[j + 3]], rows1, sem1)

                    return carry

                lax.fori_loop(0, NQ // 2, body, 0)
            plsc.subcore_barrier()
            pltpu.sync_copy(acc.at[pl.ds(s * SLAB, SLAB)],
                            out_hbm.at[pl.ds((p * 2 + c) * NP + s * SLAB, SLAB)])
            plsc.subcore_barrier()

    return k(*tables, src2d, dst2d, zeros).reshape(nt * 2, NP, 128)


def _stats_update(st_ref, v, g):
    rows = g * BLK + lax.broadcasted_iota(jnp.int32, (BLK, 1), 0)
    m = (rows < N).astype(jnp.float32)
    vm = v * m
    s0 = jnp.sum(vm, axis=0)[None, :]
    s1 = jnp.sum(vm * v, axis=0)[None, :]
    upd = jnp.concatenate([s0, s1, jnp.zeros((6, v.shape[1]), jnp.float32)], 0)

    @pl.when(g == 0)
    def _():
        st_ref[...] = upd

    @pl.when(g > 0)
    def _():
        st_ref[...] = st_ref[...] + upd


def _mlp(u, w1_ref, b1_ref, w2_ref, b2_ref):
    t = jnp.dot(u, w1_ref[...], preferred_element_type=jnp.float32)
    t = jnp.maximum(t + b1_ref[...], 0.0)
    v = jnp.dot(t, w2_ref[...], preferred_element_type=jnp.float32)
    return v + b2_ref[...]


def _bn_apply(v, st_ref, g_ref, be_ref):
    mu = st_ref[0:1, :] * (1.0 / N)
    var = st_ref[1:2, :] * (1.0 / N) - mu * mu
    inv = lax.rsqrt(var + 1e-5)
    return jnp.maximum((v - mu) * inv * g_ref[...] + be_ref[...], 0.0)


def _fused_layer_body(nin, *refs):
    xs = refs[:nin]
    (p_ref, w1_ref, b1_ref, w2_ref, b2_ref, g_ref, be_ref,
     lo_ref, hi_ref, vs_ref, st_ref) = refs[nin:]
    ph = pl.program_id(0)
    g = pl.program_id(1)

    @pl.when(ph == 0)
    def _():
        if nin == 1:
            u = xs[0][...] + p_ref[0] + p_ref[1]
        else:
            u = jnp.concatenate([xs[0][...] + p_ref[0] + p_ref[1],
                                 xs[1][...] + p_ref[2] + p_ref[3]], axis=1)
        v = _mlp(u, w1_ref, b1_ref, w2_ref, b2_ref)
        vs_ref[pl.ds(g * BLK, BLK), :] = v
        _stats_update(st_ref, v, g)

    @pl.when(ph == 1)
    def _():
        h = _bn_apply(vs_ref[pl.ds(g * BLK, BLK), :], st_ref, g_ref, be_ref)
        lo_ref[...] = h[:, :128]
        hi_ref[...] = h[:, 128:]


def _mlp_final_body(lo_ref, hi_ref, p_ref,
                    w1_ref, b1_ref, w2_ref, b2_ref, o_ref):
    u = jnp.concatenate([lo_ref[...] + p_ref[0] + p_ref[1],
                         hi_ref[...] + p_ref[2] + p_ref[3]], axis=1)
    v = _mlp(u, w1_ref, b1_ref, w2_ref, b2_ref)
    mx = jnp.max(v, axis=1, keepdims=True)
    e = jnp.exp(v - mx)
    lse = jnp.log(jnp.sum(e, axis=1, keepdims=True)) + mx
    o_ref[...] = v - lse


def _row_spec(d):
    return pl.BlockSpec((BLK, d), lambda g: (g, 0))


def _part_spec(n=2):
    return pl.BlockSpec((n, BLK, 128), lambda g: (0, g, 0))


def _full_spec(r, c):
    return pl.BlockSpec((r, c), lambda g: (0, 0))


def _row_spec2(d):
    return pl.BlockSpec((BLK, d), lambda ph, g: (g * (1 - ph), 0))


def _part_spec2(n):
    return pl.BlockSpec((n, BLK, 128), lambda ph, g: (0, g * (1 - ph), 0))


def _out_spec2(d):
    return pl.BlockSpec((BLK, d), lambda ph, g: (g * ph, 0))


def _full_spec2(r, c):
    return pl.BlockSpec((r, c), lambda ph, g: (0, 0))


def _fused_layer(xs, P, W1, b1, W2, b2, gamma, beta):
    nin = len(xs)
    din = DIN if nin == 1 else 128
    return pl.pallas_call(
        functools.partial(_fused_layer_body, nin),
        grid=(2, NB),
        in_specs=[_row_spec2(din)] * nin + [
            _part_spec2(2 * nin), _full_spec2(nin * 128, HID),
            _full_spec2(1, HID), _full_spec2(HID, HID), _full_spec2(1, HID),
            _full_spec2(1, HID), _full_spec2(1, HID)],
        out_specs=[_out_spec2(128), _out_spec2(128)],
        out_shape=[jax.ShapeDtypeStruct((NP, 128), jnp.float32),
                   jax.ShapeDtypeStruct((NP, 128), jnp.float32)],
        scratch_shapes=[pltpu.VMEM((NP, HID), jnp.float32),
                        pltpu.VMEM((8, HID), jnp.float32)],
    )(*xs, P, W1, b1, W2, b2, gamma, beta)


def _mlp_final(lo, hi, P, W1, b1, W2, b2):
    return pl.pallas_call(
        _mlp_final_body,
        grid=(NB,),
        in_specs=[_row_spec(128), _row_spec(128), _part_spec(4),
                  _full_spec(HID, HID), _full_spec(1, HID),
                  _full_spec(HID, DOUT), _full_spec(1, DOUT)],
        out_specs=_row_spec(DOUT),
        out_shape=jax.ShapeDtypeStruct((N, DOUT), jnp.float32),
    )(lo, hi, P, W1, b1, W2, b2)


def kernel(x, edge_index, W1_0, b1_0, W2_0, b2_0, W1_1, b1_1, W2_1, b2_1,
           W1_2, b1_2, W2_2, b2_2, g_0, be_0, g_1, be_1):
    src = edge_index[0]
    dst = edge_index[1]
    zeros = jnp.zeros((NP, 128), jnp.float32)
    xp = jnp.zeros((NP, DIN), jnp.float32).at[:N].set(x)
    ar = jnp.arange(EPAD - E, dtype=jnp.int32)
    src2d = jnp.concatenate([src, ar % N]).reshape(-1, CH)
    dst2d = jnp.concatenate([dst, N + ar % (NP - N)]).reshape(-1, CH)

    r = lambda b: b.reshape(1, -1)

    P = _segsum128((xp,), src2d, dst2d, zeros)
    lo, hi = _fused_layer((xp,), P, W1_0, r(b1_0), W2_0, r(b2_0),
                          r(g_0), r(be_0))

    P = _segsum128((lo, hi), src2d, dst2d, zeros)
    lo, hi = _fused_layer((lo, hi), P, W1_1, r(b1_1), W2_1, r(b2_1),
                          r(g_1), r(be_1))

    P = _segsum128((lo, hi), src2d, dst2d, zeros)
    return _mlp_final(lo, hi, P, W1_2, r(b1_2), W2_2, r(b2_2))

# --- scband reference (transcript-rebuilt; emitter-appended) ---
"""Pipeline reference for scband-gin-69183333204054 (READ-ONLY COPY).

The authoritative reference and input builder live on the scoring server;
editing this copy changes nothing except your own understanding.
"""

import jax, jax.numpy as jnp
import numpy as np

N = 10000
E = 320000
DIN = 128
HID = 256
DOUT = 128


def setup_inputs(seed: int = 0) -> dict:
    key = jax.random.key(seed)
    ks = jax.random.split(key, 24)
    x = jax.random.normal(ks[0], (N, DIN), dtype=jnp.float32)
    edge_index = jax.random.randint(ks[1], (2, E), 0, N, dtype=jnp.int32)

    def lin(k, fi, fo):
        return jax.random.normal(k, (fi, fo), dtype=jnp.float32) / np.sqrt(fi)

    inp = {"x": x, "edge_index": edge_index}
    dims = [(DIN, HID, HID), (HID, HID, HID), (HID, HID, DOUT)]
    i = 2
    for l, (fi, fh, fo) in enumerate(dims):
        inp[f"W1_{l}"] = lin(ks[i], fi, fh); i += 1
        inp[f"b1_{l}"] = jnp.zeros((fh,), jnp.float32)
        inp[f"W2_{l}"] = lin(ks[i], fh, fo); i += 1
        inp[f"b2_{l}"] = jnp.zeros((fo,), jnp.float32)
    for l in range(2):
        inp[f"g_{l}"] = jnp.ones((HID,), jnp.float32)
        inp[f"be_{l}"] = jnp.zeros((HID,), jnp.float32)
    return inp


def _gin_conv(x, src, dst, W1, b1, W2, b2, eps=0.0):
    # GINConv: MLP((1+eps)*x_i + sum_{j in N(i)} x_j); sum-aggregation via scatter-add
    agg = jax.ops.segment_sum(x[src], dst, num_segments=N)
    h = (1.0 + eps) * x + agg
    h = jnp.maximum(h @ W1 + b1, 0.0)
    return h @ W2 + b2


def _bn(x, g, b, eps=1e-5):
    # BatchNorm1d forward with batch statistics (training-mode math)
    mu = x.mean(axis=0)
    var = x.var(axis=0)
    return (x - mu) / jnp.sqrt(var + eps) * g + b


def reference(x, edge_index, W1_0, b1_0, W2_0, b2_0, W1_1, b1_1, W2_1, b2_1, W1_2, b1_2, W2_2, b2_2, g_0, be_0, g_1, be_1):
    src = edge_index[0]
    dst = edge_index[1]
    h = _gin_conv(x, src, dst, W1_0, b1_0, W2_0, b2_0)
    h = jnp.maximum(_bn(h, g_0, be_0), 0.0)
    h = _gin_conv(h, src, dst, W1_1, b1_1, W2_1, b2_1)
    h = jnp.maximum(_bn(h, g_1, be_1), 0.0)
    out = _gin_conv(h, src, dst, W1_2, b1_2, W2_2, b2_2)
    return jax.nn.log_softmax(out, axis=1)

if __name__ == "__main__":
    import jax
    _d = setup_inputs()
    print(jax.jit(kernel)(*tuple(_d.values())))

</pallas_src>

<mosaic_0001>
#map = affine_map<(d0, d1) -> (0, 0)>
module attributes {stable_mosaic.version = 14 : i64} {
  func.func @k(%arg0: i32, %arg1: i32, %arg2: memref<10240x128xf32, #tpu.memory_space<hbm>>, %arg3: memref<2560x128xi32, #tpu.memory_space<hbm>>, %arg4: memref<2560x128xi32, #tpu.memory_space<hbm>>, %arg5: memref<10240x128xf32, #tpu.memory_space<hbm>>, %arg6: memref<20480x128xf32, #tpu.memory_space<hbm>>, %arg7: memref<40x128xi32, #tpu.memory_space<vmem>>, %arg8: memref<40x128xi32, #tpu.memory_space<vmem>>, %arg9: memref<128x128xf32, #tpu.memory_space<vmem>>, %arg10: memref<128x128xf32, #tpu.memory_space<vmem>>, %arg11: memref<10240x128xf32, #tpu.memory_space<vmem_shared>>, %arg12: memref<!tpu.dma_semaphore, #tpu.memory_space<semaphore_mem>>, %arg13: memref<!tpu.dma_semaphore, #tpu.memory_space<semaphore_mem>>, %arg14: memref<!tpu.dma_semaphore, #tpu.memory_space<semaphore_mem>>, %arg15: memref<!tpu.dma_semaphore, #tpu.memory_space<semaphore_mem>>) attributes {dimension_semantics = [#tpu.dimension_semantics<core_parallel>, #tpu.dimension_semantics<subcore_parallel>], iteration_bounds = array<i64: 2, 16>, scalar_prefetch = 0 : i64, scratch_operands = 9 : i64, tpu.core_type = #tpu.core_type<sc_vector_subcore>, window_params = [{transform_indices = #map}, {transform_indices = #map}, {transform_indices = #map}, {transform_indices = #map}, {transform_indices = #map}]} {
    %mul3A = arith.constant 2 : i32
    %mul3A_0 = arith.muli %arg1, %mul3A : i32
    %add3A = arith.addi %mul3A_0, %arg0 : i32
    %mul3A_1 = arith.constant 640 : i32
    %mul3A_2 = arith.muli %arg1, %mul3A_1 : i32
    %mul3A_3 = arith.constant 640 : i32
    %mul3A_4 = arith.muli %arg1, %mul3A_3 : i32
    "tpu.region"() ({
      %run_scoped3A = tpu.sem_alloc : memref<!tpu.dma_semaphore, #tpu.memory_space<semaphore_mem>>
      %dma_start3A_62 = arith.constant 0 : i32
      %dma_start3A_63 = tpu.memref_slice %arg11[%mul3A_4, %dma_start3A_62] : memref<10240x128xf32, #tpu.memory_space<vmem_shared>> -> memref<640x128xf32, #tpu.memory_space<vmem_shared>>
      %dma_start3A_64 = arith.constant 0 : i32
      %dma_start3A_65 = tpu.memref_slice %arg5[%mul3A_2, %dma_start3A_64] : memref<10240x128xf32, #tpu.memory_space<hbm>> -> memref<640x128xf32, #tpu.memory_space<hbm>>
      tpu.enqueue_dma source(%dma_start3A_65 : memref<640x128xf32, #tpu.memory_space<hbm>>) target(%dma_start3A_63 : memref<640x128xf32, #tpu.memory_space<vmem_shared>>) target_semaphore(%run_scoped3A : memref<!tpu.dma_semaphore, #tpu.memory_space<semaphore_mem>>)
      %dma_wait3A = arith.constant 0 : i32
      %dma_wait3A_66 = tpu.memref_slice %arg11[%mul3A_4, %dma_wait3A] : memref<10240x128xf32, #tpu.memory_space<vmem_shared>> -> memref<640x128xf32, #tpu.memory_space<vmem_shared>>
      %dma_wait3A_67 = arith.constant 0 : i32
      %dma_wait3A_68 = tpu.memref_slice %arg5[%mul3A_2, %dma_wait3A_67] : memref<10240x128xf32, #tpu.memory_space<hbm>> -> memref<640x128xf32, #tpu.memory_space<hbm>>
      tpu.wait_dma2 semaphore(%run_scoped3A : memref<!tpu.dma_semaphore, #tpu.memory_space<semaphore_mem>>) src(%dma_wait3A_68 : memref<640x128xf32, #tpu.memory_space<hbm>>) dst(%dma_wait3A_66 : memref<640x128xf32, #tpu.memory_space<vmem_shared>>)
      tpu.yield
    }) : () -> ()
    %barrier3A = arith.constant 0 : index
    tpu.barrier barrier_id(%barrier3A)
    %mul3A_5 = arith.constant 80 : i32
    %mul3A_6 = arith.muli %add3A, %mul3A_5 : i32
    %add3A_7 = arith.constant 0 : i32
    %add3A_8 = arith.addi %mul3A_6, %add3A_7 : i32
    "tpu.region"() ({
      %run_scoped3A = tpu.sem_alloc : memref<!tpu.dma_semaphore, #tpu.memory_space<semaphore_mem>>
      %dma_start3A_62 = arith.constant 0 : i32
      %dma_start3A_63 = tpu.memref_slice %arg3[%add3A_8, %dma_start3A_62] : memref<2560x128xi32, #tpu.memory_space<hbm>> -> memref<40x128xi32, #tpu.memory_space<hbm>>
      %dma_start3A_64 = arith.constant 0 : i32
      %dma_start3A_65 = tpu.memref_slice %arg3[%add3A_8, %dma_start3A_64] : memref<2560x128xi32, #tpu.memory_space<hbm>> -> memref<40x128xi32, #tpu.memory_space<hbm>>
      tpu.enqueue_dma source(%dma_start3A_65 : memref<40x128xi32, #tpu.memory_space<hbm>>) target(%arg7 : memref<40x128xi32, #tpu.memory_space<vmem>>) target_semaphore(%run_scoped3A : memref<!tpu.dma_semaphore, #tpu.memory_space<semaphore_mem>>)
      %dma_wait3A = arith.constant 0 : i32
      %dma_wait3A_66 = tpu.memref_slice %arg3[%add3A_8, %dma_wait3A] : memref<2560x128xi32, #tpu.memory_space<hbm>> -> memref<40x128xi32, #tpu.memory_space<hbm>>
      %dma_wait3A_67 = arith.constant 0 : i32
      %dma_wait3A_68 = tpu.memref_slice %arg3[%add3A_8, %dma_wait3A_67] : memref<2560x128xi32, #tpu.memory_space<hbm>> -> memref<40x128xi32, #tpu.memory_space<hbm>>
      tpu.wait_dma2 semaphore(%run_scoped3A : memref<!tpu.dma_semaphore, #tpu.memory_space<semaphore_mem>>) src(%dma_wait3A_68 : memref<40x128xi32, #tpu.memory_space<hbm>>) dst(%arg7 : memref<40x128xi32, #tpu.memory_space<vmem>>)
      tpu.yield
    }) : () -> ()
    "tpu.region"() ({
      %run_scoped3A = tpu.sem_alloc : memref<!tpu.dma_semaphore, #tpu.memory_space<semaphore_mem>>
      %dma_start3A_62 = arith.constant 0 : i32
      %dma_start3A_63 = tpu.memref_slice %arg4[%add3A_8, %dma_start3A_62] : memref<2560x128xi32, #tpu.memory_space<hbm>> -> memref<40x128xi32, #tpu.memory_space<hbm>>
      %dma_start3A_64 = arith.constant 0 : i32
      %dma_start3A_65 = tpu.memref_slice %arg4[%add3A_8, %dma_start3A_64] : memref<2560x128xi32, #tpu.memory_space<hbm>> -> memref<40x128xi32, #tpu.memory_space<hbm>>
      tpu.enqueue_dma source(%dma_start3A_65 : memref<40x128xi32, #tpu.memory_space<hbm>>) target(%arg8 : memref<40x128xi32, #tpu.memory_space<vmem>>) target_semaphore(%run_scoped3A : memref<!tpu.dma_semaphore, #tpu.memory_space<semaphore_mem>>)
      %dma_wait3A = arith.constant 0 : i32
      %dma_wait3A_66 = tpu.memref_slice %arg4[%add3A_8, %dma_wait3A] : memref<2560x128xi32, #tpu.memory_space<hbm>> -> memref<40x128xi32, #tpu.memory_space<hbm>>
      %dma_wait3A_67 = arith.constant 0 : i32
      %dma_wait3A_68 = tpu.memref_slice %arg4[%add3A_8, %dma_wait3A_67] : memref<2560x128xi32, #tpu.memory_space<hbm>> -> memref<40x128xi32, #tpu.memory_space<hbm>>
      tpu.wait_dma2 semaphore(%run_scoped3A : memref<!tpu.dma_semaphore, #tpu.memory_space<semaphore_mem>>) src(%dma_wait3A_68 : memref<40x128xi32, #tpu.memory_space<hbm>>) dst(%arg8 : memref<40x128xi32, #tpu.memory_space<vmem>>)
      tpu.yield
    }) : () -> ()
    %dma_start3A = arith.constant 0 : i32
    %dma_start3A_9 = arith.constant 0 : i32
    %dma_start3A_10 = tpu.memref_slice %arg7[%dma_start3A, %dma_start3A_9] : memref<40x128xi32, #tpu.memory_space<vmem>> -> memref<1x128xi32, #tpu.memory_space<vmem>>
    %dma_start3A_11 = tpu.memref_squeeze %dma_start3A_10 : memref<1x128xi32, #tpu.memory_space<vmem>> -> memref<128xi32, #tpu.memory_space<vmem>>
    %dma_start3A_12 = arith.constant 0 : i32
    %dma_start3A_13 = arith.constant 0 : i32
    %dma_start3A_14 = tpu.memref_slice %arg2[%dma_start3A_12, %dma_start3A_13] : memref<10240x128xf32, #tpu.memory_space<hbm>> -> memref<10240x128xf32, #tpu.memory_space<hbm>>
    tpu.enqueue_indirect_dma source(%dma_start3A_14 : memref<10240x128xf32, #tpu.memory_space<hbm>>) target(%arg9 : memref<128x128xf32, #tpu.memory_space<vmem>>) offsets(%dma_start3A_11 : memref<128xi32, #tpu.memory_space<vmem>>) semaphore(%arg12 : memref<!tpu.dma_semaphore, #tpu.memory_space<semaphore_mem>>)
    %dma_start3A_15 = arith.constant 1 : i32
    %dma_start3A_16 = arith.constant 0 : i32
    %dma_start3A_17 = tpu.memref_slice %arg7[%dma_start3A_15, %dma_start3A_16] : memref<40x128xi32, #tpu.memory_space<vmem>> -> memref<1x128xi32, #tpu.memory_space<vmem>>
    %dma_start3A_18 = tpu.memref_squeeze %dma_start3A_17 : memref<1x128xi32, #tpu.memory_space<vmem>> -> memref<128xi32, #tpu.memory_space<vmem>>
    %dma_start3A_19 = arith.constant 0 : i32
    %dma_start3A_20 = arith.constant 0 : i32
    %dma_start3A_21 = tpu.memref_slice %arg2[%dma_start3A_19, %dma_start3A_20] : memref<10240x128xf32, #tpu.memory_space<hbm>> -> memref<10240x128xf32, #tpu.memory_space<hbm>>
    tpu.enqueue_indirect_dma source(%dma_start3A_21 : memref<10240x128xf32, #tpu.memory_space<hbm>>) target(%arg10 : memref<128x128xf32, #tpu.memory_space<vmem>>) offsets(%dma_start3A_18 : memref<128xi32, #tpu.memory_space<vmem>>) semaphore(%arg13 : memref<!tpu.dma_semaphore, #tpu.memory_space<semaphore_mem>>)
    %scan3A = arith.constant 0 : i32
    %scan3A_22 = arith.constant 0 : i32
    %scan3A_23 = arith.constant 20 : i32
    %scan3A_24 = arith.addi %scan3A_22, %scan3A_23 : i32
    %scan3A_25 = arith.constant 1 : i32
    scf.for %scan3A_62 = %scan3A_22 to %scan3A_24 step %scan3A_25  : i32 {
      %mul3A_63 = arith.constant 2 : i32
      %mul3A_64 = arith.muli %scan3A_62, %mul3A_63 : i32
      %dma_wait3A = arith.constant 0 : i32
      %dma_wait3A_65 = arith.constant 0 : i32
      %dma_wait3A_66 = tpu.memref_slice %arg2[%dma_wait3A, %dma_wait3A_65] : memref<10240x128xf32, #tpu.memory_space<hbm>> -> memref<128x128xf32, #tpu.memory_space<hbm>>
      %dma_wait3A_67 = arith.constant 0 : i32
      %dma_wait3A_68 = arith.constant 0 : i32
      %dma_wait3A_69 = tpu.memref_slice %arg2[%dma_wait3A_67, %dma_wait3A_68] : memref<10240x128xf32, #tpu.memory_space<hbm>> -> memref<128x128xf32, #tpu.memory_space<hbm>>
      tpu.wait_dma2 semaphore(%arg12 : memref<!tpu.dma_semaphore, #tpu.memory_space<semaphore_mem>>) src(%dma_wait3A_69 : memref<128x128xf32, #tpu.memory_space<hbm>>) dst(%arg9 : memref<128x128xf32, #tpu.memory_space<vmem>>)
      %dma_start3A_70 = arith.constant 0 : i32
      %dma_start3A_71 = tpu.memref_slice %arg8[%mul3A_64, %dma_start3A_70] : memref<40x128xi32, #tpu.memory_space<vmem>> -> memref<1x128xi32, #tpu.memory_space<vmem>>
      %dma_start3A_72 = tpu.memref_squeeze %dma_start3A_71 : memref<1x128xi32, #tpu.memory_space<vmem>> -> memref<128xi32, #tpu.memory_space<vmem>>
      %dma_start3A_73 = arith.constant 0 : i32
      %dma_start3A_74 = arith.constant 0 : i32
      %dma_start3A_75 = tpu.memref_slice %arg11[%dma_start3A_73, %dma_start3A_74] : memref<10240x128xf32, #tpu.memory_space<vmem_shared>> -> memref<10240x128xf32, #tpu.memory_space<vmem_shared>>
      tpu.enqueue_indirect_dma source(%arg9 : memref<128x128xf32, #tpu.memory_space<vmem>>) target(%dma_start3A_75 : memref<10240x128xf32, #tpu.memory_space<vmem_shared>>) offsets(%dma_start3A_72 : memref<128xi32, #tpu.memory_space<vmem>>) semaphore(%arg14 : memref<!tpu.dma_semaphore, #tpu.memory_space<semaphore_mem>>) {add = true}
      %dma_wait3A_76 = arith.constant 0 : i32
      %dma_wait3A_77 = arith.constant 0 : i32
      %dma_wait3A_78 = tpu.memref_slice %arg2[%dma_wait3A_76, %dma_wait3A_77] : memref<10240x128xf32, #tpu.memory_space<hbm>> -> memref<128x128xf32, #tpu.memory_space<hbm>>
      %dma_wait3A_79 = arith.constant 0 : i32
      %dma_wait3A_80 = arith.constant 0 : i32
      %dma_wait3A_81 = tpu.memref_slice %arg2[%dma_wait3A_79, %dma_wait3A_80] : memref<10240x128xf32, #tpu.memory_space<hbm>> -> memref<128x128xf32, #tpu.memory_space<hbm>>
      tpu.wait_dma2 semaphore(%arg13 : memref<!tpu.dma_semaphore, #tpu.memory_space<semaphore_mem>>) src(%dma_wait3A_81 : memref<128x128xf32, #tpu.memory_space<hbm>>) dst(%arg10 : memref<128x128xf32, #tpu.memory_space<vmem>>)
      %add3A_82 = arith.constant 1 : i32
      %add3A_83 = arith.addi %mul3A_64, %add3A_82 : i32
      %dma_start3A_84 = arith.constant 0 : i32
      %dma_start3A_85 = tpu.memref_slice %arg8[%add3A_83, %dma_start3A_84] : memref<40x128xi32, #tpu.memory_space<vmem>> -> memref<1x128xi32, #tpu.memory_space<vmem>>
      %dma_start3A_86 = tpu.memref_squeeze %dma_start3A_85 : memref<1x128xi32, #tpu.memory_space<vmem>> -> memref<128xi32, #tpu.memory_space<vmem>>
      %dma_start3A_87 = arith.constant 0 : i32
      %dma_start3A_88 = arith.constant 0 : i32
      %dma_start3A_89 = tpu.memref_slice %arg11[%dma_start3A_87, %dma_start3A_88] : memref<10240x128xf32, #tpu.memory_space<vmem_shared>> -> memref<10240x128xf32, #tpu.memory_space<vmem_shared>>
      tpu.enqueue_indirect_dma source(%arg10 : memref<128x128xf32, #tpu.memory_space<vmem>>) target(%dma_start3A_89 : memref<10240x128xf32, #tpu.memory_space<vmem_shared>>) offsets(%dma_start3A_86 : memref<128xi32, #tpu.memory_space<vmem>>) semaphore(%arg15 : memref<!tpu.dma_semaphore, #tpu.memory_space<semaphore_mem>>) {add = true}
      %dma_wait3A_90 = arith.constant 0 : i32
      %dma_wait3A_91 = tpu.memref_slice %arg8[%mul3A_64, %dma_wait3A_90] : memref<40x128xi32, #tpu.memory_space<vmem>> -> memref<1x128xi32, #tpu.memory_space<vmem>>
      %dma_wait3A_92 = tpu.memref_squeeze %dma_wait3A_91 : memref<1x128xi32, #tpu.memory_space<vmem>> -> memref<128xi32, #tpu.memory_space<vmem>>
      %dma_wait3A_93 = arith.constant 0 : i32
      %dma_wait3A_94 = arith.constant 0 : i32
      %dma_wait3A_95 = tpu.memref_slice %arg11[%dma_wait3A_93, %dma_wait3A_94] : memref<10240x128xf32, #tpu.memory_space<vmem_shared>> -> memref<10240x128xf32, #tpu.memory_space<vmem_shared>>
      tpu.wait_indirect_dma semaphore(%arg14 : memref<!tpu.dma_semaphore, #tpu.memory_space<semaphore_mem>>) src(%arg9 : memref<128x128xf32, #tpu.memory_space<vmem>>) dst(%dma_wait3A_95 : memref<10240x128xf32, #tpu.memory_space<vmem_shared>>)
      %add3A_96 = arith.constant 2 : i32
      %add3A_97 = arith.addi %mul3A_64, %add3A_96 : i32
      %lt3A = arith.constant 40 : i32
      %lt3A_98 = arith.cmpi slt, %add3A_97, %lt3A : i32
      %convert_element_type3A = arith.extui %lt3A_98 : i1 to i32
      %cond3A = arith.constant 0 : i32
      %cond3A_99 = arith.cmpi ne, %convert_element_type3A, %cond3A : i32
      scf.if %cond3A_99 {
        %add3A_115 = arith.constant 2 : i32
        %add3A_116 = arith.addi %mul3A_64, %add3A_115 : i32
        %dma_start3A_117 = arith.constant 0 : i32
        %dma_start3A_118 = tpu.memref_slice %arg7[%add3A_116, %dma_start3A_117] : memref<40x128xi32, #tpu.memory_space<vmem>> -> memref<1x128xi32, #tpu.memory_space<vmem>>
        %dma_start3A_119 = tpu.memref_squeeze %dma_start3A_118 : memref<1x128xi32, #tpu.memory_space<vmem>> -> memref<128xi32, #tpu.memory_space<vmem>>
        %dma_start3A_120 = arith.constant 0 : i32
        %dma_start3A_121 = arith.constant 0 : i32
        %dma_start3A_122 = tpu.memref_slice %arg2[%dma_start3A_120, %dma_start3A_121] : memref<10240x128xf32, #tpu.memory_space<hbm>> -> memref<10240x128xf32, #tpu.memory_space<hbm>>
        tpu.enqueue_indirect_dma source(%dma_start3A_122 : memref<10240x128xf32, #tpu.memory_space<hbm>>) target(%arg9 : memref<128x128xf32, #tpu.memory_space<vmem>>) offsets(%dma_start3A_119 : memref<128xi32, #tpu.memory_space<vmem>>) semaphore(%arg12 : memref<!tpu.dma_semaphore, #tpu.memory_space<semaphore_mem>>)
      } else {
      }
      %add3A_100 = arith.constant 1 : i32
      %add3A_101 = arith.addi %mul3A_64, %add3A_100 : i32
      %dma_wait3A_102 = arith.constant 0 : i32
      %dma_wait3A_103 = tpu.memref_slice %arg8[%add3A_101, %dma_wait3A_102] : memref<40x128xi32, #tpu.memory_space<vmem>> -> memref<1x128xi32, #tpu.memory_space<vmem>>
      %dma_wait3A_104 = tpu.memref_squeeze %dma_wait3A_103 : memref<1x128xi32, #tpu.memory_space<vmem>> -> memref<128xi32, #tpu.memory_space<vmem>>
      %dma_wait3A_105 = arith.constant 0 : i32
      %dma_wait3A_106 = arith.constant 0 : i32
      %dma_wait3A_107 = tpu.memref_slice %arg11[%dma_wait3A_105, %dma_wait3A_106] : memref<10240x128xf32, #tpu.memory_space<vmem_shared>> -> memref<10240x128xf32, #tpu.memory_space<vmem_shared>>
      tpu.wait_indirect_dma semaphore(%arg15 : memref<!tpu.dma_semaphore, #tpu.memory_space<semaphore_mem>>) src(%arg10 : memref<128x128xf32, #tpu.memory_space<vmem>>) dst(%dma_wait3A_107 : memref<10240x128xf32, #tpu.memory_space<vmem_shared>>)
      %add3A_108 = arith.constant 3 : i32
      %add3A_109 = arith.addi %mul3A_64, %add3A_108 : i32
      %lt3A_110 = arith.constant 40 : i32
      %lt3A_111 = arith.cmpi slt, %add3A_109, %lt3A_110 : i32
      %convert_element_type3A_112 = arith.extui %lt3A_111 : i1 to i32
      %cond3A_113 = arith.constant 0 : i32
      %cond3A_114 = arith.cmpi ne, %convert_element_type3A_112, %cond3A_113 : i32
      scf.if %cond3A_114 {
        %add3A_115 = arith.constant 3 : i32
        %add3A_116 = arith.addi %mul3A_64, %add3A_115 : i32
        %dma_start3A_117 = arith.constant 0 : i32
        %dma_start3A_118 = tpu.memref_slice %arg7[%add3A_116, %dma_start3A_117] : memref<40x128xi32, #tpu.memory_space<vmem>> -> memref<1x128xi32, #tpu.memory_space<vmem>>
        %dma_start3A_119 = tpu.memref_squeeze %dma_start3A_118 : memref<1x128xi32, #tpu.memory_space<vmem>> -> memref<128xi32, #tpu.memory_space<vmem>>
        %dma_start3A_120 = arith.constant 0 : i32
        %dma_start3A_121 = arith.constant 0 : i32
        %dma_start3A_122 = tpu.memref_slice %arg2[%dma_start3A_120, %dma_start3A_121] : memref<10240x128xf32, #tpu.memory_space<hbm>> -> memref<10240x128xf32, #tpu.memory_space<hbm>>
        tpu.enqueue_indirect_dma source(%dma_start3A_122 : memref<10240x128xf32, #tpu.memory_space<hbm>>) target(%arg10 : memref<128x128xf32, #tpu.memory_space<vmem>>) offsets(%dma_start3A_119 : memref<128xi32, #tpu.memory_space<vmem>>) semaphore(%arg13 : memref<!tpu.dma_semaphore, #tpu.memory_space<semaphore_mem>>)
      } else {
      }
    }
    %scan3A_26 = arith.constant 20 : i32
    %mul3A_27 = arith.constant 80 : i32
    %mul3A_28 = arith.muli %add3A, %mul3A_27 : i32
    %add3A_29 = arith.constant 40 : i32
    %add3A_30 = arith.addi %mul3A_28, %add3A_29 : i32
    "tpu.region"() ({
      %run_scoped3A = tpu.sem_alloc : memref<!tpu.dma_semaphore, #tpu.memory_space<semaphore_mem>>
      %dma_start3A_62 = arith.constant 0 : i32
      %dma_start3A_63 = tpu.memref_slice %arg3[%add3A_30, %dma_start3A_62] : memref<2560x128xi32, #tpu.memory_space<hbm>> -> memref<40x128xi32, #tpu.memory_space<hbm>>
      %dma_start3A_64 = arith.constant 0 : i32
      %dma_start3A_65 = tpu.memref_slice %arg3[%add3A_30, %dma_start3A_64] : memref<2560x128xi32, #tpu.memory_space<hbm>> -> memref<40x128xi32, #tpu.memory_space<hbm>>
      tpu.enqueue_dma source(%dma_start3A_65 : memref<40x128xi32, #tpu.memory_space<hbm>>) target(%arg7 : memref<40x128xi32, #tpu.memory_space<vmem>>) target_semaphore(%run_scoped3A : memref<!tpu.dma_semaphore, #tpu.memory_space<semaphore_mem>>)
      %dma_wait3A = arith.constant 0 : i32
      %dma_wait3A_66 = tpu.memref_slice %arg3[%add3A_30, %dma_wait3A] : memref<2560x128xi32, #tpu.memory_space<hbm>> -> memref<40x128xi32, #tpu.memory_space<hbm>>
      %dma_wait3A_67 = arith.constant 0 : i32
      %dma_wait3A_68 = tpu.memref_slice %arg3[%add3A_30, %dma_wait3A_67] : memref<2560x128xi32, #tpu.memory_space<hbm>> -> memref<40x128xi32, #tpu.memory_space<hbm>>
      tpu.wait_dma2 semaphore(%run_scoped3A : memref<!tpu.dma_semaphore, #tpu.memory_space<semaphore_mem>>) src(%dma_wait3A_68 : memref<40x128xi32, #tpu.memory_space<hbm>>) dst(%arg7 : memref<40x128xi32, #tpu.memory_space<vmem>>)
      tpu.yield
    }) : () -> ()
    "tpu.region"() ({
      %run_scoped3A = tpu.sem_alloc : memref<!tpu.dma_semaphore, #tpu.memory_space<semaphore_mem>>
      %dma_start3A_62 = arith.constant 0 : i32
      %dma_start3A_63 = tpu.memref_slice %arg4[%add3A_30, %dma_start3A_62] : memref<2560x128xi32, #tpu.memory_space<hbm>> -> memref<40x128xi32, #tpu.memory_space<hbm>>
      %dma_start3A_64 = arith.constant 0 : i32
      %dma_start3A_65 = tpu.memref_slice %arg4[%add3A_30, %dma_start3A_64] : memref<2560x128xi32, #tpu.memory_space<hbm>> -> memref<40x128xi32, #tpu.memory_space<hbm>>
      tpu.enqueue_dma source(%dma_start3A_65 : memref<40x128xi32, #tpu.memory_space<hbm>>) target(%arg8 : memref<40x128xi32, #tpu.memory_space<vmem>>) target_semaphore(%run_scoped3A : memref<!tpu.dma_semaphore, #tpu.memory_space<semaphore_mem>>)
      %dma_wait3A = arith.constant 0 : i32
      %dma_wait3A_66 = tpu.memref_slice %arg4[%add3A_30, %dma_wait3A] : memref<2560x128xi32, #tpu.memory_space<hbm>> -> memref<40x128xi32, #tpu.memory_space<hbm>>
      %dma_wait3A_67 = arith.constant 0 : i32
      %dma_wait3A_68 = tpu.memref_slice %arg4[%add3A_30, %dma_wait3A_67] : memref<2560x128xi32, #tpu.memory_space<hbm>> -> memref<40x128xi32, #tpu.memory_space<hbm>>
      tpu.wait_dma2 semaphore(%run_scoped3A : memref<!tpu.dma_semaphore, #tpu.memory_space<semaphore_mem>>) src(%dma_wait3A_68 : memref<40x128xi32, #tpu.memory_space<hbm>>) dst(%arg8 : memref<40x128xi32, #tpu.memory_space<vmem>>)
      tpu.yield
    }) : () -> ()
    %dma_start3A_31 = arith.constant 0 : i32
    %dma_start3A_32 = arith.constant 0 : i32
    %dma_start3A_33 = tpu.memref_slice %arg7[%dma_start3A_31, %dma_start3A_32] : memref<40x128xi32, #tpu.memory_space<vmem>> -> memref<1x128xi32, #tpu.memory_space<vmem>>
    %dma_start3A_34 = tpu.memref_squeeze %dma_start3A_33 : memref<1x128xi32, #tpu.memory_space<vmem>> -> memref<128xi32, #tpu.memory_space<vmem>>
    %dma_start3A_35 = arith.constant 0 : i32
    %dma_start3A_36 = arith.constant 0 : i32
    %dma_start3A_37 = tpu.memref_slice %arg2[%dma_start3A_35, %dma_start3A_36] : memref<10240x128xf32, #tpu.memory_space<hbm>> -> memref<10240x128xf32, #tpu.memory_space<hbm>>
    tpu.enqueue_indirect_dma source(%dma_start3A_37 : memref<10240x128xf32, #tpu.memory_space<hbm>>) target(%arg9 : memref<128x128xf32, #tpu.memory_space<vmem>>) offsets(%dma_start3A_34 : memref<128xi32, #tpu.memory_space<vmem>>) semaphore(%arg12 : memref<!tpu.dma_semaphore, #tpu.memory_space<semaphore_mem>>)
    %dma_start3A_38 = arith.constant 1 : i32
    %dma_start3A_39 = arith.constant 0 : i32
    %dma_start3A_40 = tpu.memref_slice %arg7[%dma_start3A_38, %dma_start3A_39] : memref<40x128xi32, #tpu.memory_space<vmem>> -> memref<1x128xi32, #tpu.memory_space<vmem>>
    %dma_start3A_41 = tpu.memref_squeeze %dma_start3A_40 : memref<1x128xi32, #tpu.memory_space<vmem>> -> memref<128xi32, #tpu.memory_space<vmem>>
    %dma_start3A_42 = arith.constant 0 : i32
    %dma_start3A_43 = arith.constant 0 : i32
    %dma_start3A_44 = tpu.memref_slice %arg2[%dma_start3A_42, %dma_start3A_43] : memref<10240x128xf32, #tpu.memory_space<hbm>> -> memref<10240x128xf32, #tpu.memory_space<hbm>>
    tpu.enqueue_indirect_dma source(%dma_start3A_44 : memref<10240x128xf32, #tpu.memory_space<hbm>>) target(%arg10 : memref<128x128xf32, #tpu.memory_space<vmem>>) offsets(%dma_start3A_41 : memref<128xi32, #tpu.memory_space<vmem>>) semaphore(%arg13 : memref<!tpu.dma_semaphore, #tpu.memory_space<semaphore_mem>>)
    %scan3A_45 = arith.constant 0 : i32
    %scan3A_46 = arith.constant 0 : i32
    %scan3A_47 = arith.constant 20 : i32
    %scan3A_48 = arith.addi %scan3A_46, %scan3A_47 : i32
    %scan3A_49 = arith.constant 1 : i32
    scf.for %scan3A_62 = %scan3A_46 to %scan3A_48 step %scan3A_49  : i32 {
      %mul3A_63 = arith.constant 2 : i32
      %mul3A_64 = arith.muli %scan3A_62, %mul3A_63 : i32
      %dma_wait3A = arith.constant 0 : i32
      %dma_wait3A_65 = arith.constant 0 : i32
      %dma_wait3A_66 = tpu.memref_slice %arg2[%dma_wait3A, %dma_wait3A_65] : memref<10240x128xf32, #tpu.memory_space<hbm>> -> memref<128x128xf32, #tpu.memory_space<hbm>>
      %dma_wait3A_67 = arith.constant 0 : i32
      %dma_wait3A_68 = arith.constant 0 : i32
      %dma_wait3A_69 = tpu.memref_slice %arg2[%dma_wait3A_67, %dma_wait3A_68] : memref<10240x128xf32, #tpu.memory_space<hbm>> -> memref<128x128xf32, #tpu.memory_space<hbm>>
      tpu.wait_dma2 semaphore(%arg12 : memref<!tpu.dma_semaphore, #tpu.memory_space<semaphore_mem>>) src(%dma_wait3A_69 : memref<128x128xf32, #tpu.memory_space<hbm>>) dst(%arg9 : memref<128x128xf32, #tpu.memory_space<vmem>>)
      %dma_start3A_70 = arith.constant 0 : i32
      %dma_start3A_71 = tpu.memref_slice %arg8[%mul3A_64, %dma_start3A_70] : memref<40x128xi32, #tpu.memory_space<vmem>> -> memref<1x128xi32, #tpu.memory_space<vmem>>
      %dma_start3A_72 = tpu.memref_squeeze %dma_start3A_71 : memref<1x128xi32, #tpu.memory_space<vmem>> -> memref<128xi32, #tpu.memory_space<vmem>>
      %dma_start3A_73 = arith.constant 0 : i32
      %dma_start3A_74 = arith.constant 0 : i32
      %dma_start3A_75 = tpu.memref_slice %arg11[%dma_start3A_73, %dma_start3A_74] : memref<10240x128xf32, #tpu.memory_space<vmem_shared>> -> memref<10240x128xf32, #tpu.memory_space<vmem_shared>>
      tpu.enqueue_indirect_dma source(%arg9 : memref<128x128xf32, #tpu.memory_space<vmem>>) target(%dma_start3A_75 : memref<10240x128xf32, #tpu.memory_space<vmem_shared>>) offsets(%dma_start3A_72 : memref<128xi32, #tpu.memory_space<vmem>>) semaphore(%arg14 : memref<!tpu.dma_semaphore, #tpu.memory_space<semaphore_mem>>) {add = true}
      %dma_wait3A_76 = arith.constant 0 : i32
      %dma_wait3A_77 = arith.constant 0 : i32
      %dma_wait3A_78 = tpu.memref_slice %arg2[%dma_wait3A_76, %dma_wait3A_77] : memref<10240x128xf32, #tpu.memory_space<hbm>> -> memref<128x128xf32, #tpu.memory_space<hbm>>
      %dma_wait3A_79 = arith.constant 0 : i32
      %dma_wait3A_80 = arith.constant 0 : i32
      %dma_wait3A_81 = tpu.memref_slice %arg2[%dma_wait3A_79, %dma_wait3A_80] : memref<10240x128xf32, #tpu.memory_space<hbm>> -> memref<128x128xf32, #tpu.memory_space<hbm>>
      tpu.wait_dma2 semaphore(%arg13 : memref<!tpu.dma_semaphore, #tpu.memory_space<semaphore_mem>>) src(%dma_wait3A_81 : memref<128x128xf32, #tpu.memory_space<hbm>>) dst(%arg10 : memref<128x128xf32, #tpu.memory_space<vmem>>)
      %add3A_82 = arith.constant 1 : i32
      %add3A_83 = arith.addi %mul3A_64, %add3A_82 : i32
      %dma_start3A_84 = arith.constant 0 : i32
      %dma_start3A_85 = tpu.memref_slice %arg8[%add3A_83, %dma_start3A_84] : memref<40x128xi32, #tpu.memory_space<vmem>> -> memref<1x128xi32, #tpu.memory_space<vmem>>
      %dma_start3A_86 = tpu.memref_squeeze %dma_start3A_85 : memref<1x128xi32, #tpu.memory_space<vmem>> -> memref<128xi32, #tpu.memory_space<vmem>>
      %dma_start3A_87 = arith.constant 0 : i32
      %dma_start3A_88 = arith.constant 0 : i32
      %dma_start3A_89 = tpu.memref_slice %arg11[%dma_start3A_87, %dma_start3A_88] : memref<10240x128xf32, #tpu.memory_space<vmem_shared>> -> memref<10240x128xf32, #tpu.memory_space<vmem_shared>>
      tpu.enqueue_indirect_dma source(%arg10 : memref<128x128xf32, #tpu.memory_space<vmem>>) target(%dma_start3A_89 : memref<10240x128xf32, #tpu.memory_space<vmem_shared>>) offsets(%dma_start3A_86 : memref<128xi32, #tpu.memory_space<vmem>>) semaphore(%arg15 : memref<!tpu.dma_semaphore, #tpu.memory_space<semaphore_mem>>) {add = true}
      %dma_wait3A_90 = arith.constant 0 : i32
      %dma_wait3A_91 = tpu.memref_slice %arg8[%mul3A_64, %dma_wait3A_90] : memref<40x128xi32, #tpu.memory_space<vmem>> -> memref<1x128xi32, #tpu.memory_space<vmem>>
      %dma_wait3A_92 = tpu.memref_squeeze %dma_wait3A_91 : memref<1x128xi32, #tpu.memory_space<vmem>> -> memref<128xi32, #tpu.memory_space<vmem>>
      %dma_wait3A_93 = arith.constant 0 : i32
      %dma_wait3A_94 = arith.constant 0 : i32
      %dma_wait3A_95 = tpu.memref_slice %arg11[%dma_wait3A_93, %dma_wait3A_94] : memref<10240x128xf32, #tpu.memory_space<vmem_shared>> -> memref<10240x128xf32, #tpu.memory_space<vmem_shared>>
      tpu.wait_indirect_dma semaphore(%arg14 : memref<!tpu.dma_semaphore, #tpu.memory_space<semaphore_mem>>) src(%arg9 : memref<128x128xf32, #tpu.memory_space<vmem>>) dst(%dma_wait3A_95 : memref<10240x128xf32, #tpu.memory_space<vmem_shared>>)
      %add3A_96 = arith.constant 2 : i32
      %add3A_97 = arith.addi %mul3A_64, %add3A_96 : i32
      %lt3A = arith.constant 40 : i32
      %lt3A_98 = arith.cmpi slt, %add3A_97, %lt3A : i32
      %convert_element_type3A = arith.extui %lt3A_98 : i1 to i32
      %cond3A = arith.constant 0 : i32
      %cond3A_99 = arith.cmpi ne, %convert_element_type3A, %cond3A : i32
      scf.if %cond3A_99 {
        %add3A_115 = arith.constant 2 : i32
        %add3A_116 = arith.addi %mul3A_64, %add3A_115 : i32
        %dma_start3A_117 = arith.constant 0 : i32
        %dma_start3A_118 = tpu.memref_slice %arg7[%add3A_116, %dma_start3A_117] : memref<40x128xi32, #tpu.memory_space<vmem>> -> memref<1x128xi32, #tpu.memory_space<vmem>>
        %dma_start3A_119 = tpu.memref_squeeze %dma_start3A_118 : memref<1x128xi32, #tpu.memory_space<vmem>> -> memref<128xi32, #tpu.memory_space<vmem>>
        %dma_start3A_120 = arith.constant 0 : i32
        %dma_start3A_121 = arith.constant 0 : i32
        %dma_start3A_122 = tpu.memref_slice %arg2[%dma_start3A_120, %dma_start3A_121] : memref<10240x128xf32, #tpu.memory_space<hbm>> -> memref<10240x128xf32, #tpu.memory_space<hbm>>
        tpu.enqueue_indirect_dma source(%dma_start3A_122 : memref<10240x128xf32, #tpu.memory_space<hbm>>) target(%arg9 : memref<128x128xf32, #tpu.memory_space<vmem>>) offsets(%dma_start3A_119 : memref<128xi32, #tpu.memory_space<vmem>>) semaphore(%arg12 : memref<!tpu.dma_semaphore, #tpu.memory_space<semaphore_mem>>)
      } else {
      }
      %add3A_100 = arith.constant 1 : i32
      %add3A_101 = arith.addi %mul3A_64, %add3A_100 : i32
      %dma_wait3A_102 = arith.constant 0 : i32
      %dma_wait3A_103 = tpu.memref_slice %arg8[%add3A_101, %dma_wait3A_102] : memref<40x128xi32, #tpu.memory_space<vmem>> -> memref<1x128xi32, #tpu.memory_space<vmem>>
      %dma_wait3A_104 = tpu.memref_squeeze %dma_wait3A_103 : memref<1x128xi32, #tpu.memory_space<vmem>> -> memref<128xi32, #tpu.memory_space<vmem>>
      %dma_wait3A_105 = arith.constant 0 : i32
      %dma_wait3A_106 = arith.constant 0 : i32
      %dma_wait3A_107 = tpu.memref_slice %arg11[%dma_wait3A_105, %dma_wait3A_106] : memref<10240x128xf32, #tpu.memory_space<vmem_shared>> -> memref<10240x128xf32, #tpu.memory_space<vmem_shared>>
      tpu.wait_indirect_dma semaphore(%arg15 : memref<!tpu.dma_semaphore, #tpu.memory_space<semaphore_mem>>) src(%arg10 : memref<128x128xf32, #tpu.memory_space<vmem>>) dst(%dma_wait3A_107 : memref<10240x128xf32, #tpu.memory_space<vmem_shared>>)
      %add3A_108 = arith.constant 3 : i32
      %add3A_109 = arith.addi %mul3A_64, %add3A_108 : i32
      %lt3A_110 = arith.constant 40 : i32
      %lt3A_111 = arith.cmpi slt, %add3A_109, %lt3A_110 : i32
      %convert_element_type3A_112 = arith.extui %lt3A_111 : i1 to i32
      %cond3A_113 = arith.constant 0 : i32
      %cond3A_114 = arith.cmpi ne, %convert_element_type3A_112, %cond3A_113 : i32
      scf.if %cond3A_114 {
        %add3A_115 = arith.constant 3 : i32
        %add3A_116 = arith.addi %mul3A_64, %add3A_115 : i32
        %dma_start3A_117 = arith.constant 0 : i32
        %dma_start3A_118 = tpu.memref_slice %arg7[%add3A_116, %dma_start3A_117] : memref<40x128xi32, #tpu.memory_space<vmem>> -> memref<1x128xi32, #tpu.memory_space<vmem>>
        %dma_start3A_119 = tpu.memref_squeeze %dma_start3A_118 : memref<1x128xi32, #tpu.memory_space<vmem>> -> memref<128xi32, #tpu.memory_space<vmem>>
        %dma_start3A_120 = arith.constant 0 : i32
        %dma_start3A_121 = arith.constant 0 : i32
        %dma_start3A_122 = tpu.memref_slice %arg2[%dma_start3A_120, %dma_start3A_121] : memref<10240x128xf32, #tpu.memory_space<hbm>> -> memref<10240x128xf32, #tpu.memory_space<hbm>>
        tpu.enqueue_indirect_dma source(%dma_start3A_122 : memref<10240x128xf32, #tpu.memory_space<hbm>>) target(%arg10 : memref<128x128xf32, #tpu.memory_space<vmem>>) offsets(%dma_start3A_119 : memref<128xi32, #tpu.memory_space<vmem>>) semaphore(%arg13 : memref<!tpu.dma_semaphore, #tpu.memory_space<semaphore_mem>>)
      } else {
      }
    }
    %scan3A_50 = arith.constant 20 : i32
    %barrier3A_51 = arith.constant 0 : index
    tpu.barrier barrier_id(%barrier3A_51)
    %mul3A_52 = arith.constant 640 : i32
    %mul3A_53 = arith.muli %arg1, %mul3A_52 : i32
    %add3A_54 = arith.constant 0 : i32
    %add3A_55 = arith.addi %add3A_54, %arg0 : i32
    %mul3A_56 = arith.constant 10240 : i32
    %mul3A_57 = arith.muli %add3A_55, %mul3A_56 : i32
    %mul3A_58 = arith.constant 640 : i32
    %mul3A_59 = arith.muli %arg1, %mul3A_58 : i32
    %add3A_60 = arith.addi %mul3A_57, %mul3A_59 : i32
    "tpu.region"() ({
      %run_scoped3A = tpu.sem_alloc : memref<!tpu.dma_semaphore, #tpu.memory_space<semaphore_mem>>
      %dma_start3A_62 = arith.constant 0 : i32
      %dma_start3A_63 = tpu.memref_slice %arg6[%add3A_60, %dma_start3A_62] : memref<20480x128xf32, #tpu.memory_space<hbm>> -> memref<640x128xf32, #tpu.memory_space<hbm>>
      %dma_start3A_64 = arith.constant 0 : i32
      %dma_start3A_65 = tpu.memref_slice %arg11[%mul3A_53, %dma_start3A_64] : memref<10240x128xf32, #tpu.memory_space<vmem_shared>> -> memref<640x128xf32, #tpu.memory_space<vmem_shared>>
      tpu.enqueue_dma source(%dma_start3A_65 : memref<640x128xf32, #tpu.memory_space<vmem_shared>>) target(%dma_start3A_63 : memref<640x128xf32, #tpu.memory_space<hbm>>) target_semaphore(%run_scoped3A : memref<!tpu.dma_semaphore, #tpu.memory_space<semaphore_mem>>)
      %dma_wait3A = arith.constant 0 : i32
      %dma_wait3A_66 = tpu.memref_slice %arg6[%add3A_60, %dma_wait3A] : memref<20480x128xf32, #tpu.memory_space<hbm>> -> memref<640x128xf32, #tpu.memory_space<hbm>>
      %dma_wait3A_67 = arith.constant 0 : i32
      %dma_wait3A_68 = tpu.memref_slice %arg11[%mul3A_53, %dma_wait3A_67] : memref<10240x128xf32, #tpu.memory_space<vmem_shared>> -> memref<640x128xf32, #tpu.memory_space<vmem_shared>>
      tpu.wait_dma2 semaphore(%run_scoped3A : memref<!tpu.dma_semaphore, #tpu.memory_space<semaphore_mem>>) src(%dma_wait3A_68 : memref<640x128xf32, #tpu.memory_space<vmem_shared>>) dst(%dma_wait3A_66 : memref<640x128xf32, #tpu.memory_space<hbm>>)
      tpu.yield
    }) : () -> ()
    %barrier3A_61 = arith.constant 0 : index
    tpu.barrier barrier_id(%barrier3A_61)
    return
  }
}

#map = affine_map<(d0, d1) -> (0, 0)>
module attributes {stable_mosaic.version = 14 : i64} {
  func.func @k(%arg0: i32, %arg1: i32, %arg2: memref<10240x128xf32, #tpu.memory_space<hbm>>, %arg3: memref<10240x128xf32, #tpu.memory_space<hbm>>, %arg4: memref<2560x128xi32, #tpu.memory_space<hbm>>, %arg5: memref<2560x128xi32, #tpu.memory_space<hbm>>, %arg6: memref<10240x128xf32, #tpu.memory_space<hbm>>, %arg7: memref<40960x128xf32, #tpu.memory_space<hbm>>, %arg8: memref<40x128xi32, #tpu.memory_space<vmem>>, %arg9: memref<40x128xi32, #tpu.memory_space<vmem>>, %arg10: memref<128x128xf32, #tpu.memory_space<vmem>>, %arg11: memref<128x128xf32, #tpu.memory_space<vmem>>, %arg12: memref<10240x128xf32, #tpu.memory_space<vmem_shared>>, %arg13: memref<!tpu.dma_semaphore, #tpu.memory_space<semaphore_mem>>, %arg14: memref<!tpu.dma_semaphore, #tpu.memory_space<semaphore_mem>>, %arg15: memref<!tpu.dma_semaphore, #tpu.memory_space<semaphore_mem>>, %arg16: memref<!tpu.dma_semaphore, #tpu.memory_space<semaphore_mem>>) attributes {dimension_semantics = [#tpu.dimension_semantics<core_parallel>, #tpu.dimension_semantics<subcore_parallel>], iteration_bounds = array<i64: 2, 16>, scalar_prefetch = 0 : i64, scratch_operands = 9 : i64, tpu.core_type = #tpu.core_type<sc_vector_subcore>, window_params = [{transform_indices = #map}, {transform_indices = #map}, {transform_indices = #map}, {transform_indices = #map}, {transform_indices = #map}, {transform_indices = #map}]} {
    %mul3A = arith.constant 2 : i32
    %mul3A_0 = arith.muli %arg1, %mul3A : i32
    %add3A = arith.addi %mul3A_0, %arg0 : i32
    %mul3A_1 = arith.constant 640 : i32
    %mul3A_2 = arith.muli %arg1, %mul3A_1 : i32
    %mul3A_3 = arith.constant 640 : i32
    %mul3A_4 = arith.muli %arg1, %mul3A_3 : i32
    "tpu.region"() ({
      %run_scoped3A = tpu.sem_alloc : memref<!tpu.dma_semaphore, #tpu.memory_space<semaphore_mem>>
      %dma_start3A_126 = arith.constant 0 : i32
      %dma_start3A_127 = tpu.memref_slice %arg12[%mul3A_4, %dma_start3A_126] : memref<10240x128xf32, #tpu.memory_space<vmem_shared>> -> memref<640x128xf32, #tpu.memory_space<vmem_shared>>
      %dma_start3A_128 = arith.constant 0 : i32
      %dma_start3A_129 = tpu.memref_slice %arg6[%mul3A_2, %dma_start3A_128] : memref<10240x128xf32, #tpu.memory_space<hbm>> -> memref<640x128xf32, #tpu.memory_space<hbm>>
      tpu.enqueue_dma source(%dma_start3A_129 : memref<640x128xf32, #tpu.memory_space<hbm>>) target(%dma_start3A_127 : memref<640x128xf32, #tpu.memory_space<vmem_shared>>) target_semaphore(%run_scoped3A : memref<!tpu.dma_semaphore, #tpu.memory_space<semaphore_mem>>)
      %dma_wait3A = arith.constant 0 : i32
      %dma_wait3A_130 = tpu.memref_slice %arg12[%mul3A_4, %dma_wait3A] : memref<10240x128xf32, #tpu.memory_space<vmem_shared>> -> memref<640x128xf32, #tpu.memory_space<vmem_shared>>
      %dma_wait3A_131 = arith.constant 0 : i32
      %dma_wait3A_132 = tpu.memref_slice %arg6[%mul3A_2, %dma_wait3A_131] : memref<10240x128xf32, #tpu.memory_space<hbm>> -> memref<640x128xf32, #tpu.memory_space<hbm>>
      tpu.wait_dma2 semaphore(%run_scoped3A : memref<!tpu.dma_semaphore, #tpu.memory_space<semaphore_mem>>) src(%dma_wait3A_132 : memref<640x128xf32, #tpu.memory_space<hbm>>) dst(%dma_wait3A_130 : memref<640x128xf32, #tpu.memory_space<vmem_shared>>)
      tpu.yield
    }) : () -> ()
    %barrier3A = arith.constant 0 : index
    tpu.barrier barrier_id(%barrier3A)
    %mul3A_5 = arith.constant 80 : i32
    %mul3A_6 = arith.muli %add3A, %mul3A_5 : i32
    %add3A_7 = arith.constant 0 : i32
    %add3A_8 = arith.addi %mul3A_6, %add3A_7 : i32
    "tpu.region"() ({
      %run_scoped3A = tpu.sem_alloc : memref<!tpu.dma_semaphore, #tpu.memory_space<semaphore_mem>>
      %dma_start3A_126 = arith.constant 0 : i32
      %dma_start3A_127 = tpu.memref_slice %arg4[%add3A_8, %dma_start3A_126] : memref<2560x128xi32, #tpu.memory_space<hbm>> -> memref<40x128xi32, #tpu.memory_space<hbm>>
      %dma_start3A_128 = arith.constant 0 : i32
      %dma_start3A_129 = tpu.memref_slice %arg4[%add3A_8, %dma_start3A_128] : memref<2560x128xi32, #tpu.memory_space<hbm>> -> memref<40x128xi32, #tpu.memory_space<hbm>>
      tpu.enqueue_dma source(%dma_start3A_129 : memref<40x128xi32, #tpu.memory_space<hbm>>) target(%arg8 : memref<40x128xi32, #tpu.memory_space<vmem>>) target_semaphore(%run_scoped3A : memref<!tpu.dma_semaphore, #tpu.memory_space<semaphore_mem>>)
      %dma_wait3A = arith.constant 0 : i32
      %dma_wait3A_130 = tpu.memref_slice %arg4[%add3A_8, %dma_wait3A] : memref<2560x128xi32, #tpu.memory_space<hbm>> -> memref<40x128xi32, #tpu.memory_space<hbm>>
      %dma_wait3A_131 = arith.constant 0 : i32
      %dma_wait3A_132 = tpu.memref_slice %arg4[%add3A_8, %dma_wait3A_131] : memref<2560x128xi32, #tpu.memory_space<hbm>> -> memref<40x128xi32, #tpu.memory_space<hbm>>
      tpu.wait_dma2 semaphore(%run_scoped3A : memref<!tpu.dma_semaphore, #tpu.memory_space<semaphore_mem>>) src(%dma_wait3A_132 : memref<40x128xi32, #tpu.memory_space<hbm>>) dst(%arg8 : memref<40x128xi32, #tpu.memory_space<vmem>>)
      tpu.yield
    }) : () -> ()
    "tpu.region"() ({
      %run_scoped3A = tpu.sem_alloc : memref<!tpu.dma_semaphore, #tpu.memory_space<semaphore_mem>>
      %dma_start3A_126 = arith.constant 0 : i32
      %dma_start3A_127 = tpu.memref_slice %arg5[%add3A_8, %dma_start3A_126] : memref<2560x128xi32, #tpu.memory_space<hbm>> -> memref<40x128xi32, #tpu.memory_space<hbm>>
      %dma_start3A_128 = arith.constant 0 : i32
      %dma_start3A_129 = tpu.memref_slice %arg5[%add3A_8, %dma_start3A_128] : memref<2560x128xi32, #tpu.memory_space<hbm>> -> memref<40x128xi32, #tpu.memory_space<hbm>>
      tpu.enqueue_dma source(%dma_start3A_129 : memref<40x128xi32, #tpu.memory_space<hbm>>) target(%arg9 : memref<40x128xi32, #tpu.memory_space<vmem>>) target_semaphore(%run_scoped3A : memref<!tpu.dma_semaphore, #tpu.memory_space<semaphore_mem>>)
      %dma_wait3A = arith.constant 0 : i32
      %dma_wait3A_130 = tpu.memref_slice %arg5[%add3A_8, %dma_wait3A] : memref<2560x128xi32, #tpu.memory_space<hbm>> -> memref<40x128xi32, #tpu.memory_space<hbm>>
      %dma_wait3A_131 = arith.constant 0 : i32
      %dma_wait3A_132 = tpu.memref_slice %arg5[%add3A_8, %dma_wait3A_131] : memref<2560x128xi32, #tpu.memory_space<hbm>> -> memref<40x128xi32, #tpu.memory_space<hbm>>
      tpu.wait_dma2 semaphore(%run_scoped3A : memref<!tpu.dma_semaphore, #tpu.memory_space<semaphore_mem>>) src(%dma_wait3A_132 : memref<40x128xi32, #tpu.memory_space<hbm>>) dst(%arg9 : memref<40x128xi32, #tpu.memory_space<vmem>>)
      tpu.yield
    }) : () -> ()
    %dma_start3A = arith.constant 0 : i32
    %dma_start3A_9 = arith.constant 0 : i32
    %dma_start3A_10 = tpu.memref_slice %arg8[%dma_start3A, %dma_start3A_9] : memref<40x128xi32, #tpu.memory_space<vmem>> -> memref<1x128xi32, #tpu.memory_space<vmem>>
    %dma_start3A_11 = tpu.memref_squeeze %dma_start3A_10 : memref<1x128xi32, #tpu.memory_space<vmem>> -> memref<128xi32, #tpu.memory_space<vmem>>
    %dma_start3A_12 = arith.constant 0 : i32
    %dma_start3A_13 = arith.constant 0 : i32
    %dma_start3A_14 = tpu.memref_slice %arg2[%dma_start3A_12, %dma_start3A_13] : memref<10240x128xf32, #tpu.memory_space<hbm>> -> memref<10240x128xf32, #tpu.memory_space<hbm>>
    tpu.enqueue_indirect_dma source(%dma_start3A_14 : memref<10240x128xf32, #tpu.memory_space<hbm>>) target(%arg10 : memref<128x128xf32, #tpu.memory_space<vmem>>) offsets(%dma_start3A_11 : memref<128xi32, #tpu.memory_space<vmem>>) semaphore(%arg13 : memref<!tpu.dma_semaphore, #tpu.memory_space<semaphore_mem>>)
    %dma_start3A_15 = arith.constant 1 : i32
    %dma_start3A_16 = arith.constant 0 : i32
    %dma_start3A_17 = tpu.memref_slice %arg8[%dma_start3A_15, %dma_start3A_16] : memref<40x128xi32, #tpu.memory_space<vmem>> -> memref<1x128xi32, #tpu.memory_space<vmem>>
    %dma_start3A_18 = tpu.memref_squeeze %dma_start3A_17 : memref<1x128xi32, #tpu.memory_space<vmem>> -> memref<128xi32, #tpu.memory_space<vmem>>
    %dma_start3A_19 = arith.constant 0 : i32
    %dma_start3A_20 = arith.constant 0 : i32
    %dma_start3A_21 = tpu.memref_slice %arg2[%dma_start3A_19, %dma_start3A_20] : memref<10240x128xf32, #tpu.memory_space<hbm>> -> memref<10240x128xf32, #tpu.memory_space<hbm>>
    tpu.enqueue_indirect_dma source(%dma_start3A_21 : memref<10240x128xf32, #tpu.memory_space<hbm>>) target(%arg11 : memref<128x128xf32, #tpu.memory_space<vmem>>) offsets(%dma_start3A_18 : memref<128xi32, #tpu.memory_space<vmem>>) semaphore(%arg14 : memref<!tpu.dma_semaphore, #tpu.memory_space<semaphore_mem>>)
    %scan3A = arith.constant 0 : i32
    %scan3A_22 = arith.constant 0 : i32
    %scan3A_23 = arith.constant 20 : i32
    %scan3A_24 = arith.addi %scan3A_22, %scan3A_23 : i32
    %scan3A_25 = arith.constant 1 : i32
    scf.for %scan3A_126 = %scan3A_22 to %scan3A_24 step %scan3A_25  : i32 {
      %mul3A_127 = arith.constant 2 : i32
      %mul3A_128 = arith.muli %scan3A_126, %mul3A_127 : i32
      %dma_wait3A = arith.constant 0 : i32
      %dma_wait3A_129 = arith.constant 0 : i32
      %dma_wait3A_130 = tpu.memref_slice %arg2[%dma_wait3A, %dma_wait3A_129] : memref<10240x128xf32, #tpu.memory_space<hbm>> -> memref<128x128xf32, #tpu.memory_space<hbm>>
      %dma_wait3A_131 = arith.constant 0 : i32
      %dma_wait3A_132 = arith.constant 0 : i32
      %dma_wait3A_133 = tpu.memref_slice %arg2[%dma_wait3A_131, %dma_wait3A_132] : memref<10240x128xf32, #tpu.memory_space<hbm>> -> memref<128x128xf32, #tpu.memory_space<hbm>>
      tpu.wait_dma2 semaphore(%arg13 : memref<!tpu.dma_semaphore, #tpu.memory_space<semaphore_mem>>) src(%dma_wait3A_133 : memref<128x128xf32, #tpu.memory_space<hbm>>) dst(%arg10 : memref<128x128xf32, #tpu.memory_space<vmem>>)
      %dma_start3A_134 = arith.constant 0 : i32
      %dma_start3A_135 = tpu.memref_slice %arg9[%mul3A_128, %dma_start3A_134] : memref<40x128xi32, #tpu.memory_space<vmem>> -> memref<1x128xi32, #tpu.memory_space<vmem>>
      %dma_start3A_136 = tpu.memref_squeeze %dma_start3A_135 : memref<1x128xi32, #tpu.memory_space<vmem>> -> memref<128xi32, #tpu.memory_space<vmem>>
      %dma_start3A_137 = arith.constant 0 : i32
      %dma_start3A_138 = arith.constant 0 : i32
      %dma_start3A_139 = tpu.memref_slice %arg12[%dma_start3A_137, %dma_start3A_138] : memref<10240x128xf32, #tpu.memory_space<vmem_shared>> -> memref<10240x128xf32, #tpu.memory_space<vmem_shared>>
      tpu.enqueue_indirect_dma source(%arg10 : memref<128x128xf32, #tpu.memory_space<vmem>>) target(%dma_start3A_139 : memref<10240x128xf32, #tpu.memory_space<vmem_shared>>) offsets(%dma_start3A_136 : memref<128xi32, #tpu.memory_space<vmem>>) semaphore(%arg15 : memref<!tpu.dma_semaphore, #tpu.memory_space<semaphore_mem>>) {add = true}
      %dma_wait3A_140 = arith.constant 0 : i32
      %dma_wait3A_141 = arith.constant 0 : i32
      %dma_wait3A_142 = tpu.memref_slice %arg2[%dma_wait3A_140, %dma_wait3A_141] : memref<10240x128xf32, #tpu.memory_space<hbm>> -> memref<128x128xf32, #tpu.memory_space<hbm>>
      %dma_wait3A_143 = arith.constant 0 : i32
      %dma_wait3A_144 = arith.constant 0 : i32
      %dma_wait3A_145 = tpu.memref_slice %arg2[%dma_wait3A_143, %dma_wait3A_144] : memref<10240x128xf32, #tpu.memory_space<hbm>> -> memref<128x128xf32, #tpu.memory_space<hbm>>
      tpu.wait_dma2 semaphore(%arg14 : memref<!tpu.dma_semaphore, #tpu.memory_space<semaphore_mem>>) src(%dma_wait3A_145 : memref<128x128xf32, #tpu.memory_space<hbm>>) dst(%arg11 : memref<128x128xf32, #tpu.memory_space<vmem>>)
      %add3A_146 = arith.constant 1 : i32
      %add3A_147 = arith.addi %mul3A_128, %add3A_146 : i32
      %dma_start3A_148 = arith.constant 0 : i32
      %dma_start3A_149 = tpu.memref_slice %arg9[%add3A_147, %dma_start3A_148] : memref<40x128xi32, #tpu.memory_space<vmem>> -> memref<1x128xi32, #tpu.memory_space<vmem>>
      %dma_start3A_150 = tpu.memref_squeeze %dma_start3A_149 : memref<1x128xi32, #tpu.memory_space<vmem>> -> memref<128xi32, #tpu.memory_space<vmem>>
      %dma_start3A_151 = arith.constant 0 : i32
      %dma_start3A_152 = arith.constant 0 : i32
      %dma_start3A_153 = tpu.memref_slice %arg12[%dma_start3A_151, %dma_start3A_152] : memref<10240x128xf32, #tpu.memory_space<vmem_shared>> -> memref<10240x128xf32, #tpu.memory_space<vmem_shared>>
      tpu.enqueue_indirect_dma source(%arg11 : memref<128x128xf32, #tpu.memory_space<vmem>>) target(%dma_start3A_153 : memref<10240x128xf32, #tpu.memory_space<vmem_shared>>) offsets(%dma_start3A_150 : memref<128xi32, #tpu.memory_space<vmem>>) semaphore(%arg16 : memref<!tpu.dma_semaphore, #tpu.memory_space<semaphore_mem>>) {add = true}
      %dma_wait3A_154 = arith.constant 0 : i32
      %dma_wait3A_155 = tpu.memref_slice %arg9[%mul3A_128, %dma_wait3A_154] : memref<40x128xi32, #tpu.memory_space<vmem>> -> memref<1x128xi32, #tpu.memory_space<vmem>>
      %dma_wait3A_156 = tpu.memref_squeeze %dma_wait3A_155 : memref<1x128xi32, #tpu.memory_space<vmem>> -> memref<128xi32, #tpu.memory_space<vmem>>
      %dma_wait3A_157 = arith.constant 0 : i32
      %dma_wait3A_158 = arith.constant 0 : i32
      %dma_wait3A_159 = tpu.memref_slice %arg12[%dma_wait3A_157, %dma_wait3A_158] : memref<10240x128xf32, #tpu.memory_space<vmem_shared>> -> memref<10240x128xf32, #tpu.memory_space<vmem_shared>>
      tpu.wait_indirect_dma semaphore(%arg15 : memref<!tpu.dma_semaphore, #tpu.memory_space<semaphore_mem>>) src(%arg10 : memref<128x128xf32, #tpu.memory_space<vmem>>) dst(%dma_wait3A_159 : memref<10240x128xf32, #tpu.memory_space<vmem_shared>>)
      %add3A_160 = arith.constant 2 : i32
      %add3A_161 = arith.addi %mul3A_128, %add3A_160 : i32
      %lt3A = arith.constant 40 : i32
      %lt3A_162 = arith.cmpi slt, %add3A_161, %lt3A : i32
      %convert_element_type3A = arith.extui %lt3A_162 : i1 to i32
      %cond3A = arith.constant 0 : i32
      %cond3A_163 = arith.cmpi ne, %convert_element_type3A, %cond3A : i32
      scf.if %cond3A_163 {
        %add3A_179 = arith.constant 2 : i32
        %add3A_180 = arith.addi %mul3A_128, %add3A_179 : i32
        %dma_start3A_181 = arith.constant 0 : i32
        %dma_start3A_182 = tpu.memref_slice %arg8[%add3A_180, %dma_start3A_181] : memref<40x128xi32, #tpu.memory_space<vmem>> -> memref<1x128xi32, #tpu.memory_space<vmem>>
        %dma_start3A_183 = tpu.memref_squeeze %dma_start3A_182 : memref<1x128xi32, #tpu.memory_space<vmem>> -> memref<128xi32, #tpu.memory_space<vmem>>
        %dma_start3A_184 = arith.constant 0 : i32
        %dma_start3A_185 = arith.constant 0 : i32
        %dma_start3A_186 = tpu.memref_slice %arg2[%dma_start3A_184, %dma_start3A_185] : memref<10240x128xf32, #tpu.memory_space<hbm>> -> memref<10240x128xf32, #tpu.memory_space<hbm>>
        tpu.enqueue_indirect_dma source(%dma_start3A_186 : memref<10240x128xf32, #tpu.memory_space<hbm>>) target(%arg10 : memref<128x128xf32, #tpu.memory_space<vmem>>) offsets(%dma_start3A_183 : memref<128xi32, #tpu.memory_space<vmem>>) semaphore(%arg13 : memref<!tpu.dma_semaphore, #tpu.memory_space<semaphore_mem>>)
      } else {
      }
      %add3A_164 = arith.constant 1 : i32
      %add3A_165 = arith.addi %mul3A_128, %add3A_164 : i32
      %dma_wait3A_166 = arith.constant 0 : i32
      %dma_wait3A_167 = tpu.memref_slice %arg9[%add3A_165, %dma_wait3A_166] : memref<40x128xi32, #tpu.memory_space<vmem>> -> memref<1x128xi32, #tpu.memory_space<vmem>>
      %dma_wait3A_168 = tpu.memref_squeeze %dma_wait3A_167 : memref<1x128xi32, #tpu.memory_space<vmem>> -> memref<128xi32, #tpu.memory_space<vmem>>
      %dma_wait3A_169 = arith.constant 0 : i32
      %dma_wait3A_170 = arith.constant 0 : i32
      %dma_wait3A_171 = tpu.memref_slice %arg12[%dma_wait3A_169, %dma_wait3A_170] : memref<10240x128xf32, #tpu.memory_space<vmem_shared>> -> memref<10240x128xf32, #tpu.memory_space<vmem_shared>>
      tpu.wait_indirect_dma semaphore(%arg16 : memref<!tpu.dma_semaphore, #tpu.memory_space<semaphore_mem>>) src(%arg11 : memref<128x128xf32, #tpu.memory_space<vmem>>) dst(%dma_wait3A_171 : memref<10240x128xf32, #tpu.memory_space<vmem_shared>>)
      %add3A_172 = arith.constant 3 : i32
      %add3A_173 = arith.addi %mul3A_128, %add3A_172 : i32
      %lt3A_174 = arith.constant 40 : i32
      %lt3A_175 = arith.cmpi slt, %add3A_173, %lt3A_174 : i32
      %convert_element_type3A_176 = arith.extui %lt3A_175 : i1 to i32
      %cond3A_177 = arith.constant 0 : i32
      %cond3A_178 = arith.cmpi ne, %convert_element_type3A_176, %cond3A_177 : i32
      scf.if %cond3A_178 {
        %add3A_179 = arith.constant 3 : i32
        %add3A_180 = arith.addi %mul3A_128, %add3A_179 : i32
        %dma_start3A_181 = arith.constant 0 : i32
        %dma_start3A_182 = tpu.memref_slice %arg8[%add3A_180, %dma_start3A_181] : memref<40x128xi32, #tpu.memory_space<vmem>> -> memref<1x128xi32, #tpu.memory_space<vmem>>
        %dma_start3A_183 = tpu.memref_squeeze %dma_start3A_182 : memref<1x128xi32, #tpu.memory_space<vmem>> -> memref<128xi32, #tpu.memory_space<vmem>>
        %dma_start3A_184 = arith.constant 0 : i32
        %dma_start3A_185 = arith.constant 0 : i32
        %dma_start3A_186 = tpu.memref_slice %arg2[%dma_start3A_184, %dma_start3A_185] : memref<10240x128xf32, #tpu.memory_space<hbm>> -> memref<10240x128xf32, #tpu.memory_space<hbm>>
        tpu.enqueue_indirect_dma source(%dma_start3A_186 : memref<10240x128xf32, #tpu.memory_space<hbm>>) target(%arg11 : memref<128x128xf32, #tpu.memory_space<vmem>>) offsets(%dma_start3A_183 : memref<128xi32, #tpu.memory_space<vmem>>) semaphore(%arg14 : memref<!tpu.dma_semaphore, #tpu.memory_space<semaphore_mem>>)
      } else {
      }
    }
    %scan3A_26 = arith.constant 20 : i32
    %mul3A_27 = arith.constant 80 : i32
    %mul3A_28 = arith.muli %add3A, %mul3A_27 : i32
    %add3A_29 = arith.constant 40 : i32
    %add3A_30 = arith.addi %mul3A_28, %add3A_29 : i32
    "tpu.region"() ({
      %run_scoped3A = tpu.sem_alloc : memref<!tpu.dma_semaphore, #tpu.memory_space<semaphore_mem>>
      %dma_start3A_126 = arith.constant 0 : i32
      %dma_start3A_127 = tpu.memref_slice %arg4[%add3A_30, %dma_start3A_126] : memref<2560x128xi32, #tpu.memory_space<hbm>> -> memref<40x128xi32, #tpu.memory_space<hbm>>
      %dma_start3A_128 = arith.constant 0 : i32
      %dma_start3A_129 = tpu.memref_slice %arg4[%add3A_30, %dma_start3A_128] : memref<2560x128xi32, #tpu.memory_space<hbm>> -> memref<40x128xi32, #tpu.memory_space<hbm>>
      tpu.enqueue_dma source(%dma_start3A_129 : memref<40x128xi32, #tpu.memory_space<hbm>>) target(%arg8 : memref<40x128xi32, #tpu.memory_space<vmem>>) target_semaphore(%run_scoped3A : memref<!tpu.dma_semaphore, #tpu.memory_space<semaphore_mem>>)
      %dma_wait3A = arith.constant 0 : i32
      %dma_wait3A_130 = tpu.memref_slice %arg4[%add3A_30, %dma_wait3A] : memref<2560x128xi32, #tpu.memory_space<hbm>> -> memref<40x128xi32, #tpu.memory_space<hbm>>
      %dma_wait3A_131 = arith.constant 0 : i32
      %dma_wait3A_132 = tpu.memref_slice %arg4[%add3A_30, %dma_wait3A_131] : memref<2560x128xi32, #tpu.memory_space<hbm>> -> memref<40x128xi32, #tpu.memory_space<hbm>>
      tpu.wait_dma2 semaphore(%run_scoped3A : memref<!tpu.dma_semaphore, #tpu.memory_space<semaphore_mem>>) src(%dma_wait3A_132 : memref<40x128xi32, #tpu.memory_space<hbm>>) dst(%arg8 : memref<40x128xi32, #tpu.memory_space<vmem>>)
      tpu.yield
    }) : () -> ()
    "tpu.region"() ({
      %run_scoped3A = tpu.sem_alloc : memref<!tpu.dma_semaphore, #tpu.memory_space<semaphore_mem>>
      %dma_start3A_126 = arith.constant 0 : i32
      %dma_start3A_127 = tpu.memref_slice %arg5[%add3A_30, %dma_start3A_126] : memref<2560x128xi32, #tpu.memory_space<hbm>> -> memref<40x128xi32, #tpu.memory_space<hbm>>
      %dma_start3A_128 = arith.constant 0 : i32
      %dma_start3A_129 = tpu.memref_slice %arg5[%add3A_30, %dma_start3A_128] : memref<2560x128xi32, #tpu.memory_space<hbm>> -> memref<40x128xi32, #tpu.memory_space<hbm>>
      tpu.enqueue_dma source(%dma_start3A_129 : memref<40x128xi32, #tpu.memory_space<hbm>>) target(%arg9 : memref<40x128xi32, #tpu.memory_space<vmem>>) target_semaphore(%run_scoped3A : memref<!tpu.dma_semaphore, #tpu.memory_space<semaphore_mem>>)
      %dma_wait3A = arith.constant 0 : i32
      %dma_wait3A_130 = tpu.memref_slice %arg5[%add3A_30, %dma_wait3A] : memref<2560x128xi32, #tpu.memory_space<hbm>> -> memref<40x128xi32, #tpu.memory_space<hbm>>
      %dma_wait3A_131 = arith.constant 0 : i32
      %dma_wait3A_132 = tpu.memref_slice %arg5[%add3A_30, %dma_wait3A_131] : memref<2560x128xi32, #tpu.memory_space<hbm>> -> memref<40x128xi32, #tpu.memory_space<hbm>>
      tpu.wait_dma2 semaphore(%run_scoped3A : memref<!tpu.dma_semaphore, #tpu.memory_space<semaphore_mem>>) src(%dma_wait3A_132 : memref<40x128xi32, #tpu.memory_space<hbm>>) dst(%arg9 : memref<40x128xi32, #tpu.memory_space<vmem>>)
      tpu.yield
    }) : () -> ()
    %dma_start3A_31 = arith.constant 0 : i32
    %dma_start3A_32 = arith.constant 0 : i32
    %dma_start3A_33 = tpu.memref_slice %arg8[%dma_start3A_31, %dma_start3A_32] : memref<40x128xi32, #tpu.memory_space<vmem>> -> memref<1x128xi32, #tpu.memory_space<vmem>>
    %dma_start3A_34 = tpu.memref_squeeze %dma_start3A_33 : memref<1x128xi32, #tpu.memory_space<vmem>> -> memref<128xi32, #tpu.memory_space<vmem>>
    %dma_start3A_35 = arith.constant 0 : i32
    %dma_start3A_36 = arith.constant 0 : i32
    %dma_start3A_37 = tpu.memref_slice %arg2[%dma_start3A_35, %dma_start3A_36] : memref<10240x128xf32, #tpu.memory_space<hbm>> -> memref<10240x128xf32, #tpu.memory_space<hbm>>
    tpu.enqueue_indirect_dma source(%dma_start3A_37 : memref<10240x128xf32, #tpu.memory_space<hbm>>) target(%arg10 : memref<128x128xf32, #tpu.memory_space<vmem>>) offsets(%dma_start3A_34 : memref<128xi32, #tpu.memory_space<vmem>>) semaphore(%arg13 : memref<!tpu.dma_semaphore, #tpu.memory_space<semaphore_mem>>)
    %dma_start3A_38 = arith.constant 1 : i32
    %dma_start3A_39 = arith.constant 0 : i32
    %dma_start3A_40 = tpu.memref_slice %arg8[%dma_start3A_38, %dma_start3A_39] : memref<40x128xi32, #tpu.memory_space<vmem>> -> memref<1x128xi32, #tpu.memory_space<vmem>>
    %dma_start3A_41 = tpu.memref_squeeze %dma_start3A_40 : memref<1x128xi32, #tpu.memory_space<vmem>> -> memref<128xi32, #tpu.memory_space<vmem>>
    %dma_start3A_42 = arith.constant 0 : i32
    %dma_start3A_43 = arith.constant 0 : i32
    %dma_start3A_44 = tpu.memref_slice %arg2[%dma_start3A_42, %dma_start3A_43] : memref<10240x128xf32, #tpu.memory_space<hbm>> -> memref<10240x128xf32, #tpu.memory_space<hbm>>
    tpu.enqueue_indirect_dma source(%dma_start3A_44 : memref<10240x128xf32, #tpu.memory_space<hbm>>) target(%arg11 : memref<128x128xf32, #tpu.memory_space<vmem>>) offsets(%dma_start3A_41 : memref<128xi32, #tpu.memory_space<vmem>>) semaphore(%arg14 : memref<!tpu.dma_semaphore, #tpu.memory_space<semaphore_mem>>)
    %scan3A_45 = arith.constant 0 : i32
    %scan3A_46 = arith.constant 0 : i32
    %scan3A_47 = arith.constant 20 : i32
    %scan3A_48 = arith.addi %scan3A_46, %scan3A_47 : i32
    %scan3A_49 = arith.constant 1 : i32
    scf.for %scan3A_126 = %scan3A_46 to %scan3A_48 step %scan3A_49  : i32 {
      %mul3A_127 = arith.constant 2 : i32
      %mul3A_128 = arith.muli %scan3A_126, %mul3A_127 : i32
      %dma_wait3A = arith.constant 0 : i32
      %dma_wait3A_129 = arith.constant 0 : i32
      %dma_wait3A_130 = tpu.memref_slice %arg2[%dma_wait3A, %dma_wait3A_129] : memref<10240x128xf32, #tpu.memory_space<hbm>> -> memref<128x128xf32, #tpu.memory_space<hbm>>
      %dma_wait3A_131 = arith.constant 0 : i32
      %dma_wait3A_132 = arith.constant 0 : i32
      %dma_wait3A_133 = tpu.memref_slice %arg2[%dma_wait3A_131, %dma_wait3A_132] : memref<10240x128xf32, #tpu.memory_space<hbm>> -> memref<128x128xf32, #tpu.memory_space<hbm>>
      tpu.wait_dma2 semaphore(%arg13 : memref<!tpu.dma_semaphore, #tpu.memory_space<semaphore_mem>>) src(%dma_wait3A_133 : memref<128x128xf32, #tpu.memory_space<hbm>>) dst(%arg10 : memref<128x128xf32, #tpu.memory_space<vmem>>)
      %dma_start3A_134 = arith.constant 0 : i32
      %dma_start3A_135 = tpu.memref_slice %arg9[%mul3A_128, %dma_start3A_134] : memref<40x128xi32, #tpu.memory_space<vmem>> -> memref<1x128xi32, #tpu.memory_space<vmem>>
      %dma_start3A_136 = tpu.memref_squeeze %dma_start3A_135 : memref<1x128xi32, #tpu.memory_space<vmem>> -> memref<128xi32, #tpu.memory_space<vmem>>
      %dma_start3A_137 = arith.constant 0 : i32
      %dma_start3A_138 = arith.constant 0 : i32
      %dma_start3A_139 = tpu.memref_slice %arg12[%dma_start3A_137, %dma_start3A_138] : memref<10240x128xf32, #tpu.memory_space<vmem_shared>> -> memref<10240x128xf32, #tpu.memory_space<vmem_shared>>
      tpu.enqueue_indirect_dma source(%arg10 : memref<128x128xf32, #tpu.memory_space<vmem>>) target(%dma_start3A_139 : memref<10240x128xf32, #tpu.memory_space<vmem_shared>>) offsets(%dma_start3A_136 : memref<128xi32, #tpu.memory_space<vmem>>) semaphore(%arg15 : memref<!tpu.dma_semaphore, #tpu.memory_space<semaphore_mem>>) {add = true}
      %dma_wait3A_140 = arith.constant 0 : i32
      %dma_wait3A_141 = arith.constant 0 : i32
      %dma_wait3A_142 = tpu.memref_slice %arg2[%dma_wait3A_140, %dma_wait3A_141] : memref<10240x128xf32, #tpu.memory_space<hbm>> -> memref<128x128xf32, #tpu.memory_space<hbm>>
      %dma_wait3A_143 = arith.constant 0 : i32
      %dma_wait3A_144 = arith.constant 0 : i32
      %dma_wait3A_145 = tpu.memref_slice %arg2[%dma_wait3A_143, %dma_wait3A_144] : memref<10240x128xf32, #tpu.memory_space<hbm>> -> memref<128x128xf32, #tpu.memory_space<hbm>>
      tpu.wait_dma2 semaphore(%arg14 : memref<!tpu.dma_semaphore, #tpu.memory_space<semaphore_mem>>) src(%dma_wait3A_145 : memref<128x128xf32, #tpu.memory_space<hbm>>) dst(%arg11 : memref<128x128xf32, #tpu.memory_space<vmem>>)
      %add3A_146 = arith.constant 1 : i32
      %add3A_147 = arith.addi %mul3A_128, %add3A_146 : i32
      %dma_start3A_148 = arith.constant 0 : i32
      %dma_start3A_149 = tpu.memref_slice %arg9[%add3A_147, %dma_start3A_148] : memref<40x128xi32, #tpu.memory_space<vmem>> -> memref<1x128xi32, #tpu.memory_space<vmem>>
      %dma_start3A_150 = tpu.memref_squeeze %dma_start3A_149 : memref<1x128xi32, #tpu.memory_space<vmem>> -> memref<128xi32, #tpu.memory_space<vmem>>
      %dma_start3A_151 = arith.constant 0 : i32
      %dma_start3A_152 = arith.constant 0 : i32
      %dma_start3A_153 = tpu.memref_slice %arg12[%dma_start3A_151, %dma_start3A_152] : memref<10240x128xf32, #tpu.memory_space<vmem_shared>> -> memref<10240x128xf32, #tpu.memory_space<vmem_shared>>
      tpu.enqueue_indirect_dma source(%arg11 : memref<128x128xf32, #tpu.memory_space<vmem>>) target(%dma_start3A_153 : memref<10240x128xf32, #tpu.memory_space<vmem_shared>>) offsets(%dma_start3A_150 : memref<128xi32, #tpu.memory_space<vmem>>) semaphore(%arg16 : memref<!tpu.dma_semaphore, #tpu.memory_space<semaphore_mem>>) {add = true}
      %dma_wait3A_154 = arith.constant 0 : i32
      %dma_wait3A_155 = tpu.memref_slice %arg9[%mul3A_128, %dma_wait3A_154] : memref<40x128xi32, #tpu.memory_space<vmem>> -> memref<1x128xi32, #tpu.memory_space<vmem>>
      %dma_wait3A_156 = tpu.memref_squeeze %dma_wait3A_155 : memref<1x128xi32, #tpu.memory_space<vmem>> -> memref<128xi32, #tpu.memory_space<vmem>>
      %dma_wait3A_157 = arith.constant 0 : i32
      %dma_wait3A_158 = arith.constant 0 : i32
      %dma_wait3A_159 = tpu.memref_slice %arg12[%dma_wait3A_157, %dma_wait3A_158] : memref<10240x128xf32, #tpu.memory_space<vmem_shared>> -> memref<10240x128xf32, #tpu.memory_space<vmem_shared>>
      tpu.wait_indirect_dma semaphore(%arg15 : memref<!tpu.dma_semaphore, #tpu.memory_space<semaphore_mem>>) src(%arg10 : memref<128x128xf32, #tpu.memory_space<vmem>>) dst(%dma_wait3A_159 : memref<10240x128xf32, #tpu.memory_space<vmem_shared>>)
      %add3A_160 = arith.constant 2 : i32
      %add3A_161 = arith.addi %mul3A_128, %add3A_160 : i32
      %lt3A = arith.constant 40 : i32
      %lt3A_162 = arith.cmpi slt, %add3A_161, %lt3A : i32
      %convert_element_type3A = arith.extui %lt3A_162 : i1 to i32
      %cond3A = arith.constant 0 : i32
      %cond3A_163 = arith.cmpi ne, %convert_element_type3A, %cond3A : i32
      scf.if %cond3A_163 {
        %add3A_179 = arith.constant 2 : i32
        %add3A_180 = arith.addi %mul3A_128, %add3A_179 : i32
        %dma_start3A_181 = arith.constant 0 : i32
        %dma_start3A_182 = tpu.memref_slice %arg8[%add3A_180, %dma_start3A_181] : memref<40x128xi32, #tpu.memory_space<vmem>> -> memref<1x128xi32, #tpu.memory_space<vmem>>
        %dma_start3A_183 = tpu.memref_squeeze %dma_start3A_182 : memref<1x128xi32, #tpu.memory_space<vmem>> -> memref<128xi32, #tpu.memory_space<vmem>>
        %dma_start3A_184 = arith.constant 0 : i32
        %dma_start3A_185 = arith.constant 0 : i32
        %dma_start3A_186 = tpu.memref_slice %arg2[%dma_start3A_184, %dma_start3A_185] : memref<10240x128xf32, #tpu.memory_space<hbm>> -> memref<10240x128xf32, #tpu.memory_space<hbm>>
        tpu.enqueue_indirect_dma source(%dma_start3A_186 : memref<10240x128xf32, #tpu.memory_space<hbm>>) target(%arg10 : memref<128x128xf32, #tpu.memory_space<vmem>>) offsets(%dma_start3A_183 : memref<128xi32, #tpu.memory_space<vmem>>) semaphore(%arg13 : memref<!tpu.dma_semaphore, #tpu.memory_space<semaphore_mem>>)
      } else {
      }
      %add3A_164 = arith.constant 1 : i32
      %add3A_165 = arith.addi %mul3A_128, %add3A_164 : i32
      %dma_wait3A_166 = arith.constant 0 : i32
      %dma_wait3A_167 = tpu.memref_slice %arg9[%add3A_165, %dma_wait3A_166] : memref<40x128xi32, #tpu.memory_space<vmem>> -> memref<1x128xi32, #tpu.memory_space<vmem>>
      %dma_wait3A_168 = tpu.memref_squeeze %dma_wait3A_167 : memref<1x128xi32, #tpu.memory_space<vmem>> -> memref<128xi32, #tpu.memory_space<vmem>>
      %dma_wait3A_169 = arith.constant 0 : i32
      %dma_wait3A_170 = arith.constant 0 : i32
      %dma_wait3A_171 = tpu.memref_slice %arg12[%dma_wait3A_169, %dma_wait3A_170] : memref<10240x128xf32, #tpu.memory_space<vmem_shared>> -> memref<10240x128xf32, #tpu.memory_space<vmem_shared>>
      tpu.wait_indirect_dma semaphore(%arg16 : memref<!tpu.dma_semaphore, #tpu.memory_space<semaphore_mem>>) src(%arg11 : memref<128x128xf32, #tpu.memory_space<vmem>>) dst(%dma_wait3A_171 : memref<10240x128xf32, #tpu.memory_space<vmem_shared>>)
      %add3A_172 = arith.constant 3 : i32
      %add3A_173 = arith.addi %mul3A_128, %add3A_172 : i32
      %lt3A_174 = arith.constant 40 : i32
      %lt3A_175 = arith.cmpi slt, %add3A_173, %lt3A_174 : i32
      %convert_element_type3A_176 = arith.extui %lt3A_175 : i1 to i32
      %cond3A_177 = arith.constant 0 : i32
      %cond3A_178 = arith.cmpi ne, %convert_element_type3A_176, %cond3A_177 : i32
      scf.if %cond3A_178 {
        %add3A_179 = arith.constant 3 : i32
        %add3A_180 = arith.addi %mul3A_128, %add3A_179 : i32
        %dma_start3A_181 = arith.constant 0 : i32
        %dma_start3A_182 = tpu.memref_slice %arg8[%add3A_180, %dma_start3A_181] : memref<40x128xi32, #tpu.memory_space<vmem>> -> memref<1x128xi32, #tpu.memory_space<vmem>>
        %dma_start3A_183 = tpu.memref_squeeze %dma_start3A_182 : memref<1x128xi32, #tpu.memory_space<vmem>> -> memref<128xi32, #tpu.memory_space<vmem>>
        %dma_start3A_184 = arith.constant 0 : i32
        %dma_start3A_185 = arith.constant 0 : i32
        %dma_start3A_186 = tpu.memref_slice %arg2[%dma_start3A_184, %dma_start3A_185] : memref<10240x128xf32, #tpu.memory_space<hbm>> -> memref<10240x128xf32, #tpu.memory_space<hbm>>
        tpu.enqueue_indirect_dma source(%dma_start3A_186 : memref<10240x128xf32, #tpu.memory_space<hbm>>) target(%arg11 : memref<128x128xf32, #tpu.memory_space<vmem>>) offsets(%dma_start3A_183 : memref<128xi32, #tpu.memory_space<vmem>>) semaphore(%arg14 : memref<!tpu.dma_semaphore, #tpu.memory_space<semaphore_mem>>)
      } else {
      }
    }
    %scan3A_50 = arith.constant 20 : i32
    %barrier3A_51 = arith.constant 0 : index
    tpu.barrier barrier_id(%barrier3A_51)
    %mul3A_52 = arith.constant 640 : i32
    %mul3A_53 = arith.muli %arg1, %mul3A_52 : i32
    %add3A_54 = arith.constant 0 : i32
    %add3A_55 = arith.addi %add3A_54, %arg0 : i32
    %mul3A_56 = arith.constant 10240 : i32
    %mul3A_57 = arith.muli %add3A_55, %mul3A_56 : i32
    %mul3A_58 = arith.constant 640 : i32
    %mul3A_59 = arith.muli %arg1, %mul3A_58 : i32
    %add3A_60 = arith.addi %mul3A_57, %mul3A_59 : i32
    "tpu.region"() ({
      %run_scoped3A = tpu.sem_alloc : memref<!tpu.dma_semaphore, #tpu.memory_space<semaphore_mem>>
      %dma_start3A_126 = arith.constant 0 : i32
      %dma_start3A_127 = tpu.memref_slice %arg7[%add3A_60, %dma_start3A_126] : memref<40960x128xf32, #tpu.memory_space<hbm>> -> memref<640x128xf32, #tpu.memory_space<hbm>>
      %dma_start3A_128 = arith.constant 0 : i32
      %dma_start3A_129 = tpu.memref_slice %arg12[%mul3A_53, %dma_start3A_128] : memref<10240x128xf32, #tpu.memory_space<vmem_shared>> -> memref<640x128xf32, #tpu.memory_space<vmem_shared>>
      tpu.enqueue_dma source(%dma_start3A_129 : memref<640x128xf32, #tpu.memory_space<vmem_shared>>) target(%dma_start3A_127 : memref<640x128xf32, #tpu.memory_space<hbm>>) target_semaphore(%run_scoped3A : memref<!tpu.dma_semaphore, #tpu.memory_space<semaphore_mem>>)
      %dma_wait3A = arith.constant 0 : i32
      %dma_wait3A_130 = tpu.memref_slice %arg7[%add3A_60, %dma_wait3A] : memref<40960x128xf32, #tpu.memory_space<hbm>> -> memref<640x128xf32, #tpu.memory_space<hbm>>
      %dma_wait3A_131 = arith.constant 0 : i32
      %dma_wait3A_132 = tpu.memref_slice %arg12[%mul3A_53, %dma_wait3A_131] : memref<10240x128xf32, #tpu.memory_space<vmem_shared>> -> memref<640x128xf32, #tpu.memory_space<vmem_shared>>
      tpu.wait_dma2 semaphore(%run_scoped3A : memref<!tpu.dma_semaphore, #tpu.memory_space<semaphore_mem>>) src(%dma_wait3A_132 : memref<640x128xf32, #tpu.memory_space<vmem_shared>>) dst(%dma_wait3A_130 : memref<640x128xf32, #tpu.memory_space<hbm>>)
      tpu.yield
    }) : () -> ()
    %barrier3A_61 = arith.constant 0 : index
    tpu.barrier barrier_id(%barrier3A_61)
    %mul3A_62 = arith.constant 640 : i32
    %mul3A_63 = arith.muli %arg1, %mul3A_62 : i32
    %mul3A_64 = arith.constant 640 : i32
    %mul3A_65 = arith.muli %arg1, %mul3A_64 : i32
    "tpu.region"() ({
      %run_scoped3A = tpu.sem_alloc : memref<!tpu.dma_semaphore, #tpu.memory_space<semaphore_mem>>
      %dma_start3A_126 = arith.constant 0 : i32
      %dma_start3A_127 = tpu.memref_slice %arg12[%mul3A_65, %dma_start3A_126] : memref<10240x128xf32, #tpu.memory_space<vmem_shared>> -> memref<640x128xf32, #tpu.memory_space<vmem_shared>>
      %dma_start3A_128 = arith.constant 0 : i32
      %dma_start3A_129 = tpu.memref_slice %arg6[%mul3A_63, %dma_start3A_128] : memref<10240x128xf32, #tpu.memory_space<hbm>> -> memref<640x128xf32, #tpu.memory_space<hbm>>
      tpu.enqueue_dma source(%dma_start3A_129 : memref<640x128xf32, #tpu.memory_space<hbm>>) target(%dma_start3A_127 : memref<640x128xf32, #tpu.memory_space<vmem_shared>>) target_semaphore(%run_scoped3A : memref<!tpu.dma_semaphore, #tpu.memory_space<semaphore_mem>>)
      %dma_wait3A = arith.constant 0 : i32
      %dma_wait3A_130 = tpu.memref_slice %arg12[%mul3A_65, %dma_wait3A] : memref<10240x128xf32, #tpu.memory_space<vmem_shared>> -> memref<640x128xf32, #tpu.memory_space<vmem_shared>>
      %dma_wait3A_131 = arith.constant 0 : i32
      %dma_wait3A_132 = tpu.memref_slice %arg6[%mul3A_63, %dma_wait3A_131] : memref<10240x128xf32, #tpu.memory_space<hbm>> -> memref<640x128xf32, #tpu.memory_space<hbm>>
      tpu.wait_dma2 semaphore(%run_scoped3A : memref<!tpu.dma_semaphore, #tpu.memory_space<semaphore_mem>>) src(%dma_wait3A_132 : memref<640x128xf32, #tpu.memory_space<hbm>>) dst(%dma_wait3A_130 : memref<640x128xf32, #tpu.memory_space<vmem_shared>>)
      tpu.yield
    }) : () -> ()
    %barrier3A_66 = arith.constant 0 : index
    tpu.barrier barrier_id(%barrier3A_66)
    %mul3A_67 = arith.constant 80 : i32
    %mul3A_68 = arith.muli %add3A, %mul3A_67 : i32
    %add3A_69 = arith.constant 0 : i32
    %add3A_70 = arith.addi %mul3A_68, %add3A_69 : i32
    "tpu.region"() ({
      %run_scoped3A = tpu.sem_alloc : memref<!tpu.dma_semaphore, #tpu.memory_space<semaphore_mem>>
      %dma_start3A_126 = arith.constant 0 : i32
      %dma_start3A_127 = tpu.memref_slice %arg4[%add3A_70, %dma_start3A_126] : memref<2560x128xi32, #tpu.memory_space<hbm>> -> memref<40x128xi32, #tpu.memory_space<hbm>>
      %dma_start3A_128 = arith.constant 0 : i32
      %dma_start3A_129 = tpu.memref_slice %arg4[%add3A_70, %dma_start3A_128] : memref<2560x128xi32, #tpu.memory_space<hbm>> -> memref<40x128xi32, #tpu.memory_space<hbm>>
      tpu.enqueue_dma source(%dma_start3A_129 : memref<40x128xi32, #tpu.memory_space<hbm>>) target(%arg8 : memref<40x128xi32, #tpu.memory_space<vmem>>) target_semaphore(%run_scoped3A : memref<!tpu.dma_semaphore, #tpu.memory_space<semaphore_mem>>)
      %dma_wait3A = arith.constant 0 : i32
      %dma_wait3A_130 = tpu.memref_slice %arg4[%add3A_70, %dma_wait3A] : memref<2560x128xi32, #tpu.memory_space<hbm>> -> memref<40x128xi32, #tpu.memory_space<hbm>>
      %dma_wait3A_131 = arith.constant 0 : i32
      %dma_wait3A_132 = tpu.memref_slice %arg4[%add3A_70, %dma_wait3A_131] : memref<2560x128xi32, #tpu.memory_space<hbm>> -> memref<40x128xi32, #tpu.memory_space<hbm>>
      tpu.wait_dma2 semaphore(%run_scoped3A : memref<!tpu.dma_semaphore, #tpu.memory_space<semaphore_mem>>) src(%dma_wait3A_132 : memref<40x128xi32, #tpu.memory_space<hbm>>) dst(%arg8 : memref<40x128xi32, #tpu.memory_space<vmem>>)
      tpu.yield
    }) : () -> ()
    "tpu.region"() ({
      %run_scoped3A = tpu.sem_alloc : memref<!tpu.dma_semaphore, #tpu.memory_space<semaphore_mem>>
      %dma_start3A_126 = arith.constant 0 : i32
      %dma_start3A_127 = tpu.memref_slice %arg5[%add3A_70, %dma_start3A_126] : memref<2560x128xi32, #tpu.memory_space<hbm>> -> memref<40x128xi32, #tpu.memory_space<hbm>>
      %dma_start3A_128 = arith.constant 0 : i32
      %dma_start3A_129 = tpu.memref_slice %arg5[%add3A_70, %dma_start3A_128] : memref<2560x128xi32, #tpu.memory_space<hbm>> -> memref<40x128xi32, #tpu.memory_space<hbm>>
      tpu.enqueue_dma source(%dma_start3A_129 : memref<40x128xi32, #tpu.memory_space<hbm>>) target(%arg9 : memref<40x128xi32, #tpu.memory_space<vmem>>) target_semaphore(%run_scoped3A : memref<!tpu.dma_semaphore, #tpu.memory_space<semaphore_mem>>)
      %dma_wait3A = arith.constant 0 : i32
      %dma_wait3A_130 = tpu.memref_slice %arg5[%add3A_70, %dma_wait3A] : memref<2560x128xi32, #tpu.memory_space<hbm>> -> memref<40x128xi32, #tpu.memory_space<hbm>>
      %dma_wait3A_131 = arith.constant 0 : i32
      %dma_wait3A_132 = tpu.memref_slice %arg5[%add3A_70, %dma_wait3A_131] : memref<2560x128xi32, #tpu.memory_space<hbm>> -> memref<40x128xi32, #tpu.memory_space<hbm>>
      tpu.wait_dma2 semaphore(%run_scoped3A : memref<!tpu.dma_semaphore, #tpu.memory_space<semaphore_mem>>) src(%dma_wait3A_132 : memref<40x128xi32, #tpu.memory_space<hbm>>) dst(%arg9 : memref<40x128xi32, #tpu.memory_space<vmem>>)
      tpu.yield
    }) : () -> ()
    %dma_start3A_71 = arith.constant 0 : i32
    %dma_start3A_72 = arith.constant 0 : i32
    %dma_start3A_73 = tpu.memref_slice %arg8[%dma_start3A_71, %dma_start3A_72] : memref<40x128xi32, #tpu.memory_space<vmem>> -> memref<1x128xi32, #tpu.memory_space<vmem>>
    %dma_start3A_74 = tpu.memref_squeeze %dma_start3A_73 : memref<1x128xi32, #tpu.memory_space<vmem>> -> memref<128xi32, #tpu.memory_space<vmem>>
    %dma_start3A_75 = arith.constant 0 : i32
    %dma_start3A_76 = arith.constant 0 : i32
    %dma_start3A_77 = tpu.memref_slice %arg3[%dma_start3A_75, %dma_start3A_76] : memref<10240x128xf32, #tpu.memory_space<hbm>> -> memref<10240x128xf32, #tpu.memory_space<hbm>>
    tpu.enqueue_indirect_dma source(%dma_start3A_77 : memref<10240x128xf32, #tpu.memory_space<hbm>>) target(%arg10 : memref<128x128xf32, #tpu.memory_space<vmem>>) offsets(%dma_start3A_74 : memref<128xi32, #tpu.memory_space<vmem>>) semaphore(%arg13 : memref<!tpu.dma_semaphore, #tpu.memory_space<semaphore_mem>>)
    %dma_start3A_78 = arith.constant 1 : i32
    %dma_start3A_79 = arith.constant 0 : i32
    %dma_start3A_80 = tpu.memref_slice %arg8[%dma_start3A_78, %dma_start3A_79] : memref<40x128xi32, #tpu.memory_space<vmem>> -> memref<1x128xi32, #tpu.memory_space<vmem>>
    %dma_start3A_81 = tpu.memref_squeeze %dma_start3A_80 : memref<1x128xi32, #tpu.memory_space<vmem>> -> memref<128xi32, #tpu.memory_space<vmem>>
    %dma_start3A_82 = arith.constant 0 : i32
    %dma_start3A_83 = arith.constant 0 : i32
    %dma_start3A_84 = tpu.memref_slice %arg3[%dma_start3A_82, %dma_start3A_83] : memref<10240x128xf32, #tpu.memory_space<hbm>> -> memref<10240x128xf32, #tpu.memory_space<hbm>>
    tpu.enqueue_indirect_dma source(%dma_start3A_84 : memref<10240x128xf32, #tpu.memory_space<hbm>>) target(%arg11 : memref<128x128xf32, #tpu.memory_space<vmem>>) offsets(%dma_start3A_81 : memref<128xi32, #tpu.memory_space<vmem>>) semaphore(%arg14 : memref<!tpu.dma_semaphore, #tpu.memory_space<semaphore_mem>>)
    %scan3A_85 = arith.constant 0 : i32
    %scan3A_86 = arith.constant 0 : i32
    %scan3A_87 = arith.constant 20 : i32
    %scan3A_88 = arith.addi %scan3A_86, %scan3A_87 : i32
    %scan3A_89 = arith.constant 1 : i32
    scf.for %scan3A_126 = %scan3A_86 to %scan3A_88 step %scan3A_89  : i32 {
      %mul3A_127 = arith.constant 2 : i32
      %mul3A_128 = arith.muli %scan3A_126, %mul3A_127 : i32
      %dma_wait3A = arith.constant 0 : i32
      %dma_wait3A_129 = arith.constant 0 : i32
      %dma_wait3A_130 = tpu.memref_slice %arg3[%dma_wait3A, %dma_wait3A_129] : memref<10240x128xf32, #tpu.memory_space<hbm>> -> memref<128x128xf32, #tpu.memory_space<hbm>>
      %dma_wait3A_131 = arith.constant 0 : i32
      %dma_wait3A_132 = arith.constant 0 : i32
      %dma_wait3A_133 = tpu.memref_slice %arg3[%dma_wait3A_131, %dma_wait3A_132] : memref<10240x128xf32, #tpu.memory_space<hbm>> -> memref<128x128xf32, #tpu.memory_space<hbm>>
      tpu.wait_dma2 semaphore(%arg13 : memref<!tpu.dma_semaphore, #tpu.memory_space<semaphore_mem>>) src(%dma_wait3A_133 : memref<128x128xf32, #tpu.memory_space<hbm>>) dst(%arg10 : memref<128x128xf32, #tpu.memory_space<vmem>>)
      %dma_start3A_134 = arith.constant 0 : i32
      %dma_start3A_135 = tpu.memref_slice %arg9[%mul3A_128, %dma_start3A_134] : memref<40x128xi32, #tpu.memory_space<vmem>> -> memref<1x128xi32, #tpu.memory_space<vmem>>
      %dma_start3A_136 = tpu.memref_squeeze %dma_start3A_135 : memref<1x128xi32, #tpu.memory_space<vmem>> -> memref<128xi32, #tpu.memory_space<vmem>>
      %dma_start3A_137 = arith.constant 0 : i32
      %dma_start3A_138 = arith.constant 0 : i32
      %dma_start3A_139 = tpu.memref_slice %arg12[%dma_start3A_137, %dma_start3A_138] : memref<10240x128xf32, #tpu.memory_space<vmem_shared>> -> memref<10240x128xf32, #tpu.memory_space<vmem_shared>>
      tpu.enqueue_indirect_dma source(%arg10 : memref<128x128xf32, #tpu.memory_space<vmem>>) target(%dma_start3A_139 : memref<10240x128xf32, #tpu.memory_space<vmem_shared>>) offsets(%dma_start3A_136 : memref<128xi32, #tpu.memory_space<vmem>>) semaphore(%arg15 : memref<!tpu.dma_semaphore, #tpu.memory_space<semaphore_mem>>) {add = true}
      %dma_wait3A_140 = arith.constant 0 : i32
      %dma_wait3A_141 = arith.constant 0 : i32
      %dma_wait3A_142 = tpu.memref_slice %arg3[%dma_wait3A_140, %dma_wait3A_141] : memref<10240x128xf32, #tpu.memory_space<hbm>> -> memref<128x128xf32, #tpu.memory_space<hbm>>
      %dma_wait3A_143 = arith.constant 0 : i32
      %dma_wait3A_144 = arith.constant 0 : i32
      %dma_wait3A_145 = tpu.memref_slice %arg3[%dma_wait3A_143, %dma_wait3A_144] : memref<10240x128xf32, #tpu.memory_space<hbm>> -> memref<128x128xf32, #tpu.memory_space<hbm>>
      tpu.wait_dma2 semaphore(%arg14 : memref<!tpu.dma_semaphore, #tpu.memory_space<semaphore_mem>>) src(%dma_wait3A_145 : memref<128x128xf32, #tpu.memory_space<hbm>>) dst(%arg11 : memref<128x128xf32, #tpu.memory_space<vmem>>)
      %add3A_146 = arith.constant 1 : i32
      %add3A_147 = arith.addi %mul3A_128, %add3A_146 : i32
      %dma_start3A_148 = arith.constant 0 : i32
      %dma_start3A_149 = tpu.memref_slice %arg9[%add3A_147, %dma_start3A_148] : memref<40x128xi32, #tpu.memory_space<vmem>> -> memref<1x128xi32, #tpu.memory_space<vmem>>
      %dma_start3A_150 = tpu.memref_squeeze %dma_start3A_149 : memref<1x128xi32, #tpu.memory_space<vmem>> -> memref<128xi32, #tpu.memory_space<vmem>>
      %dma_start3A_151 = arith.constant 0 : i32
      %dma_start3A_152 = arith.constant 0 : i32
      %dma_start3A_153 = tpu.memref_slice %arg12[%dma_start3A_151, %dma_start3A_152] : memref<10240x128xf32, #tpu.memory_space<vmem_shared>> -> memref<10240x128xf32, #tpu.memory_space<vmem_shared>>
      tpu.enqueue_indirect_dma source(%arg11 : memref<128x128xf32, #tpu.memory_space<vmem>>) target(%dma_start3A_153 : memref<10240x128xf32, #tpu.memory_space<vmem_shared>>) offsets(%dma_start3A_150 : memref<128xi32, #tpu.memory_space<vmem>>) semaphore(%arg16 : memref<!tpu.dma_semaphore, #tpu.memory_space<semaphore_mem>>) {add = true}
      %dma_wait3A_154 = arith.constant 0 : i32
      %dma_wait3A_155 = tpu.memref_slice %arg9[%mul3A_128, %dma_wait3A_154] : memref<40x128xi32, #tpu.memory_space<vmem>> -> memref<1x128xi32, #tpu.memory_space<vmem>>
      %dma_wait3A_156 = tpu.memref_squeeze %dma_wait3A_155 : memref<1x128xi32, #tpu.memory_space<vmem>> -> memref<128xi32, #tpu.memory_space<vmem>>
      %dma_wait3A_157 = arith.constant 0 : i32
      %dma_wait3A_158 = arith.constant 0 : i32
      %dma_wait3A_159 = tpu.memref_slice %arg12[%dma_wait3A_157, %dma_wait3A_158] : memref<10240x128xf32, #tpu.memory_space<vmem_shared>> -> memref<10240x128xf32, #tpu.memory_space<vmem_shared>>
      tpu.wait_indirect_dma semaphore(%arg15 : memref<!tpu.dma_semaphore, #tpu.memory_space<semaphore_mem>>) src(%arg10 : memref<128x128xf32, #tpu.memory_space<vmem>>) dst(%dma_wait3A_159 : memref<10240x128xf32, #tpu.memory_space<vmem_shared>>)
      %add3A_160 = arith.constant 2 : i32
      %add3A_161 = arith.addi %mul3A_128, %add3A_160 : i32
      %lt3A = arith.constant 40 : i32
      %lt3A_162 = arith.cmpi slt, %add3A_161, %lt3A : i32
      %convert_element_type3A = arith.extui %lt3A_162 : i1 to i32
      %cond3A = arith.constant 0 : i32
      %cond3A_163 = arith.cmpi ne, %convert_element_type3A, %cond3A : i32
      scf.if %cond3A_163 {
        %add3A_179 = arith.constant 2 : i32
        %add3A_180 = arith.addi %mul3A_128, %add3A_179 : i32
        %dma_start3A_181 = arith.constant 0 : i32
        %dma_start3A_182 = tpu.memref_slice %arg8[%add3A_180, %dma_start3A_181] : memref<40x128xi32, #tpu.memory_space<vmem>> -> memref<1x128xi32, #tpu.memory_space<vmem>>
        %dma_start3A_183 = tpu.memref_squeeze %dma_start3A_182 : memref<1x128xi32, #tpu.memory_space<vmem>> -> memref<128xi32, #tpu.memory_space<vmem>>
        %dma_start3A_184 = arith.constant 0 : i32
        %dma_start3A_185 = arith.constant 0 : i32
        %dma_start3A_186 = tpu.memref_slice %arg3[%dma_start3A_184, %dma_start3A_185] : memref<10240x128xf32, #tpu.memory_space<hbm>> -> memref<10240x128xf32, #tpu.memory_space<hbm>>
        tpu.enqueue_indirect_dma source(%dma_start3A_186 : memref<10240x128xf32, #tpu.memory_space<hbm>>) target(%arg10 : memref<128x128xf32, #tpu.memory_space<vmem>>) offsets(%dma_start3A_183 : memref<128xi32, #tpu.memory_space<vmem>>) semaphore(%arg13 : memref<!tpu.dma_semaphore, #tpu.memory_space<semaphore_mem>>)
      } else {
      }
      %add3A_164 = arith.constant 1 : i32
      %add3A_165 = arith.addi %mul3A_128, %add3A_164 : i32
      %dma_wait3A_166 = arith.constant 0 : i32
      %dma_wait3A_167 = tpu.memref_slice %arg9[%add3A_165, %dma_wait3A_166] : memref<40x128xi32, #tpu.memory_space<vmem>> -> memref<1x128xi32, #tpu.memory_space<vmem>>
      %dma_wait3A_168 = tpu.memref_squeeze %dma_wait3A_167 : memref<1x128xi32, #tpu.memory_space<vmem>> -> memref<128xi32, #tpu.memory_space<vmem>>
      %dma_wait3A_169 = arith.constant 0 : i32
      %dma_wait3A_170 = arith.constant 0 : i32
      %dma_wait3A_171 = tpu.memref_slice %arg12[%dma_wait3A_169, %dma_wait3A_170] : memref<10240x128xf32, #tpu.memory_space<vmem_shared>> -> memref<10240x128xf32, #tpu.memory_space<vmem_shared>>
      tpu.wait_indirect_dma semaphore(%arg16 : memref<!tpu.dma_semaphore, #tpu.memory_space<semaphore_mem>>) src(%arg11 : memref<128x128xf32, #tpu.memory_space<vmem>>) dst(%dma_wait3A_171 : memref<10240x128xf32, #tpu.memory_space<vmem_shared>>)
      %add3A_172 = arith.constant 3 : i32
      %add3A_173 = arith.addi %mul3A_128, %add3A_172 : i32
      %lt3A_174 = arith.constant 40 : i32
      %lt3A_175 = arith.cmpi slt, %add3A_173, %lt3A_174 : i32
      %convert_element_type3A_176 = arith.extui %lt3A_175 : i1 to i32
      %cond3A_177 = arith.constant 0 : i32
      %cond3A_178 = arith.cmpi ne, %convert_element_type3A_176, %cond3A_177 : i32
      scf.if %cond3A_178 {
        %add3A_179 = arith.constant 3 : i32
        %add3A_180 = arith.addi %mul3A_128, %add3A_179 : i32
        %dma_start3A_181 = arith.constant 0 : i32
        %dma_start3A_182 = tpu.memref_slice %arg8[%add3A_180, %dma_start3A_181] : memref<40x128xi32, #tpu.memory_space<vmem>> -> memref<1x128xi32, #tpu.memory_space<vmem>>
        %dma_start3A_183 = tpu.memref_squeeze %dma_start3A_182 : memref<1x128xi32, #tpu.memory_space<vmem>> -> memref<128xi32, #tpu.memory_space<vmem>>
        %dma_start3A_184 = arith.constant 0 : i32
        %dma_start3A_185 = arith.constant 0 : i32
        %dma_start3A_186 = tpu.memref_slice %arg3[%dma_start3A_184, %dma_start3A_185] : memref<10240x128xf32, #tpu.memory_space<hbm>> -> memref<10240x128xf32, #tpu.memory_space<hbm>>
        tpu.enqueue_indirect_dma source(%dma_start3A_186 : memref<10240x128xf32, #tpu.memory_space<hbm>>) target(%arg11 : memref<128x128xf32, #tpu.memory_space<vmem>>) offsets(%dma_start3A_183 : memref<128xi32, #tpu.memory_space<vmem>>) semaphore(%arg14 : memref<!tpu.dma_semaphore, #tpu.memory_space<semaphore_mem>>)
      } else {
      }
    }
    %scan3A_90 = arith.constant 20 : i32
    %mul3A_91 = arith.constant 80 : i32
    %mul3A_92 = arith.muli %add3A, %mul3A_91 : i32
    %add3A_93 = arith.constant 40 : i32
    %add3A_94 = arith.addi %mul3A_92, %add3A_93 : i32
    "tpu.region"() ({
      %run_scoped3A = tpu.sem_alloc : memref<!tpu.dma_semaphore, #tpu.memory_space<semaphore_mem>>
      %dma_start3A_126 = arith.constant 0 : i32
      %dma_start3A_127 = tpu.memref_slice %arg4[%add3A_94, %dma_start3A_126] : memref<2560x128xi32, #tpu.memory_space<hbm>> -> memref<40x128xi32, #tpu.memory_space<hbm>>
      %dma_start3A_128 = arith.constant 0 : i32
      %dma_start3A_129 = tpu.memref_slice %arg4[%add3A_94, %dma_start3A_128] : memref<2560x128xi32, #tpu.memory_space<hbm>> -> memref<40x128xi32, #tpu.memory_space<hbm>>
      tpu.enqueue_dma source(%dma_start3A_129 : memref<40x128xi32, #tpu.memory_space<hbm>>) target(%arg8 : memref<40x128xi32, #tpu.memory_space<vmem>>) target_semaphore(%run_scoped3A : memref<!tpu.dma_semaphore, #tpu.memory_space<semaphore_mem>>)
      %dma_wait3A = arith.constant 0 : i32
      %dma_wait3A_130 = tpu.memref_slice %arg4[%add3A_94, %dma_wait3A] : memref<2560x128xi32, #tpu.memory_space<hbm>> -> memref<40x128xi32, #tpu.memory_space<hbm>>
      %dma_wait3A_131 = arith.constant 0 : i32
      %dma_wait3A_132 = tpu.memref_slice %arg4[%add3A_94, %dma_wait3A_131] : memref<2560x128xi32, #tpu.memory_space<hbm>> -> memref<40x128xi32, #tpu.memory_space<hbm>>
      tpu.wait_dma2 semaphore(%run_scoped3A : memref<!tpu.dma_semaphore, #tpu.memory_space<semaphore_mem>>) src(%dma_wait3A_132 : memref<40x128xi32, #tpu.memory_space<hbm>>) dst(%arg8 : memref<40x128xi32, #tpu.memory_space<vmem>>)
      tpu.yield
    }) : () -> ()
    "tpu.region"() ({
      %run_scoped3A = tpu.sem_alloc : memref<!tpu.dma_semaphore, #tpu.memory_space<semaphore_mem>>
      %dma_start3A_126 = arith.constant 0 : i32
      %dma_start3A_127 = tpu.memref_slice %arg5[%add3A_94, %dma_start3A_126] : memref<2560x128xi32, #tpu.memory_space<hbm>> -> memref<40x128xi32, #tpu.memory_space<hbm>>
      %dma_start3A_128 = arith.constant 0 : i32
      %dma_start3A_129 = tpu.memref_slice %arg5[%add3A_94, %dma_start3A_128] : memref<2560x128xi32, #tpu.memory_space<hbm>> -> memref<40x128xi32, #tpu.memory_space<hbm>>
      tpu.enqueue_dma source(%dma_start3A_129 : memref<40x128xi32, #tpu.memory_space<hbm>>) target(%arg9 : memref<40x128xi32, #tpu.memory_space<vmem>>) target_semaphore(%run_scoped3A : memref<!tpu.dma_semaphore, #tpu.memory_space<semaphore_mem>>)
      %dma_wait3A = arith.constant 0 : i32
      %dma_wait3A_130 = tpu.memref_slice %arg5[%add3A_94, %dma_wait3A] : memref<2560x128xi32, #tpu.memory_space<hbm>> -> memref<40x128xi32, #tpu.memory_space<hbm>>
      %dma_wait3A_131 = arith.constant 0 : i32
      %dma_wait3A_132 = tpu.memref_slice %arg5[%add3A_94, %dma_wait3A_131] : memref<2560x128xi32, #tpu.memory_space<hbm>> -> memref<40x128xi32, #tpu.memory_space<hbm>>
      tpu.wait_dma2 semaphore(%run_scoped3A : memref<!tpu.dma_semaphore, #tpu.memory_space<semaphore_mem>>) src(%dma_wait3A_132 : memref<40x128xi32, #tpu.memory_space<hbm>>) dst(%arg9 : memref<40x128xi32, #tpu.memory_space<vmem>>)
      tpu.yield
    }) : () -> ()
    %dma_start3A_95 = arith.constant 0 : i32
    %dma_start3A_96 = arith.constant 0 : i32
    %dma_start3A_97 = tpu.memref_slice %arg8[%dma_start3A_95, %dma_start3A_96] : memref<40x128xi32, #tpu.memory_space<vmem>> -> memref<1x128xi32, #tpu.memory_space<vmem>>
    %dma_start3A_98 = tpu.memref_squeeze %dma_start3A_97 : memref<1x128xi32, #tpu.memory_space<vmem>> -> memref<128xi32, #tpu.memory_space<vmem>>
    %dma_start3A_99 = arith.constant 0 : i32
    %dma_start3A_100 = arith.constant 0 : i32
    %dma_start3A_101 = tpu.memref_slice %arg3[%dma_start3A_99, %dma_start3A_100] : memref<10240x128xf32, #tpu.memory_space<hbm>> -> memref<10240x128xf32, #tpu.memory_space<hbm>>
    tpu.enqueue_indirect_dma source(%dma_start3A_101 : memref<10240x128xf32, #tpu.memory_space<hbm>>) target(%arg10 : memref<128x128xf32, #tpu.memory_space<vmem>>) offsets(%dma_start3A_98 : memref<128xi32, #tpu.memory_space<vmem>>) semaphore(%arg13 : memref<!tpu.dma_semaphore, #tpu.memory_space<semaphore_mem>>)
    %dma_start3A_102 = arith.constant 1 : i32
    %dma_start3A_103 = arith.constant 0 : i32
    %dma_start3A_104 = tpu.memref_slice %arg8[%dma_start3A_102, %dma_start3A_103] : memref<40x128xi32, #tpu.memory_space<vmem>> -> memref<1x128xi32, #tpu.memory_space<vmem>>
    %dma_start3A_105 = tpu.memref_squeeze %dma_start3A_104 : memref<1x128xi32, #tpu.memory_space<vmem>> -> memref<128xi32, #tpu.memory_space<vmem>>
    %dma_start3A_106 = arith.constant 0 : i32
    %dma_start3A_107 = arith.constant 0 : i32
    %dma_start3A_108 = tpu.memref_slice %arg3[%dma_start3A_106, %dma_start3A_107] : memref<10240x128xf32, #tpu.memory_space<hbm>> -> memref<10240x128xf32, #tpu.memory_space<hbm>>
    tpu.enqueue_indirect_dma source(%dma_start3A_108 : memref<10240x128xf32, #tpu.memory_space<hbm>>) target(%arg11 : memref<128x128xf32, #tpu.memory_space<vmem>>) offsets(%dma_start3A_105 : memref<128xi32, #tpu.memory_space<vmem>>) semaphore(%arg14 : memref<!tpu.dma_semaphore, #tpu.memory_space<semaphore_mem>>)
    %scan3A_109 = arith.constant 0 : i32
    %scan3A_110 = arith.constant 0 : i32
    %scan3A_111 = arith.constant 20 : i32
    %scan3A_112 = arith.addi %scan3A_110, %scan3A_111 : i32
    %scan3A_113 = arith.constant 1 : i32
    scf.for %scan3A_126 = %scan3A_110 to %scan3A_112 step %scan3A_113  : i32 {
      %mul3A_127 = arith.constant 2 : i32
      %mul3A_128 = arith.muli %scan3A_126, %mul3A_127 : i32
      %dma_wait3A = arith.constant 0 : i32
      %dma_wait3A_129 = arith.constant 0 : i32
      %dma_wait3A_130 = tpu.memref_slice %arg3[%dma_wait3A, %dma_wait3A_129] : memref<10240x128xf32, #tpu.memory_space<hbm>> -> memref<128x128xf32, #tpu.memory_space<hbm>>
      %dma_wait3A_131 = arith.constant 0 : i32
      %dma_wait3A_132 = arith.constant 0 : i32
      %dma_wait3A_133 = tpu.memref_slice %arg3[%dma_wait3A_131, %dma_wait3A_132] : memref<10240x128xf32, #tpu.memory_space<hbm>> -> memref<128x128xf32, #tpu.memory_space<hbm>>
      tpu.wait_dma2 semaphore(%arg13 : memref<!tpu.dma_semaphore, #tpu.memory_space<semaphore_mem>>) src(%dma_wait3A_133 : memref<128x128xf32, #tpu.memory_space<hbm>>) dst(%arg10 : memref<128x128xf32, #tpu.memory_space<vmem>>)
      %dma_start3A_134 = arith.constant 0 : i32
      %dma_start3A_135 = tpu.memref_slice %arg9[%mul3A_128, %dma_start3A_134] : memref<40x128xi32, #tpu.memory_space<vmem>> -> memref<1x128xi32, #tpu.memory_space<vmem>>
      %dma_start3A_136 = tpu.memref_squeeze %dma_start3A_135 : memref<1x128xi32, #tpu.memory_space<vmem>> -> memref<128xi32, #tpu.memory_space<vmem>>
      %dma_start3A_137 = arith.constant 0 : i32
      %dma_start3A_138 = arith.constant 0 : i32
      %dma_start3A_139 = tpu.memref_slice %arg12[%dma_start3A_137, %dma_start3A_138] : memref<10240x128xf32, #tpu.memory_space<vmem_shared>> -> memref<10240x128xf32, #tpu.memory_space<vmem_shared>>
      tpu.enqueue_indirect_dma source(%arg10 : memref<128x128xf32, #tpu.memory_space<vmem>>) target(%dma_start3A_139 : memref<10240x128xf32, #tpu.memory_space<vmem_shared>>) offsets(%dma_start3A_136 : memref<128xi32, #tpu.memory_space<vmem>>) semaphore(%arg15 : memref<!tpu.dma_semaphore, #tpu.memory_space<semaphore_mem>>) {add = true}
      %dma_wait3A_140 = arith.constant 0 : i32
      %dma_wait3A_141 = arith.constant 0 : i32
      %dma_wait3A_142 = tpu.memref_slice %arg3[%dma_wait3A_140, %dma_wait3A_141] : memref<10240x128xf32, #tpu.memory_space<hbm>> -> memref<128x128xf32, #tpu.memory_space<hbm>>
      %dma_wait3A_143 = arith.constant 0 : i32
      %dma_wait3A_144 = arith.constant 0 : i32
      %dma_wait3A_145 = tpu.memref_slice %arg3[%dma_wait3A_143, %dma_wait3A_144] : memref<10240x128xf32, #tpu.memory_space<hbm>> -> memref<128x128xf32, #tpu.memory_space<hbm>>
      tpu.wait_dma2 semaphore(%arg14 : memref<!tpu.dma_semaphore, #tpu.memory_space<semaphore_mem>>) src(%dma_wait3A_145 : memref<128x128xf32, #tpu.memory_space<hbm>>) dst(%arg11 : memref<128x128xf32, #tpu.memory_space<vmem>>)
      %add3A_146 = arith.constant 1 : i32
      %add3A_147 = arith.addi %mul3A_128, %add3A_146 : i32
      %dma_start3A_148 = arith.constant 0 : i32
      %dma_start3A_149 = tpu.memref_slice %arg9[%add3A_147, %dma_start3A_148] : memref<40x128xi32, #tpu.memory_space<vmem>> -> memref<1x128xi32, #tpu.memory_space<vmem>>
      %dma_start3A_150 = tpu.memref_squeeze %dma_start3A_149 : memref<1x128xi32, #tpu.memory_space<vmem>> -> memref<128xi32, #tpu.memory_space<vmem>>
      %dma_start3A_151 = arith.constant 0 : i32
      %dma_start3A_152 = arith.constant 0 : i32
      %dma_start3A_153 = tpu.memref_slice %arg12[%dma_start3A_151, %dma_start3A_152] : memref<10240x128xf32, #tpu.memory_space<vmem_shared>> -> memref<10240x128xf32, #tpu.memory_space<vmem_shared>>
      tpu.enqueue_indirect_dma source(%arg11 : memref<128x128xf32, #tpu.memory_space<vmem>>) target(%dma_start3A_153 : memref<10240x128xf32, #tpu.memory_space<vmem_shared>>) offsets(%dma_start3A_150 : memref<128xi32, #tpu.memory_space<vmem>>) semaphore(%arg16 : memref<!tpu.dma_semaphore, #tpu.memory_space<semaphore_mem>>) {add = true}
      %dma_wait3A_154 = arith.constant 0 : i32
      %dma_wait3A_155 = tpu.memref_slice %arg9[%mul3A_128, %dma_wait3A_154] : memref<40x128xi32, #tpu.memory_space<vmem>> -> memref<1x128xi32, #tpu.memory_space<vmem>>
      %dma_wait3A_156 = tpu.memref_squeeze %dma_wait3A_155 : memref<1x128xi32, #tpu.memory_space<vmem>> -> memref<128xi32, #tpu.memory_space<vmem>>
      %dma_wait3A_157 = arith.constant 0 : i32
      %dma_wait3A_158 = arith.constant 0 : i32
      %dma_wait3A_159 = tpu.memref_slice %arg12[%dma_wait3A_157, %dma_wait3A_158] : memref<10240x128xf32, #tpu.memory_space<vmem_shared>> -> memref<10240x128xf32, #tpu.memory_space<vmem_shared>>
      tpu.wait_indirect_dma semaphore(%arg15 : memref<!tpu.dma_semaphore, #tpu.memory_space<semaphore_mem>>) src(%arg10 : memref<128x128xf32, #tpu.memory_space<vmem>>) dst(%dma_wait3A_159 : memref<10240x128xf32, #tpu.memory_space<vmem_shared>>)
      %add3A_160 = arith.constant 2 : i32
      %add3A_161 = arith.addi %mul3A_128, %add3A_160 : i32
      %lt3A = arith.constant 40 : i32
      %lt3A_162 = arith.cmpi slt, %add3A_161, %lt3A : i32
      %convert_element_type3A = arith.extui %lt3A_162 : i1 to i32
      %cond3A = arith.constant 0 : i32
      %cond3A_163 = arith.cmpi ne, %convert_element_type3A, %cond3A : i32
      scf.if %cond3A_163 {
        %add3A_179 = arith.constant 2 : i32
        %add3A_180 = arith.addi %mul3A_128, %add3A_179 : i32
        %dma_start3A_181 = arith.constant 0 : i32
        %dma_start3A_182 = tpu.memref_slice %arg8[%add3A_180, %dma_start3A_181] : memref<40x128xi32, #tpu.memory_space<vmem>> -> memref<1x128xi32, #tpu.memory_space<vmem>>
        %dma_start3A_183 = tpu.memref_squeeze %dma_start3A_182 : memref<1x128xi32, #tpu.memory_space<vmem>> -> memref<128xi32, #tpu.memory_space<vmem>>
        %dma_start3A_184 = arith.constant 0 : i32
        %dma_start3A_185 = arith.constant 0 : i32
        %dma_start3A_186 = tpu.memref_slice %arg3[%dma_start3A_184, %dma_start3A_185] : memref<10240x128xf32, #tpu.memory_space<hbm>> -> memref<10240x128xf32, #tpu.memory_space<hbm>>
        tpu.enqueue_indirect_dma source(%dma_start3A_186 : memref<10240x128xf32, #tpu.memory_space<hbm>>) target(%arg10 : memref<128x128xf32, #tpu.memory_space<vmem>>) offsets(%dma_start3A_183 : memref<128xi32, #tpu.memory_space<vmem>>) semaphore(%arg13 : memref<!tpu.dma_semaphore, #tpu.memory_space<semaphore_mem>>)
      } else {
      }
      %add3A_164 = arith.constant 1 : i32
      %add3A_165 = arith.addi %mul3A_128, %add3A_164 : i32
      %dma_wait3A_166 = arith.constant 0 : i32
      %dma_wait3A_167 = tpu.memref_slice %arg9[%add3A_165, %dma_wait3A_166] : memref<40x128xi32, #tpu.memory_space<vmem>> -> memref<1x128xi32, #tpu.memory_space<vmem>>
      %dma_wait3A_168 = tpu.memref_squeeze %dma_wait3A_167 : memref<1x128xi32, #tpu.memory_space<vmem>> -> memref<128xi32, #tpu.memory_space<vmem>>
      %dma_wait3A_169 = arith.constant 0 : i32
      %dma_wait3A_170 = arith.constant 0 : i32
      %dma_wait3A_171 = tpu.memref_slice %arg12[%dma_wait3A_169, %dma_wait3A_170] : memref<10240x128xf32, #tpu.memory_space<vmem_shared>> -> memref<10240x128xf32, #tpu.memory_space<vmem_shared>>
      tpu.wait_indirect_dma semaphore(%arg16 : memref<!tpu.dma_semaphore, #tpu.memory_space<semaphore_mem>>) src(%arg11 : memref<128x128xf32, #tpu.memory_space<vmem>>) dst(%dma_wait3A_171 : memref<10240x128xf32, #tpu.memory_space<vmem_shared>>)
      %add3A_172 = arith.constant 3 : i32
      %add3A_173 = arith.addi %mul3A_128, %add3A_172 : i32
      %lt3A_174 = arith.constant 40 : i32
      %lt3A_175 = arith.cmpi slt, %add3A_173, %lt3A_174 : i32
      %convert_element_type3A_176 = arith.extui %lt3A_175 : i1 to i32
      %cond3A_177 = arith.constant 0 : i32
      %cond3A_178 = arith.cmpi ne, %convert_element_type3A_176, %cond3A_177 : i32
      scf.if %cond3A_178 {
        %add3A_179 = arith.constant 3 : i32
        %add3A_180 = arith.addi %mul3A_128, %add3A_179 : i32
        %dma_start3A_181 = arith.constant 0 : i32
        %dma_start3A_182 = tpu.memref_slice %arg8[%add3A_180, %dma_start3A_181] : memref<40x128xi32, #tpu.memory_space<vmem>> -> memref<1x128xi32, #tpu.memory_space<vmem>>
        %dma_start3A_183 = tpu.memref_squeeze %dma_start3A_182 : memref<1x128xi32, #tpu.memory_space<vmem>> -> memref<128xi32, #tpu.memory_space<vmem>>
        %dma_start3A_184 = arith.constant 0 : i32
        %dma_start3A_185 = arith.constant 0 : i32
        %dma_start3A_186 = tpu.memref_slice %arg3[%dma_start3A_184, %dma_start3A_185] : memref<10240x128xf32, #tpu.memory_space<hbm>> -> memref<10240x128xf32, #tpu.memory_space<hbm>>
        tpu.enqueue_indirect_dma source(%dma_start3A_186 : memref<10240x128xf32, #tpu.memory_space<hbm>>) target(%arg11 : memref<128x128xf32, #tpu.memory_space<vmem>>) offsets(%dma_start3A_183 : memref<128xi32, #tpu.memory_space<vmem>>) semaphore(%arg14 : memref<!tpu.dma_semaphore, #tpu.memory_space<semaphore_mem>>)
      } else {
      }
    }
    %scan3A_114 = arith.constant 20 : i32
    %barrier3A_115 = arith.constant 0 : index
    tpu.barrier barrier_id(%barrier3A_115)
    %mul3A_116 = arith.constant 640 : i32
    %mul3A_117 = arith.muli %arg1, %mul3A_116 : i32
    %add3A_118 = arith.constant 2 : i32
    %add3A_119 = arith.addi %add3A_118, %arg0 : i32
    %mul3A_120 = arith.constant 10240 : i32
    %mul3A_121 = arith.muli %add3A_119, %mul3A_120 : i32
    %mul3A_122 = arith.constant 640 : i32
    %mul3A_123 = arith.muli %arg1, %mul3A_122 : i32
    %add3A_124 = arith.addi %mul3A_121, %mul3A_123 : i32
    "tpu.region"() ({
      %run_scoped3A = tpu.sem_alloc : memref<!tpu.dma_semaphore, #tpu.memory_space<semaphore_mem>>
      %dma_start3A_126 = arith.constant 0 : i32
      %dma_start3A_127 = tpu.memref_slice %arg7[%add3A_124, %dma_start3A_126] : memref<40960x128xf32, #tpu.memory_space<hbm>> -> memref<640x128xf32, #tpu.memory_space<hbm>>
      %dma_start3A_128 = arith.constant 0 : i32
      %dma_start3A_129 = tpu.memref_slice %arg12[%mul3A_117, %dma_start3A_128] : memref<10240x128xf32, #tpu.memory_space<vmem_shared>> -> memref<640x128xf32, #tpu.memory_space<vmem_shared>>
      tpu.enqueue_dma source(%dma_start3A_129 : memref<640x128xf32, #tpu.memory_space<vmem_shared>>) target(%dma_start3A_127 : memref<640x128xf32, #tpu.memory_space<hbm>>) target_semaphore(%run_scoped3A : memref<!tpu.dma_semaphore, #tpu.memory_space<semaphore_mem>>)
      %dma_wait3A = arith.constant 0 : i32
      %dma_wait3A_130 = tpu.memref_slice %arg7[%add3A_124, %dma_wait3A] : memref<40960x128xf32, #tpu.memory_space<hbm>> -> memref<640x128xf32, #tpu.memory_space<hbm>>
      %dma_wait3A_131 = arith.constant 0 : i32
      %dma_wait3A_132 = tpu.memref_slice %arg12[%mul3A_117, %dma_wait3A_131] : memref<10240x128xf32, #tpu.memory_space<vmem_shared>> -> memref<640x128xf32, #tpu.memory_space<vmem_shared>>
      tpu.wait_dma2 semaphore(%run_scoped3A : memref<!tpu.dma_semaphore, #tpu.memory_space<semaphore_mem>>) src(%dma_wait3A_132 : memref<640x128xf32, #tpu.memory_space<vmem_shared>>) dst(%dma_wait3A_130 : memref<640x128xf32, #tpu.memory_space<hbm>>)
      tpu.yield
    }) : () -> ()
    %barrier3A_125 = arith.constant 0 : index
    tpu.barrier barrier_id(%barrier3A_125)
    return
  }
}

#map = affine_map<(d0, d1) -> (0, 0)>
module attributes {stable_mosaic.version = 14 : i64} {
  func.func @k(%arg0: i32, %arg1: i32, %arg2: memref<10240x128xf32, #tpu.memory_space<hbm>>, %arg3: memref<10240x128xf32, #tpu.memory_space<hbm>>, %arg4: memref<2560x128xi32, #tpu.memory_space<hbm>>, %arg5: memref<2560x128xi32, #tpu.memory_space<hbm>>, %arg6: memref<10240x128xf32, #tpu.memory_space<hbm>>, %arg7: memref<40960x128xf32, #tpu.memory_space<hbm>>, %arg8: memref<40x128xi32, #tpu.memory_space<vmem>>, %arg9: memref<40x128xi32, #tpu.memory_space<vmem>>, %arg10: memref<128x128xf32, #tpu.memory_space<vmem>>, %arg11: memref<128x128xf32, #tpu.memory_space<vmem>>, %arg12: memref<10240x128xf32, #tpu.memory_space<vmem_shared>>, %arg13: memref<!tpu.dma_semaphore, #tpu.memory_space<semaphore_mem>>, %arg14: memref<!tpu.dma_semaphore, #tpu.memory_space<semaphore_mem>>, %arg15: memref<!tpu.dma_semaphore, #tpu.memory_space<semaphore_mem>>, %arg16: memref<!tpu.dma_semaphore, #tpu.memory_space<semaphore_mem>>) attributes {dimension_semantics = [#tpu.dimension_semantics<core_parallel>, #tpu.dimension_semantics<subcore_parallel>], iteration_bounds = array<i64: 2, 16>, scalar_prefetch = 0 : i64, scratch_operands = 9 : i64, tpu.core_type = #tpu.core_type<sc_vector_subcore>, window_params = [{transform_indices = #map}, {transform_indices = #map}, {transform_indices = #map}, {transform_indices = #map}, {transform_indices = #map}, {transform_indices = #map}]} {
    %mul3A = arith.constant 2 : i32
    %mul3A_0 = arith.muli %arg1, %mul3A : i32
    %add3A = arith.addi %mul3A_0, %arg0 : i32
    %mul3A_1 = arith.constant 640 : i32
    %mul3A_2 = arith.muli %arg1, %mul3A_1 : i32
    %mul3A_3 = arith.constant 640 : i32
    %mul3A_4 = arith.muli %arg1, %mul3A_3 : i32
    "tpu.region"() ({
      %run_scoped3A = tpu.sem_alloc : memref<!tpu.dma_semaphore, #tpu.memory_space<semaphore_mem>>
      %dma_start3A_126 = arith.constant 0 : i32
      %dma_start3A_127 = tpu.memref_slice %arg12[%mul3A_4, %dma_start3A_126] : memref<10240x128xf32, #tpu.memory_space<vmem_shared>> -> memref<640x128xf32, #tpu.memory_space<vmem_shared>>
      %dma_start3A_128 = arith.constant 0 : i32
      %dma_start3A_129 = tpu.memref_slice %arg6[%mul3A_2, %dma_start3A_128] : memref<10240x128xf32, #tpu.memory_space<hbm>> -> memref<640x128xf32, #tpu.memory_space<hbm>>
      tpu.enqueue_dma source(%dma_start3A_129 : memref<640x128xf32, #tpu.memory_space<hbm>>) target(%dma_start3A_127 : memref<640x128xf32, #tpu.memory_space<vmem_shared>>) target_semaphore(%run_scoped3A : memref<!tpu.dma_semaphore, #tpu.memory_space<semaphore_mem>>)
      %dma_wait3A = arith.constant 0 : i32
      %dma_wait3A_130 = tpu.memref_slice %arg12[%mul3A_4, %dma_wait3A] : memref<10240x128xf32, #tpu.memory_space<vmem_shared>> -> memref<640x128xf32, #tpu.memory_space<vmem_shared>>
      %dma_wait3A_131 = arith.constant 0 : i32
      %dma_wait3A_132 = tpu.memref_slice %arg6[%mul3A_2, %dma_wait3A_131] : memref<10240x128xf32, #tpu.memory_space<hbm>> -> memref<640x128xf32, #tpu.memory_space<hbm>>
      tpu.wait_dma2 semaphore(%run_scoped3A : memref<!tpu.dma_semaphore, #tpu.memory_space<semaphore_mem>>) src(%dma_wait3A_132 : memref<640x128xf32, #tpu.memory_space<hbm>>) dst(%dma_wait3A_130 : memref<640x128xf32, #tpu.memory_space<vmem_shared>>)
      tpu.yield
    }) : () -> ()
    %barrier3A = arith.constant 0 : index
    tpu.barrier barrier_id(%barrier3A)
    %mul3A_5 = arith.constant 80 : i32
    %mul3A_6 = arith.muli %add3A, %mul3A_5 : i32
    %add3A_7 = arith.constant 0 : i32
    %add3A_8 = arith.addi %mul3A_6, %add3A_7 : i32
    "tpu.region"() ({
      %run_scoped3A = tpu.sem_alloc : memref<!tpu.dma_semaphore, #tpu.memory_space<semaphore_mem>>
      %dma_start3A_126 = arith.constant 0 : i32
      %dma_start3A_127 = tpu.memref_slice %arg4[%add3A_8, %dma_start3A_126] : memref<2560x128xi32, #tpu.memory_space<hbm>> -> memref<40x128xi32, #tpu.memory_space<hbm>>
      %dma_start3A_128 = arith.constant 0 : i32
      %dma_start3A_129 = tpu.memref_slice %arg4[%add3A_8, %dma_start3A_128] : memref<2560x128xi32, #tpu.memory_space<hbm>> -> memref<40x128xi32, #tpu.memory_space<hbm>>
      tpu.enqueue_dma source(%dma_start3A_129 : memref<40x128xi32, #tpu.memory_space<hbm>>) target(%arg8 : memref<40x128xi32, #tpu.memory_space<vmem>>) target_semaphore(%run_scoped3A : memref<!tpu.dma_semaphore, #tpu.memory_space<semaphore_mem>>)
      %dma_wait3A = arith.constant 0 : i32
      %dma_wait3A_130 = tpu.memref_slice %arg4[%add3A_8, %dma_wait3A] : memref<2560x128xi32, #tpu.memory_space<hbm>> -> memref<40x128xi32, #tpu.memory_space<hbm>>
      %dma_wait3A_131 = arith.constant 0 : i32
      %dma_wait3A_132 = tpu.memref_slice %arg4[%add3A_8, %dma_wait3A_131] : memref<2560x128xi32, #tpu.memory_space<hbm>> -> memref<40x128xi32, #tpu.memory_space<hbm>>
      tpu.wait_dma2 semaphore(%run_scoped3A : memref<!tpu.dma_semaphore, #tpu.memory_space<semaphore_mem>>) src(%dma_wait3A_132 : memref<40x128xi32, #tpu.memory_space<hbm>>) dst(%arg8 : memref<40x128xi32, #tpu.memory_space<vmem>>)
      tpu.yield
    }) : () -> ()
    "tpu.region"() ({
      %run_scoped3A = tpu.sem_alloc : memref<!tpu.dma_semaphore, #tpu.memory_space<semaphore_mem>>
      %dma_start3A_126 = arith.constant 0 : i32
      %dma_start3A_127 = tpu.memref_slice %arg5[%add3A_8, %dma_start3A_126] : memref<2560x128xi32, #tpu.memory_space<hbm>> -> memref<40x128xi32, #tpu.memory_space<hbm>>
      %dma_start3A_128 = arith.constant 0 : i32
      %dma_start3A_129 = tpu.memref_slice %arg5[%add3A_8, %dma_start3A_128] : memref<2560x128xi32, #tpu.memory_space<hbm>> -> memref<40x128xi32, #tpu.memory_space<hbm>>
      tpu.enqueue_dma source(%dma_start3A_129 : memref<40x128xi32, #tpu.memory_space<hbm>>) target(%arg9 : memref<40x128xi32, #tpu.memory_space<vmem>>) target_semaphore(%run_scoped3A : memref<!tpu.dma_semaphore, #tpu.memory_space<semaphore_mem>>)
      %dma_wait3A = arith.constant 0 : i32
      %dma_wait3A_130 = tpu.memref_slice %arg5[%add3A_8, %dma_wait3A] : memref<2560x128xi32, #tpu.memory_space<hbm>> -> memref<40x128xi32, #tpu.memory_space<hbm>>
      %dma_wait3A_131 = arith.constant 0 : i32
      %dma_wait3A_132 = tpu.memref_slice %arg5[%add3A_8, %dma_wait3A_131] : memref<2560x128xi32, #tpu.memory_space<hbm>> -> memref<40x128xi32, #tpu.memory_space<hbm>>
      tpu.wait_dma2 semaphore(%run_scoped3A : memref<!tpu.dma_semaphore, #tpu.memory_space<semaphore_mem>>) src(%dma_wait3A_132 : memref<40x128xi32, #tpu.memory_space<hbm>>) dst(%arg9 : memref<40x128xi32, #tpu.memory_space<vmem>>)
      tpu.yield
    }) : () -> ()
    %dma_start3A = arith.constant 0 : i32
    %dma_start3A_9 = arith.constant 0 : i32
    %dma_start3A_10 = tpu.memref_slice %arg8[%dma_start3A, %dma_start3A_9] : memref<40x128xi32, #tpu.memory_space<vmem>> -> memref<1x128xi32, #tpu.memory_space<vmem>>
    %dma_start3A_11 = tpu.memref_squeeze %dma_start3A_10 : memref<1x128xi32, #tpu.memory_space<vmem>> -> memref<128xi32, #tpu.memory_space<vmem>>
    %dma_start3A_12 = arith.constant 0 : i32
    %dma_start3A_13 = arith.constant 0 : i32
    %dma_start3A_14 = tpu.memref_slice %arg2[%dma_start3A_12, %dma_start3A_13] : memref<10240x128xf32, #tpu.memory_space<hbm>> -> memref<10240x128xf32, #tpu.memory_space<hbm>>
    tpu.enqueue_indirect_dma source(%dma_start3A_14 : memref<10240x128xf32, #tpu.memory_space<hbm>>) target(%arg10 : memref<128x128xf32, #tpu.memory_space<vmem>>) offsets(%dma_start3A_11 : memref<128xi32, #tpu.memory_space<vmem>>) semaphore(%arg13 : memref<!tpu.dma_semaphore, #tpu.memory_space<semaphore_mem>>)
    %dma_start3A_15 = arith.constant 1 : i32
    %dma_start3A_16 = arith.constant 0 : i32
    %dma_start3A_17 = tpu.memref_slice %arg8[%dma_start3A_15, %dma_start3A_16] : memref<40x128xi32, #tpu.memory_space<vmem>> -> memref<1x128xi32, #tpu.memory_space<vmem>>
    %dma_start3A_18 = tpu.memref_squeeze %dma_start3A_17 : memref<1x128xi32, #tpu.memory_space<vmem>> -> memref<128xi32, #tpu.memory_space<vmem>>
    %dma_start3A_19 = arith.constant 0 : i32
    %dma_start3A_20 = arith.constant 0 : i32
    %dma_start3A_21 = tpu.memref_slice %arg2[%dma_start3A_19, %dma_start3A_20] : memref<10240x128xf32, #tpu.memory_space<hbm>> -> memref<10240x128xf32, #tpu.memory_space<hbm>>
    tpu.enqueue_indirect_dma source(%dma_start3A_21 : memref<10240x128xf32, #tpu.memory_space<hbm>>) target(%arg11 : memref<128x128xf32, #tpu.memory_space<vmem>>) offsets(%dma_start3A_18 : memref<128xi32, #tpu.memory_space<vmem>>) semaphore(%arg14 : memref<!tpu.dma_semaphore, #tpu.memory_space<semaphore_mem>>)
    %scan3A = arith.constant 0 : i32
    %scan3A_22 = arith.constant 0 : i32
    %scan3A_23 = arith.constant 20 : i32
    %scan3A_24 = arith.addi %scan3A_22, %scan3A_23 : i32
    %scan3A_25 = arith.constant 1 : i32
    scf.for %scan3A_126 = %scan3A_22 to %scan3A_24 step %scan3A_25  : i32 {
      %mul3A_127 = arith.constant 2 : i32
      %mul3A_128 = arith.muli %scan3A_126, %mul3A_127 : i32
      %dma_wait3A = arith.constant 0 : i32
      %dma_wait3A_129 = arith.constant 0 : i32
      %dma_wait3A_130 = tpu.memref_slice %arg2[%dma_wait3A, %dma_wait3A_129] : memref<10240x128xf32, #tpu.memory_space<hbm>> -> memref<128x128xf32, #tpu.memory_space<hbm>>
      %dma_wait3A_131 = arith.constant 0 : i32
      %dma_wait3A_132 = arith.constant 0 : i32
      %dma_wait3A_133 = tpu.memref_slice %arg2[%dma_wait3A_131, %dma_wait3A_132] : memref<10240x128xf32, #tpu.memory_space<hbm>> -> memref<128x128xf32, #tpu.memory_space<hbm>>
      tpu.wait_dma2 semaphore(%arg13 : memref<!tpu.dma_semaphore, #tpu.memory_space<semaphore_mem>>) src(%dma_wait3A_133 : memref<128x128xf32, #tpu.memory_space<hbm>>) dst(%arg10 : memref<128x128xf32, #tpu.memory_space<vmem>>)
      %dma_start3A_134 = arith.constant 0 : i32
      %dma_start3A_135 = tpu.memref_slice %arg9[%mul3A_128, %dma_start3A_134] : memref<40x128xi32, #tpu.memory_space<vmem>> -> memref<1x128xi32, #tpu.memory_space<vmem>>
      %dma_start3A_136 = tpu.memref_squeeze %dma_start3A_135 : memref<1x128xi32, #tpu.memory_space<vmem>> -> memref<128xi32, #tpu.memory_space<vmem>>
      %dma_start3A_137 = arith.constant 0 : i32
      %dma_start3A_138 = arith.constant 0 : i32
      %dma_start3A_139 = tpu.memref_slice %arg12[%dma_start3A_137, %dma_start3A_138] : memref<10240x128xf32, #tpu.memory_space<vmem_shared>> -> memref<10240x128xf32, #tpu.memory_space<vmem_shared>>
      tpu.enqueue_indirect_dma source(%arg10 : memref<128x128xf32, #tpu.memory_space<vmem>>) target(%dma_start3A_139 : memref<10240x128xf32, #tpu.memory_space<vmem_shared>>) offsets(%dma_start3A_136 : memref<128xi32, #tpu.memory_space<vmem>>) semaphore(%arg15 : memref<!tpu.dma_semaphore, #tpu.memory_space<semaphore_mem>>) {add = true}
      %dma_wait3A_140 = arith.constant 0 : i32
      %dma_wait3A_141 = arith.constant 0 : i32
      %dma_wait3A_142 = tpu.memref_slice %arg2[%dma_wait3A_140, %dma_wait3A_141] : memref<10240x128xf32, #tpu.memory_space<hbm>> -> memref<128x128xf32, #tpu.memory_space<hbm>>
      %dma_wait3A_143 = arith.constant 0 : i32
      %dma_wait3A_144 = arith.constant 0 : i32
      %dma_wait3A_145 = tpu.memref_slice %arg2[%dma_wait3A_143, %dma_wait3A_144] : memref<10240x128xf32, #tpu.memory_space<hbm>> -> memref<128x128xf32, #tpu.memory_space<hbm>>
      tpu.wait_dma2 semaphore(%arg14 : memref<!tpu.dma_semaphore, #tpu.memory_space<semaphore_mem>>) src(%dma_wait3A_145 : memref<128x128xf32, #tpu.memory_space<hbm>>) dst(%arg11 : memref<128x128xf32, #tpu.memory_space<vmem>>)
      %add3A_146 = arith.constant 1 : i32
      %add3A_147 = arith.addi %mul3A_128, %add3A_146 : i32
      %dma_start3A_148 = arith.constant 0 : i32
      %dma_start3A_149 = tpu.memref_slice %arg9[%add3A_147, %dma_start3A_148] : memref<40x128xi32, #tpu.memory_space<vmem>> -> memref<1x128xi32, #tpu.memory_space<vmem>>
      %dma_start3A_150 = tpu.memref_squeeze %dma_start3A_149 : memref<1x128xi32, #tpu.memory_space<vmem>> -> memref<128xi32, #tpu.memory_space<vmem>>
      %dma_start3A_151 = arith.constant 0 : i32
      %dma_start3A_152 = arith.constant 0 : i32
      %dma_start3A_153 = tpu.memref_slice %arg12[%dma_start3A_151, %dma_start3A_152] : memref<10240x128xf32, #tpu.memory_space<vmem_shared>> -> memref<10240x128xf32, #tpu.memory_space<vmem_shared>>
      tpu.enqueue_indirect_dma source(%arg11 : memref<128x128xf32, #tpu.memory_space<vmem>>) target(%dma_start3A_153 : memref<10240x128xf32, #tpu.memory_space<vmem_shared>>) offsets(%dma_start3A_150 : memref<128xi32, #tpu.memory_space<vmem>>) semaphore(%arg16 : memref<!tpu.dma_semaphore, #tpu.memory_space<semaphore_mem>>) {add = true}
      %dma_wait3A_154 = arith.constant 0 : i32
      %dma_wait3A_155 = tpu.memref_slice %arg9[%mul3A_128, %dma_wait3A_154] : memref<40x128xi32, #tpu.memory_space<vmem>> -> memref<1x128xi32, #tpu.memory_space<vmem>>
      %dma_wait3A_156 = tpu.memref_squeeze %dma_wait3A_155 : memref<1x128xi32, #tpu.memory_space<vmem>> -> memref<128xi32, #tpu.memory_space<vmem>>
      %dma_wait3A_157 = arith.constant 0 : i32
      %dma_wait3A_158 = arith.constant 0 : i32
      %dma_wait3A_159 = tpu.memref_slice %arg12[%dma_wait3A_157, %dma_wait3A_158] : memref<10240x128xf32, #tpu.memory_space<vmem_shared>> -> memref<10240x128xf32, #tpu.memory_space<vmem_shared>>
      tpu.wait_indirect_dma semaphore(%arg15 : memref<!tpu.dma_semaphore, #tpu.memory_space<semaphore_mem>>) src(%arg10 : memref<128x128xf32, #tpu.memory_space<vmem>>) dst(%dma_wait3A_159 : memref<10240x128xf32, #tpu.memory_space<vmem_shared>>)
      %add3A_160 = arith.constant 2 : i32
      %add3A_161 = arith.addi %mul3A_128, %add3A_160 : i32
      %lt3A = arith.constant 40 : i32
      %lt3A_162 = arith.cmpi slt, %add3A_161, %lt3A : i32
      %convert_element_type3A = arith.extui %lt3A_162 : i1 to i32
      %cond3A = arith.constant 0 : i32
      %cond3A_163 = arith.cmpi ne, %convert_element_type3A, %cond3A : i32
      scf.if %cond3A_163 {
        %add3A_179 = arith.constant 2 : i32
        %add3A_180 = arith.addi %mul3A_128, %add3A_179 : i32
        %dma_start3A_181 = arith.constant 0 : i32
        %dma_start3A_182 = tpu.memref_slice %arg8[%add3A_180, %dma_start3A_181] : memref<40x128xi32, #tpu.memory_space<vmem>> -> memref<1x128xi32, #tpu.memory_space<vmem>>
        %dma_start3A_183 = tpu.memref_squeeze %dma_start3A_182 : memref<1x128xi32, #tpu.memory_space<vmem>> -> memref<128xi32, #tpu.memory_space<vmem>>
        %dma_start3A_184 = arith.constant 0 : i32
        %dma_start3A_185 = arith.constant 0 : i32
        %dma_start3A_186 = tpu.memref_slice %arg2[%dma_start3A_184, %dma_start3A_185] : memref<10240x128xf32, #tpu.memory_space<hbm>> -> memref<10240x128xf32, #tpu.memory_space<hbm>>
        tpu.enqueue_indirect_dma source(%dma_start3A_186 : memref<10240x128xf32, #tpu.memory_space<hbm>>) target(%arg10 : memref<128x128xf32, #tpu.memory_space<vmem>>) offsets(%dma_start3A_183 : memref<128xi32, #tpu.memory_space<vmem>>) semaphore(%arg13 : memref<!tpu.dma_semaphore, #tpu.memory_space<semaphore_mem>>)
      } else {
      }
      %add3A_164 = arith.constant 1 : i32
      %add3A_165 = arith.addi %mul3A_128, %add3A_164 : i32
      %dma_wait3A_166 = arith.constant 0 : i32
      %dma_wait3A_167 = tpu.memref_slice %arg9[%add3A_165, %dma_wait3A_166] : memref<40x128xi32, #tpu.memory_space<vmem>> -> memref<1x128xi32, #tpu.memory_space<vmem>>
      %dma_wait3A_168 = tpu.memref_squeeze %dma_wait3A_167 : memref<1x128xi32, #tpu.memory_space<vmem>> -> memref<128xi32, #tpu.memory_space<vmem>>
      %dma_wait3A_169 = arith.constant 0 : i32
      %dma_wait3A_170 = arith.constant 0 : i32
      %dma_wait3A_171 = tpu.memref_slice %arg12[%dma_wait3A_169, %dma_wait3A_170] : memref<10240x128xf32, #tpu.memory_space<vmem_shared>> -> memref<10240x128xf32, #tpu.memory_space<vmem_shared>>
      tpu.wait_indirect_dma semaphore(%arg16 : memref<!tpu.dma_semaphore, #tpu.memory_space<semaphore_mem>>) src(%arg11 : memref<128x128xf32, #tpu.memory_space<vmem>>) dst(%dma_wait3A_171 : memref<10240x128xf32, #tpu.memory_space<vmem_shared>>)
      %add3A_172 = arith.constant 3 : i32
      %add3A_173 = arith.addi %mul3A_128, %add3A_172 : i32
      %lt3A_174 = arith.constant 40 : i32
      %lt3A_175 = arith.cmpi slt, %add3A_173, %lt3A_174 : i32
      %convert_element_type3A_176 = arith.extui %lt3A_175 : i1 to i32
      %cond3A_177 = arith.constant 0 : i32
      %cond3A_178 = arith.cmpi ne, %convert_element_type3A_176, %cond3A_177 : i32
      scf.if %cond3A_178 {
        %add3A_179 = arith.constant 3 : i32
        %add3A_180 = arith.addi %mul3A_128, %add3A_179 : i32
        %dma_start3A_181 = arith.constant 0 : i32
        %dma_start3A_182 = tpu.memref_slice %arg8[%add3A_180, %dma_start3A_181] : memref<40x128xi32, #tpu.memory_space<vmem>> -> memref<1x128xi32, #tpu.memory_space<vmem>>
        %dma_start3A_183 = tpu.memref_squeeze %dma_start3A_182 : memref<1x128xi32, #tpu.memory_space<vmem>> -> memref<128xi32, #tpu.memory_space<vmem>>
        %dma_start3A_184 = arith.constant 0 : i32
        %dma_start3A_185 = arith.constant 0 : i32
        %dma_start3A_186 = tpu.memref_slice %arg2[%dma_start3A_184, %dma_start3A_185] : memref<10240x128xf32, #tpu.memory_space<hbm>> -> memref<10240x128xf32, #tpu.memory_space<hbm>>
        tpu.enqueue_indirect_dma source(%dma_start3A_186 : memref<10240x128xf32, #tpu.memory_space<hbm>>) target(%arg11 : memref<128x128xf32, #tpu.memory_space<vmem>>) offsets(%dma_start3A_183 : memref<128xi32, #tpu.memory_space<vmem>>) semaphore(%arg14 : memref<!tpu.dma_semaphore, #tpu.memory_space<semaphore_mem>>)
      } else {
      }
    }
    %scan3A_26 = arith.constant 20 : i32
    %mul3A_27 = arith.constant 80 : i32
    %mul3A_28 = arith.muli %add3A, %mul3A_27 : i32
    %add3A_29 = arith.constant 40 : i32
    %add3A_30 = arith.addi %mul3A_28, %add3A_29 : i32
    "tpu.region"() ({
      %run_scoped3A = tpu.sem_alloc : memref<!tpu.dma_semaphore, #tpu.memory_space<semaphore_mem>>
      %dma_start3A_126 = arith.constant 0 : i32
      %dma_start3A_127 = tpu.memref_slice %arg4[%add3A_30, %dma_start3A_126] : memref<2560x128xi32, #tpu.memory_space<hbm>> -> memref<40x128xi32, #tpu.memory_space<hbm>>
      %dma_start3A_128 = arith.constant 0 : i32
      %dma_start3A_129 = tpu.memref_slice %arg4[%add3A_30, %dma_start3A_128] : memref<2560x128xi32, #tpu.memory_space<hbm>> -> memref<40x128xi32, #tpu.memory_space<hbm>>
      tpu.enqueue_dma source(%dma_start3A_129 : memref<40x128xi32, #tpu.memory_space<hbm>>) target(%arg8 : memref<40x128xi32, #tpu.memory_space<vmem>>) target_semaphore(%run_scoped3A : memref<!tpu.dma_semaphore, #tpu.memory_space<semaphore_mem>>)
      %dma_wait3A = arith.constant 0 : i32
      %dma_wait3A_130 = tpu.memref_slice %arg4[%add3A_30, %dma_wait3A] : memref<2560x128xi32, #tpu.memory_space<hbm>> -> memref<40x128xi32, #tpu.memory_space<hbm>>
      %dma_wait3A_131 = arith.constant 0 : i32
      %dma_wait3A_132 = tpu.memref_slice %arg4[%add3A_30, %dma_wait3A_131] : memref<2560x128xi32, #tpu.memory_space<hbm>> -> memref<40x128xi32, #tpu.memory_space<hbm>>
      tpu.wait_dma2 semaphore(%run_scoped3A : memref<!tpu.dma_semaphore, #tpu.memory_space<semaphore_mem>>) src(%dma_wait3A_132 : memref<40x128xi32, #tpu.memory_space<hbm>>) dst(%arg8 : memref<40x128xi32, #tpu.memory_space<vmem>>)
      tpu.yield
    }) : () -> ()
    "tpu.region"() ({
      %run_scoped3A = tpu.sem_alloc : memref<!tpu.dma_semaphore, #tpu.memory_space<semaphore_mem>>
      %dma_start3A_126 = arith.constant 0 : i32
      %dma_start3A_127 = tpu.memref_slice %arg5[%add3A_30, %dma_start3A_126] : memref<2560x128xi32, #tpu.memory_space<hbm>> -> memref<40x128xi32, #tpu.memory_space<hbm>>
      %dma_start3A_128 = arith.constant 0 : i32
      %dma_start3A_129 = tpu.memref_slice %arg5[%add3A_30, %dma_start3A_128] : memref<2560x128xi32, #tpu.memory_space<hbm>> -> memref<40x128xi32, #tpu.memory_space<hbm>>
      tpu.enqueue_dma source(%dma_start3A_129 : memref<40x128xi32, #tpu.memory_space<hbm>>) target(%arg9 : memref<40x128xi32, #tpu.memory_space<vmem>>) target_semaphore(%run_scoped3A : memref<!tpu.dma_semaphore, #tpu.memory_space<semaphore_mem>>)
      %dma_wait3A = arith.constant 0 : i32
      %dma_wait3A_130 = tpu.memref_slice %arg5[%add3A_30, %dma_wait3A] : memref<2560x128xi32, #tpu.memory_space<hbm>> -> memref<40x128xi32, #tpu.memory_space<hbm>>
      %dma_wait3A_131 = arith.constant 0 : i32
      %dma_wait3A_132 = tpu.memref_slice %arg5[%add3A_30, %dma_wait3A_131] : memref<2560x128xi32, #tpu.memory_space<hbm>> -> memref<40x128xi32, #tpu.memory_space<hbm>>
      tpu.wait_dma2 semaphore(%run_scoped3A : memref<!tpu.dma_semaphore, #tpu.memory_space<semaphore_mem>>) src(%dma_wait3A_132 : memref<40x128xi32, #tpu.memory_space<hbm>>) dst(%arg9 : memref<40x128xi32, #tpu.memory_space<vmem>>)
      tpu.yield
    }) : () -> ()
    %dma_start3A_31 = arith.constant 0 : i32
    %dma_start3A_32 = arith.constant 0 : i32
    %dma_start3A_33 = tpu.memref_slice %arg8[%dma_start3A_31, %dma_start3A_32] : memref<40x128xi32, #tpu.memory_space<vmem>> -> memref<1x128xi32, #tpu.memory_space<vmem>>
    %dma_start3A_34 = tpu.memref_squeeze %dma_start3A_33 : memref<1x128xi32, #tpu.memory_space<vmem>> -> memref<128xi32, #tpu.memory_space<vmem>>
    %dma_start3A_35 = arith.constant 0 : i32
    %dma_start3A_36 = arith.constant 0 : i32
    %dma_start3A_37 = tpu.memref_slice %arg2[%dma_start3A_35, %dma_start3A_36] : memref<10240x128xf32, #tpu.memory_space<hbm>> -> memref<10240x128xf32, #tpu.memory_space<hbm>>
    tpu.enqueue_indirect_dma source(%dma_start3A_37 : memref<10240x128xf32, #tpu.memory_space<hbm>>) target(%arg10 : memref<128x128xf32, #tpu.memory_space<vmem>>) offsets(%dma_start3A_34 : memref<128xi32, #tpu.memory_space<vmem>>) semaphore(%arg13 : memref<!tpu.dma_semaphore, #tpu.memory_space<semaphore_mem>>)
    %dma_start3A_38 = arith.constant 1 : i32
    %dma_start3A_39 = arith.constant 0 : i32
    %dma_start3A_40 = tpu.memref_slice %arg8[%dma_start3A_38, %dma_start3A_39] : memref<40x128xi32, #tpu.memory_space<vmem>> -> memref<1x128xi32, #tpu.memory_space<vmem>>
    %dma_start3A_41 = tpu.memref_squeeze %dma_start3A_40 : memref<1x128xi32, #tpu.memory_space<vmem>> -> memref<128xi32, #tpu.memory_space<vmem>>
    %dma_start3A_42 = arith.constant 0 : i32
    %dma_start3A_43 = arith.constant 0 : i32
    %dma_start3A_44 = tpu.memref_slice %arg2[%dma_start3A_42, %dma_start3A_43] : memref<10240x128xf32, #tpu.memory_space<hbm>> -> memref<10240x128xf32, #tpu.memory_space<hbm>>
    tpu.enqueue_indirect_dma source(%dma_start3A_44 : memref<10240x128xf32, #tpu.memory_space<hbm>>) target(%arg11 : memref<128x128xf32, #tpu.memory_space<vmem>>) offsets(%dma_start3A_41 : memref<128xi32, #tpu.memory_space<vmem>>) semaphore(%arg14 : memref<!tpu.dma_semaphore, #tpu.memory_space<semaphore_mem>>)
    %scan3A_45 = arith.constant 0 : i32
    %scan3A_46 = arith.constant 0 : i32
    %scan3A_47 = arith.constant 20 : i32
    %scan3A_48 = arith.addi %scan3A_46, %scan3A_47 : i32
    %scan3A_49 = arith.constant 1 : i32
    scf.for %scan3A_126 = %scan3A_46 to %scan3A_48 step %scan3A_49  : i32 {
      %mul3A_127 = arith.constant 2 : i32
      %mul3A_128 = arith.muli %scan3A_126, %mul3A_127 : i32
      %dma_wait3A = arith.constant 0 : i32
      %dma_wait3A_129 = arith.constant 0 : i32
      %dma_wait3A_130 = tpu.memref_slice %arg2[%dma_wait3A, %dma_wait3A_129] : memref<10240x128xf32, #tpu.memory_space<hbm>> -> memref<128x128xf32, #tpu.memory_space<hbm>>
      %dma_wait3A_131 = arith.constant 0 : i32
      %dma_wait3A_132 = arith.constant 0 : i32
      %dma_wait3A_133 = tpu.memref_slice %arg2[%dma_wait3A_131, %dma_wait3A_132] : memref<10240x128xf32, #tpu.memory_space<hbm>> -> memref<128x128xf32, #tpu.memory_space<hbm>>
      tpu.wait_dma2 semaphore(%arg13 : memref<!tpu.dma_semaphore, #tpu.memory_space<semaphore_mem>>) src(%dma_wait3A_133 : memref<128x128xf32, #tpu.memory_space<hbm>>) dst(%arg10 : memref<128x128xf32, #tpu.memory_space<vmem>>)
      %dma_start3A_134 = arith.constant 0 : i32
      %dma_start3A_135 = tpu.memref_slice %arg9[%mul3A_128, %dma_start3A_134] : memref<40x128xi32, #tpu.memory_space<vmem>> -> memref<1x128xi32, #tpu.memory_space<vmem>>
      %dma_start3A_136 = tpu.memref_squeeze %dma_start3A_135 : memref<1x128xi32, #tpu.memory_space<vmem>> -> memref<128xi32, #tpu.memory_space<vmem>>
      %dma_start3A_137 = arith.constant 0 : i32
      %dma_start3A_138 = arith.constant 0 : i32
      %dma_start3A_139 = tpu.memref_slice %arg12[%dma_start3A_137, %dma_start3A_138] : memref<10240x128xf32, #tpu.memory_space<vmem_shared>> -> memref<10240x128xf32, #tpu.memory_space<vmem_shared>>
      tpu.enqueue_indirect_dma source(%arg10 : memref<128x128xf32, #tpu.memory_space<vmem>>) target(%dma_start3A_139 : memref<10240x128xf32, #tpu.memory_space<vmem_shared>>) offsets(%dma_start3A_136 : memref<128xi32, #tpu.memory_space<vmem>>) semaphore(%arg15 : memref<!tpu.dma_semaphore, #tpu.memory_space<semaphore_mem>>) {add = true}
      %dma_wait3A_140 = arith.constant 0 : i32
      %dma_wait3A_141 = arith.constant 0 : i32
      %dma_wait3A_142 = tpu.memref_slice %arg2[%dma_wait3A_140, %dma_wait3A_141] : memref<10240x128xf32, #tpu.memory_space<hbm>> -> memref<128x128xf32, #tpu.memory_space<hbm>>
      %dma_wait3A_143 = arith.constant 0 : i32
      %dma_wait3A_144 = arith.constant 0 : i32
      %dma_wait3A_145 = tpu.memref_slice %arg2[%dma_wait3A_143, %dma_wait3A_144] : memref<10240x128xf32, #tpu.memory_space<hbm>> -> memref<128x128xf32, #tpu.memory_space<hbm>>
      tpu.wait_dma2 semaphore(%arg14 : memref<!tpu.dma_semaphore, #tpu.memory_space<semaphore_mem>>) src(%dma_wait3A_145 : memref<128x128xf32, #tpu.memory_space<hbm>>) dst(%arg11 : memref<128x128xf32, #tpu.memory_space<vmem>>)
      %add3A_146 = arith.constant 1 : i32
      %add3A_147 = arith.addi %mul3A_128, %add3A_146 : i32
      %dma_start3A_148 = arith.constant 0 : i32
      %dma_start3A_149 = tpu.memref_slice %arg9[%add3A_147, %dma_start3A_148] : memref<40x128xi32, #tpu.memory_space<vmem>> -> memref<1x128xi32, #tpu.memory_space<vmem>>
      %dma_start3A_150 = tpu.memref_squeeze %dma_start3A_149 : memref<1x128xi32, #tpu.memory_space<vmem>> -> memref<128xi32, #tpu.memory_space<vmem>>
      %dma_start3A_151 = arith.constant 0 : i32
      %dma_start3A_152 = arith.constant 0 : i32
      %dma_start3A_153 = tpu.memref_slice %arg12[%dma_start3A_151, %dma_start3A_152] : memref<10240x128xf32, #tpu.memory_space<vmem_shared>> -> memref<10240x128xf32, #tpu.memory_space<vmem_shared>>
      tpu.enqueue_indirect_dma source(%arg11 : memref<128x128xf32, #tpu.memory_space<vmem>>) target(%dma_start3A_153 : memref<10240x128xf32, #tpu.memory_space<vmem_shared>>) offsets(%dma_start3A_150 : memref<128xi32, #tpu.memory_space<vmem>>) semaphore(%arg16 : memref<!tpu.dma_semaphore, #tpu.memory_space<semaphore_mem>>) {add = true}
      %dma_wait3A_154 = arith.constant 0 : i32
      %dma_wait3A_155 = tpu.memref_slice %arg9[%mul3A_128, %dma_wait3A_154] : memref<40x128xi32, #tpu.memory_space<vmem>> -> memref<1x128xi32, #tpu.memory_space<vmem>>
      %dma_wait3A_156 = tpu.memref_squeeze %dma_wait3A_155 : memref<1x128xi32, #tpu.memory_space<vmem>> -> memref<128xi32, #tpu.memory_space<vmem>>
      %dma_wait3A_157 = arith.constant 0 : i32
      %dma_wait3A_158 = arith.constant 0 : i32
      %dma_wait3A_159 = tpu.memref_slice %arg12[%dma_wait3A_157, %dma_wait3A_158] : memref<10240x128xf32, #tpu.memory_space<vmem_shared>> -> memref<10240x128xf32, #tpu.memory_space<vmem_shared>>
      tpu.wait_indirect_dma semaphore(%arg15 : memref<!tpu.dma_semaphore, #tpu.memory_space<semaphore_mem>>) src(%arg10 : memref<128x128xf32, #tpu.memory_space<vmem>>) dst(%dma_wait3A_159 : memref<10240x128xf32, #tpu.memory_space<vmem_shared>>)
      %add3A_160 = arith.constant 2 : i32
      %add3A_161 = arith.addi %mul3A_128, %add3A_160 : i32
      %lt3A = arith.constant 40 : i32
      %lt3A_162 = arith.cmpi slt, %add3A_161, %lt3A : i32
      %convert_element_type3A = arith.extui %lt3A_162 : i1 to i32
      %cond3A = arith.constant 0 : i32
      %cond3A_163 = arith.cmpi ne, %convert_element_type3A, %cond3A : i32
      scf.if %cond3A_163 {
        %add3A_179 = arith.constant 2 : i32
        %add3A_180 = arith.addi %mul3A_128, %add3A_179 : i32
        %dma_start3A_181 = arith.constant 0 : i32
        %dma_start3A_182 = tpu.memref_slice %arg8[%add3A_180, %dma_start3A_181] : memref<40x128xi32, #tpu.memory_space<vmem>> -> memref<1x128xi32, #tpu.memory_space<vmem>>
        %dma_start3A_183 = tpu.memref_squeeze %dma_start3A_182 : memref<1x128xi32, #tpu.memory_space<vmem>> -> memref<128xi32, #tpu.memory_space<vmem>>
        %dma_start3A_184 = arith.constant 0 : i32
        %dma_start3A_185 = arith.constant 0 : i32
        %dma_start3A_186 = tpu.memref_slice %arg2[%dma_start3A_184, %dma_start3A_185] : memref<10240x128xf32, #tpu.memory_space<hbm>> -> memref<10240x128xf32, #tpu.memory_space<hbm>>
        tpu.enqueue_indirect_dma source(%dma_start3A_186 : memref<10240x128xf32, #tpu.memory_space<hbm>>) target(%arg10 : memref<128x128xf32, #tpu.memory_space<vmem>>) offsets(%dma_start3A_183 : memref<128xi32, #tpu.memory_space<vmem>>) semaphore(%arg13 : memref<!tpu.dma_semaphore, #tpu.memory_space<semaphore_mem>>)
      } else {
      }
      %add3A_164 = arith.constant 1 : i32
      %add3A_165 = arith.addi %mul3A_128, %add3A_164 : i32
      %dma_wait3A_166 = arith.constant 0 : i32
      %dma_wait3A_167 = tpu.memref_slice %arg9[%add3A_165, %dma_wait3A_166] : memref<40x128xi32, #tpu.memory_space<vmem>> -> memref<1x128xi32, #tpu.memory_space<vmem>>
      %dma_wait3A_168 = tpu.memref_squeeze %dma_wait3A_167 : memref<1x128xi32, #tpu.memory_space<vmem>> -> memref<128xi32, #tpu.memory_space<vmem>>
      %dma_wait3A_169 = arith.constant 0 : i32
      %dma_wait3A_170 = arith.constant 0 : i32
      %dma_wait3A_171 = tpu.memref_slice %arg12[%dma_wait3A_169, %dma_wait3A_170] : memref<10240x128xf32, #tpu.memory_space<vmem_shared>> -> memref<10240x128xf32, #tpu.memory_space<vmem_shared>>
      tpu.wait_indirect_dma semaphore(%arg16 : memref<!tpu.dma_semaphore, #tpu.memory_space<semaphore_mem>>) src(%arg11 : memref<128x128xf32, #tpu.memory_space<vmem>>) dst(%dma_wait3A_171 : memref<10240x128xf32, #tpu.memory_space<vmem_shared>>)
      %add3A_172 = arith.constant 3 : i32
      %add3A_173 = arith.addi %mul3A_128, %add3A_172 : i32
      %lt3A_174 = arith.constant 40 : i32
      %lt3A_175 = arith.cmpi slt, %add3A_173, %lt3A_174 : i32
      %convert_element_type3A_176 = arith.extui %lt3A_175 : i1 to i32
      %cond3A_177 = arith.constant 0 : i32
      %cond3A_178 = arith.cmpi ne, %convert_element_type3A_176, %cond3A_177 : i32
      scf.if %cond3A_178 {
        %add3A_179 = arith.constant 3 : i32
        %add3A_180 = arith.addi %mul3A_128, %add3A_179 : i32
        %dma_start3A_181 = arith.constant 0 : i32
        %dma_start3A_182 = tpu.memref_slice %arg8[%add3A_180, %dma_start3A_181] : memref<40x128xi32, #tpu.memory_space<vmem>> -> memref<1x128xi32, #tpu.memory_space<vmem>>
        %dma_start3A_183 = tpu.memref_squeeze %dma_start3A_182 : memref<1x128xi32, #tpu.memory_space<vmem>> -> memref<128xi32, #tpu.memory_space<vmem>>
        %dma_start3A_184 = arith.constant 0 : i32
        %dma_start3A_185 = arith.constant 0 : i32
        %dma_start3A_186 = tpu.memref_slice %arg2[%dma_start3A_184, %dma_start3A_185] : memref<10240x128xf32, #tpu.memory_space<hbm>> -> memref<10240x128xf32, #tpu.memory_space<hbm>>
        tpu.enqueue_indirect_dma source(%dma_start3A_186 : memref<10240x128xf32, #tpu.memory_space<hbm>>) target(%arg11 : memref<128x128xf32, #tpu.memory_space<vmem>>) offsets(%dma_start3A_183 : memref<128xi32, #tpu.memory_space<vmem>>) semaphore(%arg14 : memref<!tpu.dma_semaphore, #tpu.memory_space<semaphore_mem>>)
      } else {
      }
    }
    %scan3A_50 = arith.constant 20 : i32
    %barrier3A_51 = arith.constant 0 : index
    tpu.barrier barrier_id(%barrier3A_51)
    %mul3A_52 = arith.constant 640 : i32
    %mul3A_53 = arith.muli %arg1, %mul3A_52 : i32
    %add3A_54 = arith.constant 0 : i32
    %add3A_55 = arith.addi %add3A_54, %arg0 : i32
    %mul3A_56 = arith.constant 10240 : i32
    %mul3A_57 = arith.muli %add3A_55, %mul3A_56 : i32
    %mul3A_58 = arith.constant 640 : i32
    %mul3A_59 = arith.muli %arg1, %mul3A_58 : i32
    %add3A_60 = arith.addi %mul3A_57, %mul3A_59 : i32
    "tpu.region"() ({
      %run_scoped3A = tpu.sem_alloc : memref<!tpu.dma_semaphore, #tpu.memory_space<semaphore_mem>>
      %dma_start3A_126 = arith.constant 0 : i32
      %dma_start3A_127 = tpu.memref_slice %arg7[%add3A_60, %dma_start3A_126] : memref<40960x128xf32, #tpu.memory_space<hbm>> -> memref<640x128xf32, #tpu.memory_space<hbm>>
      %dma_start3A_128 = arith.constant 0 : i32
      %dma_start3A_129 = tpu.memref_slice %arg12[%mul3A_53, %dma_start3A_128] : memref<10240x128xf32, #tpu.memory_space<vmem_shared>> -> memref<640x128xf32, #tpu.memory_space<vmem_shared>>
      tpu.enqueue_dma source(%dma_start3A_129 : memref<640x128xf32, #tpu.memory_space<vmem_shared>>) target(%dma_start3A_127 : memref<640x128xf32, #tpu.memory_space<hbm>>) target_semaphore(%run_scoped3A : memref<!tpu.dma_semaphore, #tpu.memory_space<semaphore_mem>>)
      %dma_wait3A = arith.constant 0 : i32
      %dma_wait3A_130 = tpu.memref_slice %arg7[%add3A_60, %dma_wait3A] : memref<40960x128xf32, #tpu.memory_space<hbm>> -> memref<640x128xf32, #tpu.memory_space<hbm>>
      %dma_wait3A_131 = arith.constant 0 : i32
      %dma_wait3A_132 = tpu.memref_slice %arg12[%mul3A_53, %dma_wait3A_131] : memref<10240x128xf32, #tpu.memory_space<vmem_shared>> -> memref<640x128xf32, #tpu.memory_space<vmem_shared>>
      tpu.wait_dma2 semaphore(%run_scoped3A : memref<!tpu.dma_semaphore, #tpu.memory_space<semaphore_mem>>) src(%dma_wait3A_132 : memref<640x128xf32, #tpu.memory_space<vmem_shared>>) dst(%dma_wait3A_130 : memref<640x128xf32, #tpu.memory_space<hbm>>)
      tpu.yield
    }) : () -> ()
    %barrier3A_61 = arith.constant 0 : index
    tpu.barrier barrier_id(%barrier3A_61)
    %mul3A_62 = arith.constant 640 : i32
    %mul3A_63 = arith.muli %arg1, %mul3A_62 : i32
    %mul3A_64 = arith.constant 640 : i32
    %mul3A_65 = arith.muli %arg1, %mul3A_64 : i32
    "tpu.region"() ({
      %run_scoped3A = tpu.sem_alloc : memref<!tpu.dma_semaphore, #tpu.memory_space<semaphore_mem>>
      %dma_start3A_126 = arith.constant 0 : i32
      %dma_start3A_127 = tpu.memref_slice %arg12[%mul3A_65, %dma_start3A_126] : memref<10240x128xf32, #tpu.memory_space<vmem_shared>> -> memref<640x128xf32, #tpu.memory_space<vmem_shared>>
      %dma_start3A_128 = arith.constant 0 : i32
      %dma_start3A_129 = tpu.memref_slice %arg6[%mul3A_63, %dma_start3A_128] : memref<10240x128xf32, #tpu.memory_space<hbm>> -> memref<640x128xf32, #tpu.memory_space<hbm>>
      tpu.enqueue_dma source(%dma_start3A_129 : memref<640x128xf32, #tpu.memory_space<hbm>>) target(%dma_start3A_127 : memref<640x128xf32, #tpu.memory_space<vmem_shared>>) target_semaphore(%run_scoped3A : memref<!tpu.dma_semaphore, #tpu.memory_space<semaphore_mem>>)
      %dma_wait3A = arith.constant 0 : i32
      %dma_wait3A_130 = tpu.memref_slice %arg12[%mul3A_65, %dma_wait3A] : memref<10240x128xf32, #tpu.memory_space<vmem_shared>> -> memref<640x128xf32, #tpu.memory_space<vmem_shared>>
      %dma_wait3A_131 = arith.constant 0 : i32
      %dma_wait3A_132 = tpu.memref_slice %arg6[%mul3A_63, %dma_wait3A_131] : memref<10240x128xf32, #tpu.memory_space<hbm>> -> memref<640x128xf32, #tpu.memory_space<hbm>>
      tpu.wait_dma2 semaphore(%run_scoped3A : memref<!tpu.dma_semaphore, #tpu.memory_space<semaphore_mem>>) src(%dma_wait3A_132 : memref<640x128xf32, #tpu.memory_space<hbm>>) dst(%dma_wait3A_130 : memref<640x128xf32, #tpu.memory_space<vmem_shared>>)
      tpu.yield
    }) : () -> ()
    %barrier3A_66 = arith.constant 0 : index
    tpu.barrier barrier_id(%barrier3A_66)
    %mul3A_67 = arith.constant 80 : i32
    %mul3A_68 = arith.muli %add3A, %mul3A_67 : i32
    %add3A_69 = arith.constant 0 : i32
    %add3A_70 = arith.addi %mul3A_68, %add3A_69 : i32
    "tpu.region"() ({
      %run_scoped3A = tpu.sem_alloc : memref<!tpu.dma_semaphore, #tpu.memory_space<semaphore_mem>>
      %dma_start3A_126 = arith.constant 0 : i32
      %dma_start3A_127 = tpu.memref_slice %arg4[%add3A_70, %dma_start3A_126] : memref<2560x128xi32, #tpu.memory_space<hbm>> -> memref<40x128xi32, #tpu.memory_space<hbm>>
      %dma_start3A_128 = arith.constant 0 : i32
      %dma_start3A_129 = tpu.memref_slice %arg4[%add3A_70, %dma_start3A_128] : memref<2560x128xi32, #tpu.memory_space<hbm>> -> memref<40x128xi32, #tpu.memory_space<hbm>>
      tpu.enqueue_dma source(%dma_start3A_129 : memref<40x128xi32, #tpu.memory_space<hbm>>) target(%arg8 : memref<40x128xi32, #tpu.memory_space<vmem>>) target_semaphore(%run_scoped3A : memref<!tpu.dma_semaphore, #tpu.memory_space<semaphore_mem>>)
      %dma_wait3A = arith.constant 0 : i32
      %dma_wait3A_130 = tpu.memref_slice %arg4[%add3A_70, %dma_wait3A] : memref<2560x128xi32, #tpu.memory_space<hbm>> -> memref<40x128xi32, #tpu.memory_space<hbm>>
      %dma_wait3A_131 = arith.constant 0 : i32
      %dma_wait3A_132 = tpu.memref_slice %arg4[%add3A_70, %dma_wait3A_131] : memref<2560x128xi32, #tpu.memory_space<hbm>> -> memref<40x128xi32, #tpu.memory_space<hbm>>
      tpu.wait_dma2 semaphore(%run_scoped3A : memref<!tpu.dma_semaphore, #tpu.memory_space<semaphore_mem>>) src(%dma_wait3A_132 : memref<40x128xi32, #tpu.memory_space<hbm>>) dst(%arg8 : memref<40x128xi32, #tpu.memory_space<vmem>>)
      tpu.yield
    }) : () -> ()
    "tpu.region"() ({
      %run_scoped3A = tpu.sem_alloc : memref<!tpu.dma_semaphore, #tpu.memory_space<semaphore_mem>>
      %dma_start3A_126 = arith.constant 0 : i32
      %dma_start3A_127 = tpu.memref_slice %arg5[%add3A_70, %dma_start3A_126] : memref<2560x128xi32, #tpu.memory_space<hbm>> -> memref<40x128xi32, #tpu.memory_space<hbm>>
      %dma_start3A_128 = arith.constant 0 : i32
      %dma_start3A_129 = tpu.memref_slice %arg5[%add3A_70, %dma_start3A_128] : memref<2560x128xi32, #tpu.memory_space<hbm>> -> memref<40x128xi32, #tpu.memory_space<hbm>>
      tpu.enqueue_dma source(%dma_start3A_129 : memref<40x128xi32, #tpu.memory_space<hbm>>) target(%arg9 : memref<40x128xi32, #tpu.memory_space<vmem>>) target_semaphore(%run_scoped3A : memref<!tpu.dma_semaphore, #tpu.memory_space<semaphore_mem>>)
      %dma_wait3A = arith.constant 0 : i32
      %dma_wait3A_130 = tpu.memref_slice %arg5[%add3A_70, %dma_wait3A] : memref<2560x128xi32, #tpu.memory_space<hbm>> -> memref<40x128xi32, #tpu.memory_space<hbm>>
      %dma_wait3A_131 = arith.constant 0 : i32
      %dma_wait3A_132 = tpu.memref_slice %arg5[%add3A_70, %dma_wait3A_131] : memref<2560x128xi32, #tpu.memory_space<hbm>> -> memref<40x128xi32, #tpu.memory_space<hbm>>
      tpu.wait_dma2 semaphore(%run_scoped3A : memref<!tpu.dma_semaphore, #tpu.memory_space<semaphore_mem>>) src(%dma_wait3A_132 : memref<40x128xi32, #tpu.memory_space<hbm>>) dst(%arg9 : memref<40x128xi32, #tpu.memory_space<vmem>>)
      tpu.yield
    }) : () -> ()
    %dma_start3A_71 = arith.constant 0 : i32
    %dma_start3A_72 = arith.constant 0 : i32
    %dma_start3A_73 = tpu.memref_slice %arg8[%dma_start3A_71, %dma_start3A_72] : memref<40x128xi32, #tpu.memory_space<vmem>> -> memref<1x128xi32, #tpu.memory_space<vmem>>
    %dma_start3A_74 = tpu.memref_squeeze %dma_start3A_73 : memref<1x128xi32, #tpu.memory_space<vmem>> -> memref<128xi32, #tpu.memory_space<vmem>>
    %dma_start3A_75 = arith.constant 0 : i32
    %dma_start3A_76 = arith.constant 0 : i32
    %dma_start3A_77 = tpu.memref_slice %arg3[%dma_start3A_75, %dma_start3A_76] : memref<10240x128xf32, #tpu.memory_space<hbm>> -> memref<10240x128xf32, #tpu.memory_space<hbm>>
    tpu.enqueue_indirect_dma source(%dma_start3A_77 : memref<10240x128xf32, #tpu.memory_space<hbm>>) target(%arg10 : memref<128x128xf32, #tpu.memory_space<vmem>>) offsets(%dma_start3A_74 : memref<128xi32, #tpu.memory_space<vmem>>) semaphore(%arg13 : memref<!tpu.dma_semaphore, #tpu.memory_space<semaphore_mem>>)
    %dma_start3A_78 = arith.constant 1 : i32
    %dma_start3A_79 = arith.constant 0 : i32
    %dma_start3A_80 = tpu.memref_slice %arg8[%dma_start3A_78, %dma_start3A_79] : memref<40x128xi32, #tpu.memory_space<vmem>> -> memref<1x128xi32, #tpu.memory_space<vmem>>
    %dma_start3A_81 = tpu.memref_squeeze %dma_start3A_80 : memref<1x128xi32, #tpu.memory_space<vmem>> -> memref<128xi32, #tpu.memory_space<vmem>>
    %dma_start3A_82 = arith.constant 0 : i32
    %dma_start3A_83 = arith.constant 0 : i32
    %dma_start3A_84 = tpu.memref_slice %arg3[%dma_start3A_82, %dma_start3A_83] : memref<10240x128xf32, #tpu.memory_space<hbm>> -> memref<10240x128xf32, #tpu.memory_space<hbm>>
    tpu.enqueue_indirect_dma source(%dma_start3A_84 : memref<10240x128xf32, #tpu.memory_space<hbm>>) target(%arg11 : memref<128x128xf32, #tpu.memory_space<vmem>>) offsets(%dma_start3A_81 : memref<128xi32, #tpu.memory_space<vmem>>) semaphore(%arg14 : memref<!tpu.dma_semaphore, #tpu.memory_space<semaphore_mem>>)
    %scan3A_85 = arith.constant 0 : i32
    %scan3A_86 = arith.constant 0 : i32
    %scan3A_87 = arith.constant 20 : i32
    %scan3A_88 = arith.addi %scan3A_86, %scan3A_87 : i32
    %scan3A_89 = arith.constant 1 : i32
    scf.for %scan3A_126 = %scan3A_86 to %scan3A_88 step %scan3A_89  : i32 {
      %mul3A_127 = arith.constant 2 : i32
      %mul3A_128 = arith.muli %scan3A_126, %mul3A_127 : i32
      %dma_wait3A = arith.constant 0 : i32
      %dma_wait3A_129 = arith.constant 0 : i32
      %dma_wait3A_130 = tpu.memref_slice %arg3[%dma_wait3A, %dma_wait3A_129] : memref<10240x128xf32, #tpu.memory_space<hbm>> -> memref<128x128xf32, #tpu.memory_space<hbm>>
      %dma_wait3A_131 = arith.constant 0 : i32
      %dma_wait3A_132 = arith.constant 0 : i32
      %dma_wait3A_133 = tpu.memref_slice %arg3[%dma_wait3A_131, %dma_wait3A_132] : memref<10240x128xf32, #tpu.memory_space<hbm>> -> memref<128x128xf32, #tpu.memory_space<hbm>>
      tpu.wait_dma2 semaphore(%arg13 : memref<!tpu.dma_semaphore, #tpu.memory_space<semaphore_mem>>) src(%dma_wait3A_133 : memref<128x128xf32, #tpu.memory_space<hbm>>) dst(%arg10 : memref<128x128xf32, #tpu.memory_space<vmem>>)
      %dma_start3A_134 = arith.constant 0 : i32
      %dma_start3A_135 = tpu.memref_slice %arg9[%mul3A_128, %dma_start3A_134] : memref<40x128xi32, #tpu.memory_space<vmem>> -> memref<1x128xi32, #tpu.memory_space<vmem>>
      %dma_start3A_136 = tpu.memref_squeeze %dma_start3A_135 : memref<1x128xi32, #tpu.memory_space<vmem>> -> memref<128xi32, #tpu.memory_space<vmem>>
      %dma_start3A_137 = arith.constant 0 : i32
      %dma_start3A_138 = arith.constant 0 : i32
      %dma_start3A_139 = tpu.memref_slice %arg12[%dma_start3A_137, %dma_start3A_138] : memref<10240x128xf32, #tpu.memory_space<vmem_shared>> -> memref<10240x128xf32, #tpu.memory_space<vmem_shared>>
      tpu.enqueue_indirect_dma source(%arg10 : memref<128x128xf32, #tpu.memory_space<vmem>>) target(%dma_start3A_139 : memref<10240x128xf32, #tpu.memory_space<vmem_shared>>) offsets(%dma_start3A_136 : memref<128xi32, #tpu.memory_space<vmem>>) semaphore(%arg15 : memref<!tpu.dma_semaphore, #tpu.memory_space<semaphore_mem>>) {add = true}
      %dma_wait3A_140 = arith.constant 0 : i32
      %dma_wait3A_141 = arith.constant 0 : i32
      %dma_wait3A_142 = tpu.memref_slice %arg3[%dma_wait3A_140, %dma_wait3A_141] : memref<10240x128xf32, #tpu.memory_space<hbm>> -> memref<128x128xf32, #tpu.memory_space<hbm>>
      %dma_wait3A_143 = arith.constant 0 : i32
      %dma_wait3A_144 = arith.constant 0 : i32
      %dma_wait3A_145 = tpu.memref_slice %arg3[%dma_wait3A_143, %dma_wait3A_144] : memref<10240x128xf32, #tpu.memory_space<hbm>> -> memref<128x128xf32, #tpu.memory_space<hbm>>
      tpu.wait_dma2 semaphore(%arg14 : memref<!tpu.dma_semaphore, #tpu.memory_space<semaphore_mem>>) src(%dma_wait3A_145 : memref<128x128xf32, #tpu.memory_space<hbm>>) dst(%arg11 : memref<128x128xf32, #tpu.memory_space<vmem>>)
      %add3A_146 = arith.constant 1 : i32
      %add3A_147 = arith.addi %mul3A_128, %add3A_146 : i32
      %dma_start3A_148 = arith.constant 0 : i32
      %dma_start3A_149 = tpu.memref_slice %arg9[%add3A_147, %dma_start3A_148] : memref<40x128xi32, #tpu.memory_space<vmem>> -> memref<1x128xi32, #tpu.memory_space<vmem>>
      %dma_start3A_150 = tpu.memref_squeeze %dma_start3A_149 : memref<1x128xi32, #tpu.memory_space<vmem>> -> memref<128xi32, #tpu.memory_space<vmem>>
      %dma_start3A_151 = arith.constant 0 : i32
      %dma_start3A_152 = arith.constant 0 : i32
      %dma_start3A_153 = tpu.memref_slice %arg12[%dma_start3A_151, %dma_start3A_152] : memref<10240x128xf32, #tpu.memory_space<vmem_shared>> -> memref<10240x128xf32, #tpu.memory_space<vmem_shared>>
      tpu.enqueue_indirect_dma source(%arg11 : memref<128x128xf32, #tpu.memory_space<vmem>>) target(%dma_start3A_153 : memref<10240x128xf32, #tpu.memory_space<vmem_shared>>) offsets(%dma_start3A_150 : memref<128xi32, #tpu.memory_space<vmem>>) semaphore(%arg16 : memref<!tpu.dma_semaphore, #tpu.memory_space<semaphore_mem>>) {add = true}
      %dma_wait3A_154 = arith.constant 0 : i32
      %dma_wait3A_155 = tpu.memref_slice %arg9[%mul3A_128, %dma_wait3A_154] : memref<40x128xi32, #tpu.memory_space<vmem>> -> memref<1x128xi32, #tpu.memory_space<vmem>>
      %dma_wait3A_156 = tpu.memref_squeeze %dma_wait3A_155 : memref<1x128xi32, #tpu.memory_space<vmem>> -> memref<128xi32, #tpu.memory_space<vmem>>
      %dma_wait3A_157 = arith.constant 0 : i32
      %dma_wait3A_158 = arith.constant 0 : i32
      %dma_wait3A_159 = tpu.memref_slice %arg12[%dma_wait3A_157, %dma_wait3A_158] : memref<10240x128xf32, #tpu.memory_space<vmem_shared>> -> memref<10240x128xf32, #tpu.memory_space<vmem_shared>>
      tpu.wait_indirect_dma semaphore(%arg15 : memref<!tpu.dma_semaphore, #tpu.memory_space<semaphore_mem>>) src(%arg10 : memref<128x128xf32, #tpu.memory_space<vmem>>) dst(%dma_wait3A_159 : memref<10240x128xf32, #tpu.memory_space<vmem_shared>>)
      %add3A_160 = arith.constant 2 : i32
      %add3A_161 = arith.addi %mul3A_128, %add3A_160 : i32
      %lt3A = arith.constant 40 : i32
      %lt3A_162 = arith.cmpi slt, %add3A_161, %lt3A : i32
      %convert_element_type3A = arith.extui %lt3A_162 : i1 to i32
      %cond3A = arith.constant 0 : i32
      %cond3A_163 = arith.cmpi ne, %convert_element_type3A, %cond3A : i32
      scf.if %cond3A_163 {
        %add3A_179 = arith.constant 2 : i32
        %add3A_180 = arith.addi %mul3A_128, %add3A_179 : i32
        %dma_start3A_181 = arith.constant 0 : i32
        %dma_start3A_182 = tpu.memref_slice %arg8[%add3A_180, %dma_start3A_181] : memref<40x128xi32, #tpu.memory_space<vmem>> -> memref<1x128xi32, #tpu.memory_space<vmem>>
        %dma_start3A_183 = tpu.memref_squeeze %dma_start3A_182 : memref<1x128xi32, #tpu.memory_space<vmem>> -> memref<128xi32, #tpu.memory_space<vmem>>
        %dma_start3A_184 = arith.constant 0 : i32
        %dma_start3A_185 = arith.constant 0 : i32
        %dma_start3A_186 = tpu.memref_slice %arg3[%dma_start3A_184, %dma_start3A_185] : memref<10240x128xf32, #tpu.memory_space<hbm>> -> memref<10240x128xf32, #tpu.memory_space<hbm>>
        tpu.enqueue_indirect_dma source(%dma_start3A_186 : memref<10240x128xf32, #tpu.memory_space<hbm>>) target(%arg10 : memref<128x128xf32, #tpu.memory_space<vmem>>) offsets(%dma_start3A_183 : memref<128xi32, #tpu.memory_space<vmem>>) semaphore(%arg13 : memref<!tpu.dma_semaphore, #tpu.memory_space<semaphore_mem>>)
      } else {
      }
      %add3A_164 = arith.constant 1 : i32
      %add3A_165 = arith.addi %mul3A_128, %add3A_164 : i32
      %dma_wait3A_166 = arith.constant 0 : i32
      %dma_wait3A_167 = tpu.memref_slice %arg9[%add3A_165, %dma_wait3A_166] : memref<40x128xi32, #tpu.memory_space<vmem>> -> memref<1x128xi32, #tpu.memory_space<vmem>>
      %dma_wait3A_168 = tpu.memref_squeeze %dma_wait3A_167 : memref<1x128xi32, #tpu.memory_space<vmem>> -> memref<128xi32, #tpu.memory_space<vmem>>
      %dma_wait3A_169 = arith.constant 0 : i32
      %dma_wait3A_170 = arith.constant 0 : i32
      %dma_wait3A_171 = tpu.memref_slice %arg12[%dma_wait3A_169, %dma_wait3A_170] : memref<10240x128xf32, #tpu.memory_space<vmem_shared>> -> memref<10240x128xf32, #tpu.memory_space<vmem_shared>>
      tpu.wait_indirect_dma semaphore(%arg16 : memref<!tpu.dma_semaphore, #tpu.memory_space<semaphore_mem>>) src(%arg11 : memref<128x128xf32, #tpu.memory_space<vmem>>) dst(%dma_wait3A_171 : memref<10240x128xf32, #tpu.memory_space<vmem_shared>>)
      %add3A_172 = arith.constant 3 : i32
      %add3A_173 = arith.addi %mul3A_128, %add3A_172 : i32
      %lt3A_174 = arith.constant 40 : i32
      %lt3A_175 = arith.cmpi slt, %add3A_173, %lt3A_174 : i32
      %convert_element_type3A_176 = arith.extui %lt3A_175 : i1 to i32
      %cond3A_177 = arith.constant 0 : i32
      %cond3A_178 = arith.cmpi ne, %convert_element_type3A_176, %cond3A_177 : i32
      scf.if %cond3A_178 {
        %add3A_179 = arith.constant 3 : i32
        %add3A_180 = arith.addi %mul3A_128, %add3A_179 : i32
        %dma_start3A_181 = arith.constant 0 : i32
        %dma_start3A_182 = tpu.memref_slice %arg8[%add3A_180, %dma_start3A_181] : memref<40x128xi32, #tpu.memory_space<vmem>> -> memref<1x128xi32, #tpu.memory_space<vmem>>
        %dma_start3A_183 = tpu.memref_squeeze %dma_start3A_182 : memref<1x128xi32, #tpu.memory_space<vmem>> -> memref<128xi32, #tpu.memory_space<vmem>>
        %dma_start3A_184 = arith.constant 0 : i32
        %dma_start3A_185 = arith.constant 0 : i32
        %dma_start3A_186 = tpu.memref_slice %arg3[%dma_start3A_184, %dma_start3A_185] : memref<10240x128xf32, #tpu.memory_space<hbm>> -> memref<10240x128xf32, #tpu.memory_space<hbm>>
        tpu.enqueue_indirect_dma source(%dma_start3A_186 : memref<10240x128xf32, #tpu.memory_space<hbm>>) target(%arg11 : memref<128x128xf32, #tpu.memory_space<vmem>>) offsets(%dma_start3A_183 : memref<128xi32, #tpu.memory_space<vmem>>) semaphore(%arg14 : memref<!tpu.dma_semaphore, #tpu.memory_space<semaphore_mem>>)
      } else {
      }
    }
    %scan3A_90 = arith.constant 20 : i32
    %mul3A_91 = arith.constant 80 : i32
    %mul3A_92 = arith.muli %add3A, %mul3A_91 : i32
    %add3A_93 = arith.constant 40 : i32
    %add3A_94 = arith.addi %mul3A_92, %add3A_93 : i32
    "tpu.region"() ({
      %run_scoped3A = tpu.sem_alloc : memref<!tpu.dma_semaphore, #tpu.memory_space<semaphore_mem>>
      %dma_start3A_126 = arith.constant 0 : i32
      %dma_start3A_127 = tpu.memref_slice %arg4[%add3A_94, %dma_start3A_126] : memref<2560x128xi32, #tpu.memory_space<hbm>> -> memref<40x128xi32, #tpu.memory_space<hbm>>
      %dma_start3A_128 = arith.constant 0 : i32
      %dma_start3A_129 = tpu.memref_slice %arg4[%add3A_94, %dma_start3A_128] : memref<2560x128xi32, #tpu.memory_space<hbm>> -> memref<40x128xi32, #tpu.memory_space<hbm>>
      tpu.enqueue_dma source(%dma_start3A_129 : memref<40x128xi32, #tpu.memory_space<hbm>>) target(%arg8 : memref<40x128xi32, #tpu.memory_space<vmem>>) target_semaphore(%run_scoped3A : memref<!tpu.dma_semaphore, #tpu.memory_space<semaphore_mem>>)
      %dma_wait3A = arith.constant 0 : i32
      %dma_wait3A_130 = tpu.memref_slice %arg4[%add3A_94, %dma_wait3A] : memref<2560x128xi32, #tpu.memory_space<hbm>> -> memref<40x128xi32, #tpu.memory_space<hbm>>
      %dma_wait3A_131 = arith.constant 0 : i32
      %dma_wait3A_132 = tpu.memref_slice %arg4[%add3A_94, %dma_wait3A_131] : memref<2560x128xi32, #tpu.memory_space<hbm>> -> memref<40x128xi32, #tpu.memory_space<hbm>>
      tpu.wait_dma2 semaphore(%run_scoped3A : memref<!tpu.dma_semaphore, #tpu.memory_space<semaphore_mem>>) src(%dma_wait3A_132 : memref<40x128xi32, #tpu.memory_space<hbm>>) dst(%arg8 : memref<40x128xi32, #tpu.memory_space<vmem>>)
      tpu.yield
    }) : () -> ()
    "tpu.region"() ({
      %run_scoped3A = tpu.sem_alloc : memref<!tpu.dma_semaphore, #tpu.memory_space<semaphore_mem>>
      %dma_start3A_126 = arith.constant 0 : i32
      %dma_start3A_127 = tpu.memref_slice %arg5[%add3A_94, %dma_start3A_126] : memref<2560x128xi32, #tpu.memory_space<hbm>> -> memref<40x128xi32, #tpu.memory_space<hbm>>
      %dma_start3A_128 = arith.constant 0 : i32
      %dma_start3A_129 = tpu.memref_slice %arg5[%add3A_94, %dma_start3A_128] : memref<2560x128xi32, #tpu.memory_space<hbm>> -> memref<40x128xi32, #tpu.memory_space<hbm>>
      tpu.enqueue_dma source(%dma_start3A_129 : memref<40x128xi32, #tpu.memory_space<hbm>>) target(%arg9 : memref<40x128xi32, #tpu.memory_space<vmem>>) target_semaphore(%run_scoped3A : memref<!tpu.dma_semaphore, #tpu.memory_space<semaphore_mem>>)
      %dma_wait3A = arith.constant 0 : i32
      %dma_wait3A_130 = tpu.memref_slice %arg5[%add3A_94, %dma_wait3A] : memref<2560x128xi32, #tpu.memory_space<hbm>> -> memref<40x128xi32, #tpu.memory_space<hbm>>
      %dma_wait3A_131 = arith.constant 0 : i32
      %dma_wait3A_132 = tpu.memref_slice %arg5[%add3A_94, %dma_wait3A_131] : memref<2560x128xi32, #tpu.memory_space<hbm>> -> memref<40x128xi32, #tpu.memory_space<hbm>>
      tpu.wait_dma2 semaphore(%run_scoped3A : memref<!tpu.dma_semaphore, #tpu.memory_space<semaphore_mem>>) src(%dma_wait3A_132 : memref<40x128xi32, #tpu.memory_space<hbm>>) dst(%arg9 : memref<40x128xi32, #tpu.memory_space<vmem>>)
      tpu.yield
    }) : () -> ()
    %dma_start3A_95 = arith.constant 0 : i32
    %dma_start3A_96 = arith.constant 0 : i32
    %dma_start3A_97 = tpu.memref_slice %arg8[%dma_start3A_95, %dma_start3A_96] : memref<40x128xi32, #tpu.memory_space<vmem>> -> memref<1x128xi32, #tpu.memory_space<vmem>>
    %dma_start3A_98 = tpu.memref_squeeze %dma_start3A_97 : memref<1x128xi32, #tpu.memory_space<vmem>> -> memref<128xi32, #tpu.memory_space<vmem>>
    %dma_start3A_99 = arith.constant 0 : i32
    %dma_start3A_100 = arith.constant 0 : i32
    %dma_start3A_101 = tpu.memref_slice %arg3[%dma_start3A_99, %dma_start3A_100] : memref<10240x128xf32, #tpu.memory_space<hbm>> -> memref<10240x128xf32, #tpu.memory_space<hbm>>
    tpu.enqueue_indirect_dma source(%dma_start3A_101 : memref<10240x128xf32, #tpu.memory_space<hbm>>) target(%arg10 : memref<128x128xf32, #tpu.memory_space<vmem>>) offsets(%dma_start3A_98 : memref<128xi32, #tpu.memory_space<vmem>>) semaphore(%arg13 : memref<!tpu.dma_semaphore, #tpu.memory_space<semaphore_mem>>)
    %dma_start3A_102 = arith.constant 1 : i32
    %dma_start3A_103 = arith.constant 0 : i32
    %dma_start3A_104 = tpu.memref_slice %arg8[%dma_start3A_102, %dma_start3A_103] : memref<40x128xi32, #tpu.memory_space<vmem>> -> memref<1x128xi32, #tpu.memory_space<vmem>>
    %dma_start3A_105 = tpu.memref_squeeze %dma_start3A_104 : memref<1x128xi32, #tpu.memory_space<vmem>> -> memref<128xi32, #tpu.memory_space<vmem>>
    %dma_start3A_106 = arith.constant 0 : i32
    %dma_start3A_107 = arith.constant 0 : i32
    %dma_start3A_108 = tpu.memref_slice %arg3[%dma_start3A_106, %dma_start3A_107] : memref<10240x128xf32, #tpu.memory_space<hbm>> -> memref<10240x128xf32, #tpu.memory_space<hbm>>
    tpu.enqueue_indirect_dma source(%dma_start3A_108 : memref<10240x128xf32, #tpu.memory_space<hbm>>) target(%arg11 : memref<128x128xf32, #tpu.memory_space<vmem>>) offsets(%dma_start3A_105 : memref<128xi32, #tpu.memory_space<vmem>>) semaphore(%arg14 : memref<!tpu.dma_semaphore, #tpu.memory_space<semaphore_mem>>)
    %scan3A_109 = arith.constant 0 : i32
    %scan3A_110 = arith.constant 0 : i32
    %scan3A_111 = arith.constant 20 : i32
    %scan3A_112 = arith.addi %scan3A_110, %scan3A_111 : i32
    %scan3A_113 = arith.constant 1 : i32
    scf.for %scan3A_126 = %scan3A_110 to %scan3A_112 step %scan3A_113  : i32 {
      %mul3A_127 = arith.constant 2 : i32
      %mul3A_128 = arith.muli %scan3A_126, %mul3A_127 : i32
      %dma_wait3A = arith.constant 0 : i32
      %dma_wait3A_129 = arith.constant 0 : i32
      %dma_wait3A_130 = tpu.memref_slice %arg3[%dma_wait3A, %dma_wait3A_129] : memref<10240x128xf32, #tpu.memory_space<hbm>> -> memref<128x128xf32, #tpu.memory_space<hbm>>
      %dma_wait3A_131 = arith.constant 0 : i32
      %dma_wait3A_132 = arith.constant 0 : i32
      %dma_wait3A_133 = tpu.memref_slice %arg3[%dma_wait3A_131, %dma_wait3A_132] : memref<10240x128xf32, #tpu.memory_space<hbm>> -> memref<128x128xf32, #tpu.memory_space<hbm>>
      tpu.wait_dma2 semaphore(%arg13 : memref<!tpu.dma_semaphore, #tpu.memory_space<semaphore_mem>>) src(%dma_wait3A_133 : memref<128x128xf32, #tpu.memory_space<hbm>>) dst(%arg10 : memref<128x128xf32, #tpu.memory_space<vmem>>)
      %dma_start3A_134 = arith.constant 0 : i32
      %dma_start3A_135 = tpu.memref_slice %arg9[%mul3A_128, %dma_start3A_134] : memref<40x128xi32, #tpu.memory_space<vmem>> -> memref<1x128xi32, #tpu.memory_space<vmem>>
      %dma_start3A_136 = tpu.memref_squeeze %dma_start3A_135 : memref<1x128xi32, #tpu.memory_space<vmem>> -> memref<128xi32, #tpu.memory_space<vmem>>
      %dma_start3A_137 = arith.constant 0 : i32
      %dma_start3A_138 = arith.constant 0 : i32
      %dma_start3A_139 = tpu.memref_slice %arg12[%dma_start3A_137, %dma_start3A_138] : memref<10240x128xf32, #tpu.memory_space<vmem_shared>> -> memref<10240x128xf32, #tpu.memory_space<vmem_shared>>
      tpu.enqueue_indirect_dma source(%arg10 : memref<128x128xf32, #tpu.memory_space<vmem>>) target(%dma_start3A_139 : memref<10240x128xf32, #tpu.memory_space<vmem_shared>>) offsets(%dma_start3A_136 : memref<128xi32, #tpu.memory_space<vmem>>) semaphore(%arg15 : memref<!tpu.dma_semaphore, #tpu.memory_space<semaphore_mem>>) {add = true}
      %dma_wait3A_140 = arith.constant 0 : i32
      %dma_wait3A_141 = arith.constant 0 : i32
      %dma_wait3A_142 = tpu.memref_slice %arg3[%dma_wait3A_140, %dma_wait3A_141] : memref<10240x128xf32, #tpu.memory_space<hbm>> -> memref<128x128xf32, #tpu.memory_space<hbm>>
      %dma_wait3A_143 = arith.constant 0 : i32
      %dma_wait3A_144 = arith.constant 0 : i32
      %dma_wait3A_145 = tpu.memref_slice %arg3[%dma_wait3A_143, %dma_wait3A_144] : memref<10240x128xf32, #tpu.memory_space<hbm>> -> memref<128x128xf32, #tpu.memory_space<hbm>>
      tpu.wait_dma2 semaphore(%arg14 : memref<!tpu.dma_semaphore, #tpu.memory_space<semaphore_mem>>) src(%dma_wait3A_145 : memref<128x128xf32, #tpu.memory_space<hbm>>) dst(%arg11 : memref<128x128xf32, #tpu.memory_space<vmem>>)
      %add3A_146 = arith.constant 1 : i32
      %add3A_147 = arith.addi %mul3A_128, %add3A_146 : i32
      %dma_start3A_148 = arith.constant 0 : i32
      %dma_start3A_149 = tpu.memref_slice %arg9[%add3A_147, %dma_start3A_148] : memref<40x128xi32, #tpu.memory_space<vmem>> -> memref<1x128xi32, #tpu.memory_space<vmem>>
      %dma_start3A_150 = tpu.memref_squeeze %dma_start3A_149 : memref<1x128xi32, #tpu.memory_space<vmem>> -> memref<128xi32, #tpu.memory_space<vmem>>
      %dma_start3A_151 = arith.constant 0 : i32
      %dma_start3A_152 = arith.constant 0 : i32
      %dma_start3A_153 = tpu.memref_slice %arg12[%dma_start3A_151, %dma_start3A_152] : memref<10240x128xf32, #tpu.memory_space<vmem_shared>> -> memref<10240x128xf32, #tpu.memory_space<vmem_shared>>
      tpu.enqueue_indirect_dma source(%arg11 : memref<128x128xf32, #tpu.memory_space<vmem>>) target(%dma_start3A_153 : memref<10240x128xf32, #tpu.memory_space<vmem_shared>>) offsets(%dma_start3A_150 : memref<128xi32, #tpu.memory_space<vmem>>) semaphore(%arg16 : memref<!tpu.dma_semaphore, #tpu.memory_space<semaphore_mem>>) {add = true}
      %dma_wait3A_154 = arith.constant 0 : i32
      %dma_wait3A_155 = tpu.memref_slice %arg9[%mul3A_128, %dma_wait3A_154] : memref<40x128xi32, #tpu.memory_space<vmem>> -> memref<1x128xi32, #tpu.memory_space<vmem>>
      %dma_wait3A_156 = tpu.memref_squeeze %dma_wait3A_155 : memref<1x128xi32, #tpu.memory_space<vmem>> -> memref<128xi32, #tpu.memory_space<vmem>>
      %dma_wait3A_157 = arith.constant 0 : i32
      %dma_wait3A_158 = arith.constant 0 : i32
      %dma_wait3A_159 = tpu.memref_slice %arg12[%dma_wait3A_157, %dma_wait3A_158] : memref<10240x128xf32, #tpu.memory_space<vmem_shared>> -> memref<10240x128xf32, #tpu.memory_space<vmem_shared>>
      tpu.wait_indirect_dma semaphore(%arg15 : memref<!tpu.dma_semaphore, #tpu.memory_space<semaphore_mem>>) src(%arg10 : memref<128x128xf32, #tpu.memory_space<vmem>>) dst(%dma_wait3A_159 : memref<10240x128xf32, #tpu.memory_space<vmem_shared>>)
      %add3A_160 = arith.constant 2 : i32
      %add3A_161 = arith.addi %mul3A_128, %add3A_160 : i32
      %lt3A = arith.constant 40 : i32
      %lt3A_162 = arith.cmpi slt, %add3A_161, %lt3A : i32
      %convert_element_type3A = arith.extui %lt3A_162 : i1 to i32
      %cond3A = arith.constant 0 : i32
      %cond3A_163 = arith.cmpi ne, %convert_element_type3A, %cond3A : i32
      scf.if %cond3A_163 {
        %add3A_179 = arith.constant 2 : i32
        %add3A_180 = arith.addi %mul3A_128, %add3A_179 : i32
        %dma_start3A_181 = arith.constant 0 : i32
        %dma_start3A_182 = tpu.memref_slice %arg8[%add3A_180, %dma_start3A_181] : memref<40x128xi32, #tpu.memory_space<vmem>> -> memref<1x128xi32, #tpu.memory_space<vmem>>
        %dma_start3A_183 = tpu.memref_squeeze %dma_start3A_182 : memref<1x128xi32, #tpu.memory_space<vmem>> -> memref<128xi32, #tpu.memory_space<vmem>>
        %dma_start3A_184 = arith.constant 0 : i32
        %dma_start3A_185 = arith.constant 0 : i32
        %dma_start3A_186 = tpu.memref_slice %arg3[%dma_start3A_184, %dma_start3A_185] : memref<10240x128xf32, #tpu.memory_space<hbm>> -> memref<10240x128xf32, #tpu.memory_space<hbm>>
        tpu.enqueue_indirect_dma source(%dma_start3A_186 : memref<10240x128xf32, #tpu.memory_space<hbm>>) target(%arg10 : memref<128x128xf32, #tpu.memory_space<vmem>>) offsets(%dma_start3A_183 : memref<128xi32, #tpu.memory_space<vmem>>) semaphore(%arg13 : memref<!tpu.dma_semaphore, #tpu.memory_space<semaphore_mem>>)
      } else {
      }
      %add3A_164 = arith.constant 1 : i32
      %add3A_165 = arith.addi %mul3A_128, %add3A_164 : i32
      %dma_wait3A_166 = arith.constant 0 : i32
      %dma_wait3A_167 = tpu.memref_slice %arg9[%add3A_165, %dma_wait3A_166] : memref<40x128xi32, #tpu.memory_space<vmem>> -> memref<1x128xi32, #tpu.memory_space<vmem>>
      %dma_wait3A_168 = tpu.memref_squeeze %dma_wait3A_167 : memref<1x128xi32, #tpu.memory_space<vmem>> -> memref<128xi32, #tpu.memory_space<vmem>>
      %dma_wait3A_169 = arith.constant 0 : i32
      %dma_wait3A_170 = arith.constant 0 : i32
      %dma_wait3A_171 = tpu.memref_slice %arg12[%dma_wait3A_169, %dma_wait3A_170] : memref<10240x128xf32, #tpu.memory_space<vmem_shared>> -> memref<10240x128xf32, #tpu.memory_space<vmem_shared>>
      tpu.wait_indirect_dma semaphore(%arg16 : memref<!tpu.dma_semaphore, #tpu.memory_space<semaphore_mem>>) src(%arg11 : memref<128x128xf32, #tpu.memory_space<vmem>>) dst(%dma_wait3A_171 : memref<10240x128xf32, #tpu.memory_space<vmem_shared>>)
      %add3A_172 = arith.constant 3 : i32
      %add3A_173 = arith.addi %mul3A_128, %add3A_172 : i32
      %lt3A_174 = arith.constant 40 : i32
      %lt3A_175 = arith.cmpi slt, %add3A_173, %lt3A_174 : i32
      %convert_element_type3A_176 = arith.extui %lt3A_175 : i1 to i32
      %cond3A_177 = arith.constant 0 : i32
      %cond3A_178 = arith.cmpi ne, %convert_element_type3A_176, %cond3A_177 : i32
      scf.if %cond3A_178 {
        %add3A_179 = arith.constant 3 : i32
        %add3A_180 = arith.addi %mul3A_128, %add3A_179 : i32
        %dma_start3A_181 = arith.constant 0 : i32
        %dma_start3A_182 = tpu.memref_slice %arg8[%add3A_180, %dma_start3A_181] : memref<40x128xi32, #tpu.memory_space<vmem>> -> memref<1x128xi32, #tpu.memory_space<vmem>>
        %dma_start3A_183 = tpu.memref_squeeze %dma_start3A_182 : memref<1x128xi32, #tpu.memory_space<vmem>> -> memref<128xi32, #tpu.memory_space<vmem>>
        %dma_start3A_184 = arith.constant 0 : i32
        %dma_start3A_185 = arith.constant 0 : i32
        %dma_start3A_186 = tpu.memref_slice %arg3[%dma_start3A_184, %dma_start3A_185] : memref<10240x128xf32, #tpu.memory_space<hbm>> -> memref<10240x128xf32, #tpu.memory_space<hbm>>
        tpu.enqueue_indirect_dma source(%dma_start3A_186 : memref<10240x128xf32, #tpu.memory_space<hbm>>) target(%arg11 : memref<128x128xf32, #tpu.memory_space<vmem>>) offsets(%dma_start3A_183 : memref<128xi32, #tpu.memory_space<vmem>>) semaphore(%arg14 : memref<!tpu.dma_semaphore, #tpu.memory_space<semaphore_mem>>)
      } else {
      }
    }
    %scan3A_114 = arith.constant 20 : i32
    %barrier3A_115 = arith.constant 0 : index
    tpu.barrier barrier_id(%barrier3A_115)
    %mul3A_116 = arith.constant 640 : i32
    %mul3A_117 = arith.muli %arg1, %mul3A_116 : i32
    %add3A_118 = arith.constant 2 : i32
    %add3A_119 = arith.addi %add3A_118, %arg0 : i32
    %mul3A_120 = arith.constant 10240 : i32
    %mul3A_121 = arith.muli %add3A_119, %mul3A_120 : i32
    %mul3A_122 = arith.constant 640 : i32
    %mul3A_123 = arith.muli %arg1, %mul3A_122 : i32
    %add3A_124 = arith.addi %mul3A_121, %mul3A_123 : i32
    "tpu.region"() ({
      %run_scoped3A = tpu.sem_alloc : memref<!tpu.dma_semaphore, #tpu.memory_space<semaphore_mem>>
      %dma_start3A_126 = arith.constant 0 : i32
      %dma_start3A_127 = tpu.memref_slice %arg7[%add3A_124, %dma_start3A_126] : memref<40960x128xf32, #tpu.memory_space<hbm>> -> memref<640x128xf32, #tpu.memory_space<hbm>>
      %dma_start3A_128 = arith.constant 0 : i32
      %dma_start3A_129 = tpu.memref_slice %arg12[%mul3A_117, %dma_start3A_128] : memref<10240x128xf32, #tpu.memory_space<vmem_shared>> -> memref<640x128xf32, #tpu.memory_space<vmem_shared>>
      tpu.enqueue_dma source(%dma_start3A_129 : memref<640x128xf32, #tpu.memory_space<vmem_shared>>) target(%dma_start3A_127 : memref<640x128xf32, #tpu.memory_space<hbm>>) target_semaphore(%run_scoped3A : memref<!tpu.dma_semaphore, #tpu.memory_space<semaphore_mem>>)
      %dma_wait3A = arith.constant 0 : i32
      %dma_wait3A_130 = tpu.memref_slice %arg7[%add3A_124, %dma_wait3A] : memref<40960x128xf32, #tpu.memory_space<hbm>> -> memref<640x128xf32, #tpu.memory_space<hbm>>
      %dma_wait3A_131 = arith.constant 0 : i32
      %dma_wait3A_132 = tpu.memref_slice %arg12[%mul3A_117, %dma_wait3A_131] : memref<10240x128xf32, #tpu.memory_space<vmem_shared>> -> memref<640x128xf32, #tpu.memory_space<vmem_shared>>
      tpu.wait_dma2 semaphore(%run_scoped3A : memref<!tpu.dma_semaphore, #tpu.memory_space<semaphore_mem>>) src(%dma_wait3A_132 : memref<640x128xf32, #tpu.memory_space<vmem_shared>>) dst(%dma_wait3A_130 : memref<640x128xf32, #tpu.memory_space<hbm>>)
      tpu.yield
    }) : () -> ()
    %barrier3A_125 = arith.constant 0 : index
    tpu.barrier barrier_id(%barrier3A_125)
    return
  }
}

module attributes {stable_mosaic.version = 14 : i64} {
  func.func @_fused_layer_body(%arg0: i32, %arg1: i32, %arg2: memref<1024x128xf32, #tpu.memory_space<vmem>>, %arg3: memref<1024x128xf32, #tpu.memory_space<vmem>>, %arg4: memref<4x1024x128xf32, #tpu.memory_space<vmem>>, %arg5: memref<256x256xf32, #tpu.memory_space<vmem>>, %arg6: memref<1x256xf32, #tpu.memory_space<vmem>>, %arg7: memref<256x256xf32, #tpu.memory_space<vmem>>, %arg8: memref<1x256xf32, #tpu.memory_space<vmem>>, %arg9: memref<1x256xf32, #tpu.memory_space<vmem>>, %arg10: memref<1x256xf32, #tpu.memory_space<vmem>>, %arg11: memref<1024x128xf32, #tpu.memory_space<vmem>>, %arg12: memref<1024x128xf32, #tpu.memory_space<vmem>>, %arg13: memref<10240x256xf32, #tpu.memory_space<vmem>>, %arg14: memref<8x256xf32, #tpu.memory_space<vmem>>) attributes {dimension_semantics = [#tpu.dimension_semantics<arbitrary>, #tpu.dimension_semantics<arbitrary>], iteration_bounds = array<i64: 2, 10>, scalar_prefetch = 0 : i64, scratch_operands = 2 : i64, tpu.core_type = #tpu.core_type<tc>, window_params = [{transform_indices = @transform_0, window_bounds = array<i64: 1024, 128>}, {transform_indices = @transform_1, window_bounds = array<i64: 1024, 128>}, {transform_indices = @transform_2, window_bounds = array<i64: 4, 1024, 128>}, {pipeline_mode = #tpu.pipeline_mode<synchronous>, transform_indices = @transform_3, window_bounds = array<i64: 256, 256>}, {pipeline_mode = #tpu.pipeline_mode<synchronous>, transform_indices = @transform_4, window_bounds = array<i64: 1, 256>}, {pipeline_mode = #tpu.pipeline_mode<synchronous>, transform_indices = @transform_5, window_bounds = array<i64: 256, 256>}, {pipeline_mode = #tpu.pipeline_mode<synchronous>, transform_indices = @transform_6, window_bounds = array<i64: 1, 256>}, {pipeline_mode = #tpu.pipeline_mode<synchronous>, transform_indices = @transform_7, window_bounds = array<i64: 1, 256>}, {pipeline_mode = #tpu.pipeline_mode<synchronous>, transform_indices = @transform_8, window_bounds = array<i64: 1, 256>}, {transform_indices = @transform_9, window_bounds = array<i64: 1024, 128>}, {transform_indices = @transform_10, window_bounds = array<i64: 1024, 128>}]} {
    %eq3A = arith.constant 0 : i32
    %eq3A_0 = arith.cmpi eq, %arg0, %eq3A : i32
    %convert_element_type3A = arith.extui %eq3A_0 : i1 to i32
    %cond3A = arith.constant 0 : i32
    %cond3A_1 = arith.cmpi ne, %convert_element_type3A, %cond3A : i32
    scf.if %cond3A_1 {
      %get3A = arith.constant 0 : index
      %get3A_7 = arith.constant 0 : index
      %get3A_8 = vector.load %arg2[%get3A, %get3A_7] : memref<1024x128xf32, #tpu.memory_space<vmem>>, vector<1024x128xf32>
      %get3A_9 = arith.constant 0 : index
      %get3A_10 = arith.constant 0 : index
      %get3A_11 = arith.constant 0 : index
      %get3A_12 = vector.load %arg4[%get3A_9, %get3A_10, %get3A_11] : memref<4x1024x128xf32, #tpu.memory_space<vmem>>, vector<1x1024x128xf32>
      %get3A_13 = vector.shape_cast %get3A_12 : vector<1x1024x128xf32> to vector<1024x128xf32>
      %add3A = arith.addf %get3A_8, %get3A_13 : vector<1024x128xf32>
      %get3A_14 = arith.constant 1 : index
      %get3A_15 = arith.constant 0 : index
      %get3A_16 = arith.constant 0 : index
      %get3A_17 = vector.load %arg4[%get3A_14, %get3A_15, %get3A_16] : memref<4x1024x128xf32, #tpu.memory_space<vmem>>, vector<1x1024x128xf32>
      %get3A_18 = vector.shape_cast %get3A_17 : vector<1x1024x128xf32> to vector<1024x128xf32>
      %add3A_19 = arith.addf %add3A, %get3A_18 : vector<1024x128xf32>
      %get3A_20 = arith.constant 0 : index
      %get3A_21 = arith.constant 0 : index
      %get3A_22 = vector.load %arg3[%get3A_20, %get3A_21] : memref<1024x128xf32, #tpu.memory_space<vmem>>, vector<1024x128xf32>
      %get3A_23 = arith.constant 2 : index
      %get3A_24 = arith.constant 0 : index
      %get3A_25 = arith.constant 0 : index
      %get3A_26 = vector.load %arg4[%get3A_23, %get3A_24, %get3A_25] : memref<4x1024x128xf32, #tpu.memory_space<vmem>>, vector<1x1024x128xf32>
      %get3A_27 = vector.shape_cast %get3A_26 : vector<1x1024x128xf32> to vector<1024x128xf32>
      %add3A_28 = arith.addf %get3A_22, %get3A_27 : vector<1024x128xf32>
      %get3A_29 = arith.constant 3 : index
      %get3A_30 = arith.constant 0 : index
      %get3A_31 = arith.constant 0 : index
      %get3A_32 = vector.load %arg4[%get3A_29, %get3A_30, %get3A_31] : memref<4x1024x128xf32, #tpu.memory_space<vmem>>, vector<1x1024x128xf32>
      %get3A_33 = vector.shape_cast %get3A_32 : vector<1x1024x128xf32> to vector<1024x128xf32>
      %add3A_34 = arith.addf %add3A_28, %get3A_33 : vector<1024x128xf32>
      %concatenate3A = tpu.concatenate %add3A_19, %add3A_34 in 1 : vector<1024x128xf32>, vector<1024x128xf32> -> vector<1024x256xf32>
      %get3A_35 = arith.constant 0 : index
      %get3A_36 = arith.constant 0 : index
      %get3A_37 = vector.load %arg5[%get3A_35, %get3A_36] : memref<256x256xf32, #tpu.memory_space<vmem>>, vector<256x256xf32>
      %dot_general3A = arith.constant dense<0.000000e+00> : vector<1024x256xf32>
      %dot_general3A_38 = tpu.matmul %concatenate3A, %get3A_37, %dot_general3A {dimension_numbers = #tpu.dot_dimension_numbers<[1], [0], [0], [1], [0, 0, 1, 1], [], []>, transpose_lhs_hint = false} : vector<1024x256xf32>, vector<256x256xf32>, vector<1024x256xf32> -> vector<1024x256xf32>
      %get3A_39 = arith.constant 0 : index
      %get3A_40 = arith.constant 0 : index
      %get3A_41 = vector.load %arg6[%get3A_39, %get3A_40] : memref<1x256xf32, #tpu.memory_space<vmem>>, vector<1x256xf32>
      %add3A_42 = vector.broadcast %get3A_41 : vector<1x256xf32> to vector<1024x256xf32>
      %add3A_43 = arith.addf %dot_general3A_38, %add3A_42 : vector<1024x256xf32>
      %max3A = arith.constant 0.000000e+00 : f32
      %max3A_44 = vector.broadcast %max3A : f32 to vector<1024x256xf32>
      %max3A_45 = arith.maximumf %add3A_43, %max3A_44 : vector<1024x256xf32>
      %get3A_46 = arith.constant 0 : index
      %get3A_47 = arith.constant 0 : index
      %get3A_48 = vector.load %arg7[%get3A_46, %get3A_47] : memref<256x256xf32, #tpu.memory_space<vmem>>, vector<256x256xf32>
      %dot_general3A_49 = arith.constant dense<0.000000e+00> : vector<1024x256xf32>
      %dot_general3A_50 = tpu.matmul %max3A_45, %get3A_48, %dot_general3A_49 {dimension_numbers = #tpu.dot_dimension_numbers<[1], [0], [0], [1], [0, 0, 1, 1], [], []>, transpose_lhs_hint = false} : vector<1024x256xf32>, vector<256x256xf32>, vector<1024x256xf32> -> vector<1024x256xf32>
      %get3A_51 = arith.constant 0 : index
      %get3A_52 = arith.constant 0 : index
      %get3A_53 = vector.load %arg8[%get3A_51, %get3A_52] : memref<1x256xf32, #tpu.memory_space<vmem>>, vector<1x256xf32>
      %add3A_54 = vector.broadcast %get3A_53 : vector<1x256xf32> to vector<1024x256xf32>
      %add3A_55 = arith.addf %dot_general3A_50, %add3A_54 : vector<1024x256xf32>
      %mul3A = arith.constant 1024 : i32
      %mul3A_56 = arith.muli %arg1, %mul3A : i32
      %swap3A = arith.index_cast %mul3A_56 : i32 to index
      %swap3A_57 = arith.constant 0 : index
      %swap3A_58 = vector.load %arg13[%swap3A, %swap3A_57] : memref<10240x256xf32, #tpu.memory_space<vmem>>, vector<1024x256xf32>
      tpu.vector_store %arg13[%swap3A, %swap3A_57], %add3A_55 {strides = array<i32>} : memref<10240x256xf32, #tpu.memory_space<vmem>>, vector<1024x256xf32>,
      %mul3A_59 = arith.constant 1024 : i32
      %mul3A_60 = arith.muli %arg1, %mul3A_59 : i32
      %iota3A = tpu.iota {dimensions = array<i32: 0>} : vector<1024x1xi32>
      %add3A_61 = vector.broadcast %mul3A_60 : i32 to vector<1024x1xi32>
      %add3A_62 = arith.addi %add3A_61, %iota3A : vector<1024x1xi32>
      %lt3A = arith.constant 10000 : i32
      %lt3A_63 = vector.broadcast %lt3A : i32 to vector<1024x1xi32>
      %lt3A_64 = arith.cmpi slt, %add3A_62, %lt3A_63 : vector<1024x1xi32>
      %convert_element_type3A_65 = arith.extui %lt3A_64 : vector<1024x1xi1> to vector<1024x1xi32>
      %convert_element_type3A_66 = arith.sitofp %convert_element_type3A_65 : vector<1024x1xi32> to vector<1024x1xf32>
      %mul3A_67 = vector.broadcast %convert_element_type3A_66 : vector<1024x1xf32> to vector<1024x256xf32>
      %mul3A_68 = arith.mulf %add3A_55, %mul3A_67 : vector<1024x256xf32>
      %reduce_sum3A = arith.constant dense<0.000000e+00> : vector<256xf32>
      %reduce_sum3A_69 = vector.multi_reduction <add>, %mul3A_68, %reduce_sum3A [0] : vector<1024x256xf32> to vector<256xf32>
      %broadcast_in_dim3A = vector.shape_cast %reduce_sum3A_69 : vector<256xf32> to vector<1x256xf32>
      %mul3A_70 = arith.mulf %mul3A_68, %add3A_55 : vector<1024x256xf32>
      %reduce_sum3A_71 = arith.constant dense<0.000000e+00> : vector<256xf32>
      %reduce_sum3A_72 = vector.multi_reduction <add>, %mul3A_70, %reduce_sum3A_71 [0] : vector<1024x256xf32> to vector<256xf32>
      %broadcast_in_dim3A_73 = vector.shape_cast %reduce_sum3A_72 : vector<256xf32> to vector<1x256xf32>
      %broadcast_in_dim3A_74 = arith.constant 0.000000e+00 : f32
      %broadcast_in_dim3A_75 = vector.broadcast %broadcast_in_dim3A_74 : f32 to vector<6x256xf32>
      %concatenate3A_76 = tpu.concatenate %broadcast_in_dim3A, %broadcast_in_dim3A_73, %broadcast_in_dim3A_75 in 0 : vector<1x256xf32>, vector<1x256xf32>, vector<6x256xf32> -> vector<8x256xf32>
      %eq3A_77 = arith.constant 0 : i32
      %eq3A_78 = arith.cmpi eq, %arg1, %eq3A_77 : i32
      %convert_element_type3A_79 = arith.extui %eq3A_78 : i1 to i32
      %cond3A_80 = arith.constant 0 : i32
      %cond3A_81 = arith.cmpi ne, %convert_element_type3A_79, %cond3A_80 : i32
      scf.if %cond3A_81 {
        %swap3A_86 = arith.constant 0 : index
        %swap3A_87 = arith.constant 0 : index
        %swap3A_88 = vector.load %arg14[%swap3A_86, %swap3A_87] : memref<8x256xf32, #tpu.memory_space<vmem>>, vector<8x256xf32>
        tpu.vector_store %arg14[%swap3A_86, %swap3A_87], %concatenate3A_76 {strides = array<i32>} : memref<8x256xf32, #tpu.memory_space<vmem>>, vector<8x256xf32>,
      } else {
      }
      %gt3A = arith.constant 0 : i32
      %gt3A_82 = arith.cmpi sgt, %arg1, %gt3A : i32
      %convert_element_type3A_83 = arith.extui %gt3A_82 : i1 to i32
      %cond3A_84 = arith.constant 0 : i32
      %cond3A_85 = arith.cmpi ne, %convert_element_type3A_83, %cond3A_84 : i32
      scf.if %cond3A_85 {
        %get3A_86 = arith.constant 0 : index
        %get3A_87 = arith.constant 0 : index
        %get3A_88 = vector.load %arg14[%get3A_86, %get3A_87] : memref<8x256xf32, #tpu.memory_space<vmem>>, vector<8x256xf32>
        %add3A_89 = arith.addf %get3A_88, %concatenate3A_76 : vector<8x256xf32>
        %swap3A_90 = arith.constant 0 : index
        %swap3A_91 = arith.constant 0 : index
        %swap3A_92 = vector.load %arg14[%swap3A_90, %swap3A_91] : memref<8x256xf32, #tpu.memory_space<vmem>>, vector<8x256xf32>
        tpu.vector_store %arg14[%swap3A_90, %swap3A_91], %add3A_89 {strides = array<i32>} : memref<8x256xf32, #tpu.memory_space<vmem>>, vector<8x256xf32>,
      } else {
      }
    } else {
    }
    %eq3A_2 = arith.constant 1 : i32
    %eq3A_3 = arith.cmpi eq, %arg0, %eq3A_2 : i32
    %convert_element_type3A_4 = arith.extui %eq3A_3 : i1 to i32
    %cond3A_5 = arith.constant 0 : i32
    %cond3A_6 = arith.cmpi ne, %convert_element_type3A_4, %cond3A_5 : i32
    scf.if %cond3A_6 {
      %mul3A = arith.constant 1024 : i32
      %mul3A_7 = arith.muli %arg1, %mul3A : i32
      %get3A = arith.index_cast %mul3A_7 : i32 to index
      %get3A_8 = arith.constant 0 : index
      %get3A_9 = vector.load %arg13[%get3A, %get3A_8] : memref<10240x256xf32, #tpu.memory_space<vmem>>, vector<1024x256xf32>
      %get3A_10 = arith.constant 0 : index
      %get3A_11 = arith.constant 0 : index
      %get3A_12 = vector.load %arg14[%get3A_10, %get3A_11] : memref<8x256xf32, #tpu.memory_space<vmem>>, vector<1x256xf32>
      %mul3A_13 = arith.constant 9.99999974E-5 : f32
      %mul3A_14 = vector.broadcast %mul3A_13 : f32 to vector<1x256xf32>
      %mul3A_15 = arith.mulf %get3A_12, %mul3A_14 : vector<1x256xf32>
      %get3A_16 = arith.constant 1 : index
      %get3A_17 = arith.constant 0 : index
      %get3A_18 = vector.load %arg14[%get3A_16, %get3A_17] : memref<8x256xf32, #tpu.memory_space<vmem>>, vector<1x256xf32>
      %mul3A_19 = arith.constant 9.99999974E-5 : f32
      %mul3A_20 = vector.broadcast %mul3A_19 : f32 to vector<1x256xf32>
      %mul3A_21 = arith.mulf %get3A_18, %mul3A_20 : vector<1x256xf32>
      %mul3A_22 = arith.mulf %mul3A_15, %mul3A_15 : vector<1x256xf32>
      %sub3A = arith.subf %mul3A_21, %mul3A_22 : vector<1x256xf32>
      %add3A = arith.constant 9.99999974E-6 : f32
      %add3A_23 = vector.broadcast %add3A : f32 to vector<1x256xf32>
      %add3A_24 = arith.addf %sub3A, %add3A_23 : vector<1x256xf32>
      %rsqrt3A = math.rsqrt %add3A_24 : vector<1x256xf32>
      %sub3A_25 = vector.broadcast %mul3A_15 : vector<1x256xf32> to vector<1024x256xf32>
      %sub3A_26 = arith.subf %get3A_9, %sub3A_25 : vector<1024x256xf32>
      %mul3A_27 = vector.broadcast %rsqrt3A : vector<1x256xf32> to vector<1024x256xf32>
      %mul3A_28 = arith.mulf %sub3A_26, %mul3A_27 : vector<1024x256xf32>
      %get3A_29 = arith.constant 0 : index
      %get3A_30 = arith.constant 0 : index
      %get3A_31 = vector.load %arg9[%get3A_29, %get3A_30] : memref<1x256xf32, #tpu.memory_space<vmem>>, vector<1x256xf32>
      %mul3A_32 = vector.broadcast %get3A_31 : vector<1x256xf32> to vector<1024x256xf32>
      %mul3A_33 = arith.mulf %mul3A_28, %mul3A_32 : vector<1024x256xf32>
      %get3A_34 = arith.constant 0 : index
      %get3A_35 = arith.constant 0 : index
      %get3A_36 = vector.load %arg10[%get3A_34, %get3A_35] : memref<1x256xf32, #tpu.memory_space<vmem>>, vector<1x256xf32>
      %add3A_37 = vector.broadcast %get3A_36 : vector<1x256xf32> to vector<1024x256xf32>
      %add3A_38 = arith.addf %mul3A_33, %add3A_37 : vector<1024x256xf32>
      %max3A = arith.constant 0.000000e+00 : f32
      %max3A_39 = vector.broadcast %max3A : f32 to vector<1024x256xf32>
      %max3A_40 = arith.maximumf %add3A_38, %max3A_39 : vector<1024x256xf32>
      %slice3A = vector.extract_strided_slice %max3A_40 {offsets = [0, 0], sizes = [1024, 128], strides = [1, 1]} : vector<1024x256xf32> to vector<1024x128xf32>
      %swap3A = arith.constant 0 : index
      %swap3A_41 = arith.constant 0 : index
      %swap3A_42 = vector.load %arg11[%swap3A, %swap3A_41] : memref<1024x128xf32, #tpu.memory_space<vmem>>, vector<1024x128xf32>
      tpu.vector_store %arg11[%swap3A, %swap3A_41], %slice3A {strides = array<i32>} : memref<1024x128xf32, #tpu.memory_space<vmem>>, vector<1024x128xf32>,
      %slice3A_43 = vector.extract_strided_slice %max3A_40 {offsets = [0, 128], sizes = [1024, 128], strides = [1, 1]} : vector<1024x256xf32> to vector<1024x128xf32>
      %swap3A_44 = arith.constant 0 : index
      %swap3A_45 = arith.constant 0 : index
      %swap3A_46 = vector.load %arg12[%swap3A_44, %swap3A_45] : memref<1024x128xf32, #tpu.memory_space<vmem>>, vector<1024x128xf32>
      tpu.vector_store %arg12[%swap3A_44, %swap3A_45], %slice3A_43 {strides = array<i32>} : memref<1024x128xf32, #tpu.memory_space<vmem>>, vector<1024x128xf32>,
    } else {
    }
    return
  }
  func.func @transform_0(%arg0: i32, %arg1: i32) -> (i32, i32) {
    %sub3A = arith.constant 1 : i32
    %sub3A_0 = arith.subi %sub3A, %arg0 : i32
    %mul3A = arith.muli %arg1, %sub3A_0 : i32
    %c0_i32 = arith.constant 0 : i32
    %c0_i32_1 = arith.constant 0 : i32
    return %mul3A, %c0_i32 : i32, i32
  }
  func.func @transform_1(%arg0: i32, %arg1: i32) -> (i32, i32) {
    %sub3A = arith.constant 1 : i32
    %sub3A_0 = arith.subi %sub3A, %arg0 : i32
    %mul3A = arith.muli %arg1, %sub3A_0 : i32
    %c0_i32 = arith.constant 0 : i32
    %c0_i32_1 = arith.constant 0 : i32
    return %mul3A, %c0_i32 : i32, i32
  }
  func.func @transform_2(%arg0: i32, %arg1: i32) -> (i32, i32, i32) {
    %sub3A = arith.constant 1 : i32
    %sub3A_0 = arith.subi %sub3A, %arg0 : i32
    %mul3A = arith.muli %arg1, %sub3A_0 : i32
    %c0_i32 = arith.constant 0 : i32
    %c0_i32_1 = arith.constant 0 : i32
    %c0_i32_2 = arith.constant 0 : i32
    return %c0_i32, %mul3A, %c0_i32_1 : i32, i32, i32
  }
  func.func @transform_3(%arg0: i32, %arg1: i32) -> (i32, i32) {
    %c0_i32 = arith.constant 0 : i32
    %c0_i32_0 = arith.constant 0 : i32
    %c0_i32_1 = arith.constant 0 : i32
    return %c0_i32, %c0_i32_0 : i32, i32
  }
  func.func @transform_4(%arg0: i32, %arg1: i32) -> (i32, i32) {
    %c0_i32 = arith.constant 0 : i32
    %c0_i32_0 = arith.constant 0 : i32
    %c0_i32_1 = arith.constant 0 : i32
    return %c0_i32, %c0_i32_0 : i32, i32
  }
  func.func @transform_5(%arg0: i32, %arg1: i32) -> (i32, i32) {
    %c0_i32 = arith.constant 0 : i32
    %c0_i32_0 = arith.constant 0 : i32
    %c0_i32_1 = arith.constant 0 : i32
    return %c0_i32, %c0_i32_0 : i32, i32
  }
  func.func @transform_6(%arg0: i32, %arg1: i32) -> (i32, i32) {
    %c0_i32 = arith.constant 0 : i32
    %c0_i32_0 = arith.constant 0 : i32
    %c0_i32_1 = arith.constant 0 : i32
    return %c0_i32, %c0_i32_0 : i32, i32
  }
  func.func @transform_7(%arg0: i32, %arg1: i32) -> (i32, i32) {
    %c0_i32 = arith.constant 0 : i32
    %c0_i32_0 = arith.constant 0 : i32
    %c0_i32_1 = arith.constant 0 : i32
    return %c0_i32, %c0_i32_0 : i32, i32
  }
  func.func @transform_8(%arg0: i32, %arg1: i32) -> (i32, i32) {
    %c0_i32 = arith.constant 0 : i32
    %c0_i32_0 = arith.constant 0 : i32
    %c0_i32_1 = arith.constant 0 : i32
    return %c0_i32, %c0_i32_0 : i32, i32
  }
  func.func @transform_9(%arg0: i32, %arg1: i32) -> (i32, i32) {
    %mul3A = arith.muli %arg1, %arg0 : i32
    %c0_i32 = arith.constant 0 : i32
    %c0_i32_0 = arith.constant 0 : i32
    return %mul3A, %c0_i32 : i32, i32
  }
  func.func @transform_10(%arg0: i32, %arg1: i32) -> (i32, i32) {
    %mul3A = arith.muli %arg1, %arg0 : i32
    %c0_i32 = arith.constant 0 : i32
    %c0_i32_0 = arith.constant 0 : i32
    return %mul3A, %c0_i32 : i32, i32
  }
}

module attributes {stable_mosaic.version = 14 : i64} {
  func.func @_mlp_final_body(%arg0: i32, %arg1: memref<1024x128xf32, #tpu.memory_space<vmem>>, %arg2: memref<1024x128xf32, #tpu.memory_space<vmem>>, %arg3: memref<4x1024x128xf32, #tpu.memory_space<vmem>>, %arg4: memref<256x256xf32, #tpu.memory_space<vmem>>, %arg5: memref<1x256xf32, #tpu.memory_space<vmem>>, %arg6: memref<256x128xf32, #tpu.memory_space<vmem>>, %arg7: memref<1x128xf32, #tpu.memory_space<vmem>>, %arg8: memref<1024x128xf32, #tpu.memory_space<vmem>>) attributes {dimension_semantics = [#tpu.dimension_semantics<arbitrary>], iteration_bounds = array<i64: 10>, scalar_prefetch = 0 : i64, scratch_operands = 0 : i64, tpu.core_type = #tpu.core_type<tc>, window_params = [{transform_indices = @transform_0, window_bounds = array<i64: 1024, 128>}, {transform_indices = @transform_1, window_bounds = array<i64: 1024, 128>}, {transform_indices = @transform_2, window_bounds = array<i64: 4, 1024, 128>}, {pipeline_mode = #tpu.pipeline_mode<synchronous>, transform_indices = @transform_3, window_bounds = array<i64: 256, 256>}, {pipeline_mode = #tpu.pipeline_mode<synchronous>, transform_indices = @transform_4, window_bounds = array<i64: 1, 256>}, {pipeline_mode = #tpu.pipeline_mode<synchronous>, transform_indices = @transform_5, window_bounds = array<i64: 256, 128>}, {pipeline_mode = #tpu.pipeline_mode<synchronous>, transform_indices = @transform_6, window_bounds = array<i64: 1, 128>}, {transform_indices = @transform_7, window_bounds = array<i64: 1024, 128>}]} {
    %get3A = arith.constant 0 : index
    %get3A_0 = arith.constant 0 : index
    %get3A_1 = vector.load %arg1[%get3A, %get3A_0] : memref<1024x128xf32, #tpu.memory_space<vmem>>, vector<1024x128xf32>
    %get3A_2 = arith.constant 0 : index
    %get3A_3 = arith.constant 0 : index
    %get3A_4 = arith.constant 0 : index
    %get3A_5 = vector.load %arg3[%get3A_2, %get3A_3, %get3A_4] : memref<4x1024x128xf32, #tpu.memory_space<vmem>>, vector<1x1024x128xf32>
    %get3A_6 = vector.shape_cast %get3A_5 : vector<1x1024x128xf32> to vector<1024x128xf32>
    %add3A = arith.addf %get3A_1, %get3A_6 : vector<1024x128xf32>
    %get3A_7 = arith.constant 1 : index
    %get3A_8 = arith.constant 0 : index
    %get3A_9 = arith.constant 0 : index
    %get3A_10 = vector.load %arg3[%get3A_7, %get3A_8, %get3A_9] : memref<4x1024x128xf32, #tpu.memory_space<vmem>>, vector<1x1024x128xf32>
    %get3A_11 = vector.shape_cast %get3A_10 : vector<1x1024x128xf32> to vector<1024x128xf32>
    %add3A_12 = arith.addf %add3A, %get3A_11 : vector<1024x128xf32>
    %get3A_13 = arith.constant 0 : index
    %get3A_14 = arith.constant 0 : index
    %get3A_15 = vector.load %arg2[%get3A_13, %get3A_14] : memref<1024x128xf32, #tpu.memory_space<vmem>>, vector<1024x128xf32>
    %get3A_16 = arith.constant 2 : index
    %get3A_17 = arith.constant 0 : index
    %get3A_18 = arith.constant 0 : index
    %get3A_19 = vector.load %arg3[%get3A_16, %get3A_17, %get3A_18] : memref<4x1024x128xf32, #tpu.memory_space<vmem>>, vector<1x1024x128xf32>
    %get3A_20 = vector.shape_cast %get3A_19 : vector<1x1024x128xf32> to vector<1024x128xf32>
    %add3A_21 = arith.addf %get3A_15, %get3A_20 : vector<1024x128xf32>
    %get3A_22 = arith.constant 3 : index
    %get3A_23 = arith.constant 0 : index
    %get3A_24 = arith.constant 0 : index
    %get3A_25 = vector.load %arg3[%get3A_22, %get3A_23, %get3A_24] : memref<4x1024x128xf32, #tpu.memory_space<vmem>>, vector<1x1024x128xf32>
    %get3A_26 = vector.shape_cast %get3A_25 : vector<1x1024x128xf32> to vector<1024x128xf32>
    %add3A_27 = arith.addf %add3A_21, %get3A_26 : vector<1024x128xf32>
    %concatenate3A = tpu.concatenate %add3A_12, %add3A_27 in 1 : vector<1024x128xf32>, vector<1024x128xf32> -> vector<1024x256xf32>
    %get3A_28 = arith.constant 0 : index
    %get3A_29 = arith.constant 0 : index
    %get3A_30 = vector.load %arg4[%get3A_28, %get3A_29] : memref<256x256xf32, #tpu.memory_space<vmem>>, vector<256x256xf32>
    %dot_general3A = arith.constant dense<0.000000e+00> : vector<1024x256xf32>
    %dot_general3A_31 = tpu.matmul %concatenate3A, %get3A_30, %dot_general3A {dimension_numbers = #tpu.dot_dimension_numbers<[1], [0], [0], [1], [0, 0, 1, 1], [], []>, transpose_lhs_hint = false} : vector<1024x256xf32>, vector<256x256xf32>, vector<1024x256xf32> -> vector<1024x256xf32>
    %get3A_32 = arith.constant 0 : index
    %get3A_33 = arith.constant 0 : index
    %get3A_34 = vector.load %arg5[%get3A_32, %get3A_33] : memref<1x256xf32, #tpu.memory_space<vmem>>, vector<1x256xf32>
    %add3A_35 = vector.broadcast %get3A_34 : vector<1x256xf32> to vector<1024x256xf32>
    %add3A_36 = arith.addf %dot_general3A_31, %add3A_35 : vector<1024x256xf32>
    %max3A = arith.constant 0.000000e+00 : f32
    %max3A_37 = vector.broadcast %max3A : f32 to vector<1024x256xf32>
    %max3A_38 = arith.maximumf %add3A_36, %max3A_37 : vector<1024x256xf32>
    %get3A_39 = arith.constant 0 : index
    %get3A_40 = arith.constant 0 : index
    %get3A_41 = vector.load %arg6[%get3A_39, %get3A_40] : memref<256x128xf32, #tpu.memory_space<vmem>>, vector<256x128xf32>
    %dot_general3A_42 = arith.constant dense<0.000000e+00> : vector<1024x128xf32>
    %dot_general3A_43 = tpu.matmul %max3A_38, %get3A_41, %dot_general3A_42 {dimension_numbers = #tpu.dot_dimension_numbers<[1], [0], [0], [1], [0, 0, 1, 1], [], []>, transpose_lhs_hint = false} : vector<1024x256xf32>, vector<256x128xf32>, vector<1024x128xf32> -> vector<1024x128xf32>
    %get3A_44 = arith.constant 0 : index
    %get3A_45 = arith.constant 0 : index
    %get3A_46 = vector.load %arg7[%get3A_44, %get3A_45] : memref<1x128xf32, #tpu.memory_space<vmem>>, vector<1x128xf32>
    %add3A_47 = vector.broadcast %get3A_46 : vector<1x128xf32> to vector<1024x128xf32>
    %add3A_48 = arith.addf %dot_general3A_43, %add3A_47 : vector<1024x128xf32>
    %reduce_max3A = arith.constant dense<0xFF800000> : vector<1024xf32>
    %reduce_max3A_49 = vector.multi_reduction <maximumf>, %add3A_48, %reduce_max3A [1] : vector<1024x128xf32> to vector<1024xf32>
    %broadcast_in_dim3A = vector.shape_cast %reduce_max3A_49 : vector<1024xf32> to vector<1024x1xf32>
    %sub3A = vector.broadcast %broadcast_in_dim3A : vector<1024x1xf32> to vector<1024x128xf32>
    %sub3A_50 = arith.subf %add3A_48, %sub3A : vector<1024x128xf32>
    %exp3A = math.exp %sub3A_50 : vector<1024x128xf32>
    %reduce_sum3A = arith.constant dense<0.000000e+00> : vector<1024xf32>
    %reduce_sum3A_51 = vector.multi_reduction <add>, %exp3A, %reduce_sum3A [1] : vector<1024x128xf32> to vector<1024xf32>
    %broadcast_in_dim3A_52 = vector.shape_cast %reduce_sum3A_51 : vector<1024xf32> to vector<1024x1xf32>
    %log3A = math.log %broadcast_in_dim3A_52 : vector<1024x1xf32>
    %add3A_53 = arith.addf %log3A, %broadcast_in_dim3A : vector<1024x1xf32>
    %sub3A_54 = vector.broadcast %add3A_53 : vector<1024x1xf32> to vector<1024x128xf32>
    %sub3A_55 = arith.subf %add3A_48, %sub3A_54 : vector<1024x128xf32>
    %swap3A = arith.constant 0 : index
    %swap3A_56 = arith.constant 0 : index
    %swap3A_57 = vector.load %arg8[%swap3A, %swap3A_56] : memref<1024x128xf32, #tpu.memory_space<vmem>>, vector<1024x128xf32>
    tpu.vector_store %arg8[%swap3A, %swap3A_56], %sub3A_55 {strides = array<i32>} : memref<1024x128xf32, #tpu.memory_space<vmem>>, vector<1024x128xf32>,
    return
  }
  func.func @transform_0(%arg0: i32) -> (i32, i32) {
    %c0_i32 = arith.constant 0 : i32
    %c0_i32_0 = arith.constant 0 : i32
    return %arg0, %c0_i32 : i32, i32
  }
  func.func @transform_1(%arg0: i32) -> (i32, i32) {
    %c0_i32 = arith.constant 0 : i32
    %c0_i32_0 = arith.constant 0 : i32
    return %arg0, %c0_i32 : i32, i32
  }
  func.func @transform_2(%arg0: i32) -> (i32, i32, i32) {
    %c0_i32 = arith.constant 0 : i32
    %c0_i32_0 = arith.constant 0 : i32
    %c0_i32_1 = arith.constant 0 : i32
    return %c0_i32, %arg0, %c0_i32_0 : i32, i32, i32
  }
  func.func @transform_3(%arg0: i32) -> (i32, i32) {
    %c0_i32 = arith.constant 0 : i32
    %c0_i32_0 = arith.constant 0 : i32
    %c0_i32_1 = arith.constant 0 : i32
    return %c0_i32, %c0_i32_0 : i32, i32
  }
  func.func @transform_4(%arg0: i32) -> (i32, i32) {
    %c0_i32 = arith.constant 0 : i32
    %c0_i32_0 = arith.constant 0 : i32
    %c0_i32_1 = arith.constant 0 : i32
    return %c0_i32, %c0_i32_0 : i32, i32
  }
  func.func @transform_5(%arg0: i32) -> (i32, i32) {
    %c0_i32 = arith.constant 0 : i32
    %c0_i32_0 = arith.constant 0 : i32
    %c0_i32_1 = arith.constant 0 : i32
    return %c0_i32, %c0_i32_0 : i32, i32
  }
  func.func @transform_6(%arg0: i32) -> (i32, i32) {
    %c0_i32 = arith.constant 0 : i32
    %c0_i32_0 = arith.constant 0 : i32
    %c0_i32_1 = arith.constant 0 : i32
    return %c0_i32, %c0_i32_0 : i32, i32
  }
  func.func @transform_7(%arg0: i32) -> (i32, i32) {
    %c0_i32 = arith.constant 0 : i32
    %c0_i32_0 = arith.constant 0 : i32
    return %arg0, %c0_i32 : i32, i32
  }
}

module attributes {stable_mosaic.version = 14 : i64} {
  func.func @_fused_layer_body(%arg0: i32, %arg1: i32, %arg2: memref<1024x128xf32, #tpu.memory_space<vmem>>, %arg3: memref<2x1024x128xf32, #tpu.memory_space<vmem>>, %arg4: memref<128x256xf32, #tpu.memory_space<vmem>>, %arg5: memref<1x256xf32, #tpu.memory_space<vmem>>, %arg6: memref<256x256xf32, #tpu.memory_space<vmem>>, %arg7: memref<1x256xf32, #tpu.memory_space<vmem>>, %arg8: memref<1x256xf32, #tpu.memory_space<vmem>>, %arg9: memref<1x256xf32, #tpu.memory_space<vmem>>, %arg10: memref<1024x128xf32, #tpu.memory_space<vmem>>, %arg11: memref<1024x128xf32, #tpu.memory_space<vmem>>, %arg12: memref<10240x256xf32, #tpu.memory_space<vmem>>, %arg13: memref<8x256xf32, #tpu.memory_space<vmem>>) attributes {dimension_semantics = [#tpu.dimension_semantics<arbitrary>, #tpu.dimension_semantics<arbitrary>], iteration_bounds = array<i64: 2, 10>, scalar_prefetch = 0 : i64, scratch_operands = 2 : i64, tpu.core_type = #tpu.core_type<tc>, window_params = [{transform_indices = @transform_0, window_bounds = array<i64: 1024, 128>}, {transform_indices = @transform_1, window_bounds = array<i64: 2, 1024, 128>}, {pipeline_mode = #tpu.pipeline_mode<synchronous>, transform_indices = @transform_2, window_bounds = array<i64: 128, 256>}, {pipeline_mode = #tpu.pipeline_mode<synchronous>, transform_indices = @transform_3, window_bounds = array<i64: 1, 256>}, {pipeline_mode = #tpu.pipeline_mode<synchronous>, transform_indices = @transform_4, window_bounds = array<i64: 256, 256>}, {pipeline_mode = #tpu.pipeline_mode<synchronous>, transform_indices = @transform_5, window_bounds = array<i64: 1, 256>}, {pipeline_mode = #tpu.pipeline_mode<synchronous>, transform_indices = @transform_6, window_bounds = array<i64: 1, 256>}, {pipeline_mode = #tpu.pipeline_mode<synchronous>, transform_indices = @transform_7, window_bounds = array<i64: 1, 256>}, {transform_indices = @transform_8, window_bounds = array<i64: 1024, 128>}, {transform_indices = @transform_9, window_bounds = array<i64: 1024, 128>}]} {
    %eq3A = arith.constant 0 : i32
    %eq3A_0 = arith.cmpi eq, %arg0, %eq3A : i32
    %convert_element_type3A = arith.extui %eq3A_0 : i1 to i32
    %cond3A = arith.constant 0 : i32
    %cond3A_1 = arith.cmpi ne, %convert_element_type3A, %cond3A : i32
    scf.if %cond3A_1 {
      %get3A = arith.constant 0 : index
      %get3A_7 = arith.constant 0 : index
      %get3A_8 = vector.load %arg2[%get3A, %get3A_7] : memref<1024x128xf32, #tpu.memory_space<vmem>>, vector<1024x128xf32>
      %get3A_9 = arith.constant 0 : index
      %get3A_10 = arith.constant 0 : index
      %get3A_11 = arith.constant 0 : index
      %get3A_12 = vector.load %arg3[%get3A_9, %get3A_10, %get3A_11] : memref<2x1024x128xf32, #tpu.memory_space<vmem>>, vector<1x1024x128xf32>
      %get3A_13 = vector.shape_cast %get3A_12 : vector<1x1024x128xf32> to vector<1024x128xf32>
      %add3A = arith.addf %get3A_8, %get3A_13 : vector<1024x128xf32>
      %get3A_14 = arith.constant 1 : index
      %get3A_15 = arith.constant 0 : index
      %get3A_16 = arith.constant 0 : index
      %get3A_17 = vector.load %arg3[%get3A_14, %get3A_15, %get3A_16] : memref<2x1024x128xf32, #tpu.memory_space<vmem>>, vector<1x1024x128xf32>
      %get3A_18 = vector.shape_cast %get3A_17 : vector<1x1024x128xf32> to vector<1024x128xf32>
      %add3A_19 = arith.addf %add3A, %get3A_18 : vector<1024x128xf32>
      %get3A_20 = arith.constant 0 : index
      %get3A_21 = arith.constant 0 : index
      %get3A_22 = vector.load %arg4[%get3A_20, %get3A_21] : memref<128x256xf32, #tpu.memory_space<vmem>>, vector<128x256xf32>
      %dot_general3A = arith.constant dense<0.000000e+00> : vector<1024x256xf32>
      %dot_general3A_23 = tpu.matmul %add3A_19, %get3A_22, %dot_general3A {dimension_numbers = #tpu.dot_dimension_numbers<[1], [0], [0], [1], [0, 0, 1, 1], [], []>, transpose_lhs_hint = false} : vector<1024x128xf32>, vector<128x256xf32>, vector<1024x256xf32> -> vector<1024x256xf32>
      %get3A_24 = arith.constant 0 : index
      %get3A_25 = arith.constant 0 : index
      %get3A_26 = vector.load %arg5[%get3A_24, %get3A_25] : memref<1x256xf32, #tpu.memory_space<vmem>>, vector<1x256xf32>
      %add3A_27 = vector.broadcast %get3A_26 : vector<1x256xf32> to vector<1024x256xf32>
      %add3A_28 = arith.addf %dot_general3A_23, %add3A_27 : vector<1024x256xf32>
      %max3A = arith.constant 0.000000e+00 : f32
      %max3A_29 = vector.broadcast %max3A : f32 to vector<1024x256xf32>
      %max3A_30 = arith.maximumf %add3A_28, %max3A_29 : vector<1024x256xf32>
      %get3A_31 = arith.constant 0 : index
      %get3A_32 = arith.constant 0 : index
      %get3A_33 = vector.load %arg6[%get3A_31, %get3A_32] : memref<256x256xf32, #tpu.memory_space<vmem>>, vector<256x256xf32>
      %dot_general3A_34 = arith.constant dense<0.000000e+00> : vector<1024x256xf32>
      %dot_general3A_35 = tpu.matmul %max3A_30, %get3A_33, %dot_general3A_34 {dimension_numbers = #tpu.dot_dimension_numbers<[1], [0], [0], [1], [0, 0, 1, 1], [], []>, transpose_lhs_hint = false} : vector<1024x256xf32>, vector<256x256xf32>, vector<1024x256xf32> -> vector<1024x256xf32>
      %get3A_36 = arith.constant 0 : index
      %get3A_37 = arith.constant 0 : index
      %get3A_38 = vector.load %arg7[%get3A_36, %get3A_37] : memref<1x256xf32, #tpu.memory_space<vmem>>, vector<1x256xf32>
      %add3A_39 = vector.broadcast %get3A_38 : vector<1x256xf32> to vector<1024x256xf32>
      %add3A_40 = arith.addf %dot_general3A_35, %add3A_39 : vector<1024x256xf32>
      %mul3A = arith.constant 1024 : i32
      %mul3A_41 = arith.muli %arg1, %mul3A : i32
      %swap3A = arith.index_cast %mul3A_41 : i32 to index
      %swap3A_42 = arith.constant 0 : index
      %swap3A_43 = vector.load %arg12[%swap3A, %swap3A_42] : memref<10240x256xf32, #tpu.memory_space<vmem>>, vector<1024x256xf32>
      tpu.vector_store %arg12[%swap3A, %swap3A_42], %add3A_40 {strides = array<i32>} : memref<10240x256xf32, #tpu.memory_space<vmem>>, vector<1024x256xf32>,
      %mul3A_44 = arith.constant 1024 : i32
      %mul3A_45 = arith.muli %arg1, %mul3A_44 : i32
      %iota3A = tpu.iota {dimensions = array<i32: 0>} : vector<1024x1xi32>
      %add3A_46 = vector.broadcast %mul3A_45 : i32 to vector<1024x1xi32>
      %add3A_47 = arith.addi %add3A_46, %iota3A : vector<1024x1xi32>
      %lt3A = arith.constant 10000 : i32
      %lt3A_48 = vector.broadcast %lt3A : i32 to vector<1024x1xi32>
      %lt3A_49 = arith.cmpi slt, %add3A_47, %lt3A_48 : vector<1024x1xi32>
      %convert_element_type3A_50 = arith.extui %lt3A_49 : vector<1024x1xi1> to vector<1024x1xi32>
      %convert_element_type3A_51 = arith.sitofp %convert_element_type3A_50 : vector<1024x1xi32> to vector<1024x1xf32>
      %mul3A_52 = vector.broadcast %convert_element_type3A_51 : vector<1024x1xf32> to vector<1024x256xf32>
      %mul3A_53 = arith.mulf %add3A_40, %mul3A_52 : vector<1024x256xf32>
      %reduce_sum3A = arith.constant dense<0.000000e+00> : vector<256xf32>
      %reduce_sum3A_54 = vector.multi_reduction <add>, %mul3A_53, %reduce_sum3A [0] : vector<1024x256xf32> to vector<256xf32>
      %broadcast_in_dim3A = vector.shape_cast %reduce_sum3A_54 : vector<256xf32> to vector<1x256xf32>
      %mul3A_55 = arith.mulf %mul3A_53, %add3A_40 : vector<1024x256xf32>
      %reduce_sum3A_56 = arith.constant dense<0.000000e+00> : vector<256xf32>
      %reduce_sum3A_57 = vector.multi_reduction <add>, %mul3A_55, %reduce_sum3A_56 [0] : vector<1024x256xf32> to vector<256xf32>
      %broadcast_in_dim3A_58 = vector.shape_cast %reduce_sum3A_57 : vector<256xf32> to vector<1x256xf32>
      %broadcast_in_dim3A_59 = arith.constant 0.000000e+00 : f32
      %broadcast_in_dim3A_60 = vector.broadcast %broadcast_in_dim3A_59 : f32 to vector<6x256xf32>
      %concatenate3A = tpu.concatenate %broadcast_in_dim3A, %broadcast_in_dim3A_58, %broadcast_in_dim3A_60 in 0 : vector<1x256xf32>, vector<1x256xf32>, vector<6x256xf32> -> vector<8x256xf32>
      %eq3A_61 = arith.constant 0 : i32
      %eq3A_62 = arith.cmpi eq, %arg1, %eq3A_61 : i32
      %convert_element_type3A_63 = arith.extui %eq3A_62 : i1 to i32
      %cond3A_64 = arith.constant 0 : i32
      %cond3A_65 = arith.cmpi ne, %convert_element_type3A_63, %cond3A_64 : i32
      scf.if %cond3A_65 {
        %swap3A_70 = arith.constant 0 : index
        %swap3A_71 = arith.constant 0 : index
        %swap3A_72 = vector.load %arg13[%swap3A_70, %swap3A_71] : memref<8x256xf32, #tpu.memory_space<vmem>>, vector<8x256xf32>
        tpu.vector_store %arg13[%swap3A_70, %swap3A_71], %concatenate3A {strides = array<i32>} : memref<8x256xf32, #tpu.memory_space<vmem>>, vector<8x256xf32>,
      } else {
      }
      %gt3A = arith.constant 0 : i32
      %gt3A_66 = arith.cmpi sgt, %arg1, %gt3A : i32
      %convert_element_type3A_67 = arith.extui %gt3A_66 : i1 to i32
      %cond3A_68 = arith.constant 0 : i32
      %cond3A_69 = arith.cmpi ne, %convert_element_type3A_67, %cond3A_68 : i32
      scf.if %cond3A_69 {
        %get3A_70 = arith.constant 0 : index
        %get3A_71 = arith.constant 0 : index
        %get3A_72 = vector.load %arg13[%get3A_70, %get3A_71] : memref<8x256xf32, #tpu.memory_space<vmem>>, vector<8x256xf32>
        %add3A_73 = arith.addf %get3A_72, %concatenate3A : vector<8x256xf32>
        %swap3A_74 = arith.constant 0 : index
        %swap3A_75 = arith.constant 0 : index
        %swap3A_76 = vector.load %arg13[%swap3A_74, %swap3A_75] : memref<8x256xf32, #tpu.memory_space<vmem>>, vector<8x256xf32>
        tpu.vector_store %arg13[%swap3A_74, %swap3A_75], %add3A_73 {strides = array<i32>} : memref<8x256xf32, #tpu.memory_space<vmem>>, vector<8x256xf32>,
      } else {
      }
    } else {
    }
    %eq3A_2 = arith.constant 1 : i32
    %eq3A_3 = arith.cmpi eq, %arg0, %eq3A_2 : i32
    %convert_element_type3A_4 = arith.extui %eq3A_3 : i1 to i32
    %cond3A_5 = arith.constant 0 : i32
    %cond3A_6 = arith.cmpi ne, %convert_element_type3A_4, %cond3A_5 : i32
    scf.if %cond3A_6 {
      %mul3A = arith.constant 1024 : i32
      %mul3A_7 = arith.muli %arg1, %mul3A : i32
      %get3A = arith.index_cast %mul3A_7 : i32 to index
      %get3A_8 = arith.constant 0 : index
      %get3A_9 = vector.load %arg12[%get3A, %get3A_8] : memref<10240x256xf32, #tpu.memory_space<vmem>>, vector<1024x256xf32>
      %get3A_10 = arith.constant 0 : index
      %get3A_11 = arith.constant 0 : index
      %get3A_12 = vector.load %arg13[%get3A_10, %get3A_11] : memref<8x256xf32, #tpu.memory_space<vmem>>, vector<1x256xf32>
      %mul3A_13 = arith.constant 9.99999974E-5 : f32
      %mul3A_14 = vector.broadcast %mul3A_13 : f32 to vector<1x256xf32>
      %mul3A_15 = arith.mulf %get3A_12, %mul3A_14 : vector<1x256xf32>
      %get3A_16 = arith.constant 1 : index
      %get3A_17 = arith.constant 0 : index
      %get3A_18 = vector.load %arg13[%get3A_16, %get3A_17] : memref<8x256xf32, #tpu.memory_space<vmem>>, vector<1x256xf32>
      %mul3A_19 = arith.constant 9.99999974E-5 : f32
      %mul3A_20 = vector.broadcast %mul3A_19 : f32 to vector<1x256xf32>
      %mul3A_21 = arith.mulf %get3A_18, %mul3A_20 : vector<1x256xf32>
      %mul3A_22 = arith.mulf %mul3A_15, %mul3A_15 : vector<1x256xf32>
      %sub3A = arith.subf %mul3A_21, %mul3A_22 : vector<1x256xf32>
      %add3A = arith.constant 9.99999974E-6 : f32
      %add3A_23 = vector.broadcast %add3A : f32 to vector<1x256xf32>
      %add3A_24 = arith.addf %sub3A, %add3A_23 : vector<1x256xf32>
      %rsqrt3A = math.rsqrt %add3A_24 : vector<1x256xf32>
      %sub3A_25 = vector.broadcast %mul3A_15 : vector<1x256xf32> to vector<1024x256xf32>
      %sub3A_26 = arith.subf %get3A_9, %sub3A_25 : vector<1024x256xf32>
      %mul3A_27 = vector.broadcast %rsqrt3A : vector<1x256xf32> to vector<1024x256xf32>
      %mul3A_28 = arith.mulf %sub3A_26, %mul3A_27 : vector<1024x256xf32>
      %get3A_29 = arith.constant 0 : index
      %get3A_30 = arith.constant 0 : index
      %get3A_31 = vector.load %arg8[%get3A_29, %get3A_30] : memref<1x256xf32, #tpu.memory_space<vmem>>, vector<1x256xf32>
      %mul3A_32 = vector.broadcast %get3A_31 : vector<1x256xf32> to vector<1024x256xf32>
      %mul3A_33 = arith.mulf %mul3A_28, %mul3A_32 : vector<1024x256xf32>
      %get3A_34 = arith.constant 0 : index
      %get3A_35 = arith.constant 0 : index
      %get3A_36 = vector.load %arg9[%get3A_34, %get3A_35] : memref<1x256xf32, #tpu.memory_space<vmem>>, vector<1x256xf32>
      %add3A_37 = vector.broadcast %get3A_36 : vector<1x256xf32> to vector<1024x256xf32>
      %add3A_38 = arith.addf %mul3A_33, %add3A_37 : vector<1024x256xf32>
      %max3A = arith.constant 0.000000e+00 : f32
      %max3A_39 = vector.broadcast %max3A : f32 to vector<1024x256xf32>
      %max3A_40 = arith.maximumf %add3A_38, %max3A_39 : vector<1024x256xf32>
      %slice3A = vector.extract_strided_slice %max3A_40 {offsets = [0, 0], sizes = [1024, 128], strides = [1, 1]} : vector<1024x256xf32> to vector<1024x128xf32>
      %swap3A = arith.constant 0 : index
      %swap3A_41 = arith.constant 0 : index
      %swap3A_42 = vector.load %arg10[%swap3A, %swap3A_41] : memref<1024x128xf32, #tpu.memory_space<vmem>>, vector<1024x128xf32>
      tpu.vector_store %arg10[%swap3A, %swap3A_41], %slice3A {strides = array<i32>} : memref<1024x128xf32, #tpu.memory_space<vmem>>, vector<1024x128xf32>,
      %slice3A_43 = vector.extract_strided_slice %max3A_40 {offsets = [0, 128], sizes = [1024, 128], strides = [1, 1]} : vector<1024x256xf32> to vector<1024x128xf32>
      %swap3A_44 = arith.constant 0 : index
      %swap3A_45 = arith.constant 0 : index
      %swap3A_46 = vector.load %arg11[%swap3A_44, %swap3A_45] : memref<1024x128xf32, #tpu.memory_space<vmem>>, vector<1024x128xf32>
      tpu.vector_store %arg11[%swap3A_44, %swap3A_45], %slice3A_43 {strides = array<i32>} : memref<1024x128xf32, #tpu.memory_space<vmem>>, vector<1024x128xf32>,
    } else {
    }
    return
  }
  func.func @transform_0(%arg0: i32, %arg1: i32) -> (i32, i32) {
    %sub3A = arith.constant 1 : i32
    %sub3A_0 = arith.subi %sub3A, %arg0 : i32
    %mul3A = arith.muli %arg1, %sub3A_0 : i32
    %c0_i32 = arith.constant 0 : i32
    %c0_i32_1 = arith.constant 0 : i32
    return %mul3A, %c0_i32 : i32, i32
  }
  func.func @transform_1(%arg0: i32, %arg1: i32) -> (i32, i32, i32) {
    %sub3A = arith.constant 1 : i32
    %sub3A_0 = arith.subi %sub3A, %arg0 : i32
    %mul3A = arith.muli %arg1, %sub3A_0 : i32
    %c0_i32 = arith.constant 0 : i32
    %c0_i32_1 = arith.constant 0 : i32
    %c0_i32_2 = arith.constant 0 : i32
    return %c0_i32, %mul3A, %c0_i32_1 : i32, i32, i32
  }
  func.func @transform_2(%arg0: i32, %arg1: i32) -> (i32, i32) {
    %c0_i32 = arith.constant 0 : i32
    %c0_i32_0 = arith.constant 0 : i32
    %c0_i32_1 = arith.constant 0 : i32
    return %c0_i32, %c0_i32_0 : i32, i32
  }
  func.func @transform_3(%arg0: i32, %arg1: i32) -> (i32, i32) {
    %c0_i32 = arith.constant 0 : i32
    %c0_i32_0 = arith.constant 0 : i32
    %c0_i32_1 = arith.constant 0 : i32
    return %c0_i32, %c0_i32_0 : i32, i32
  }
  func.func @transform_4(%arg0: i32, %arg1: i32) -> (i32, i32) {
    %c0_i32 = arith.constant 0 : i32
    %c0_i32_0 = arith.constant 0 : i32
    %c0_i32_1 = arith.constant 0 : i32
    return %c0_i32, %c0_i32_0 : i32, i32
  }
  func.func @transform_5(%arg0: i32, %arg1: i32) -> (i32, i32) {
    %c0_i32 = arith.constant 0 : i32
    %c0_i32_0 = arith.constant 0 : i32
    %c0_i32_1 = arith.constant 0 : i32
    return %c0_i32, %c0_i32_0 : i32, i32
  }
  func.func @transform_6(%arg0: i32, %arg1: i32) -> (i32, i32) {
    %c0_i32 = arith.constant 0 : i32
    %c0_i32_0 = arith.constant 0 : i32
    %c0_i32_1 = arith.constant 0 : i32
    return %c0_i32, %c0_i32_0 : i32, i32
  }
  func.func @transform_7(%arg0: i32, %arg1: i32) -> (i32, i32) {
    %c0_i32 = arith.constant 0 : i32
    %c0_i32_0 = arith.constant 0 : i32
    %c0_i32_1 = arith.constant 0 : i32
    return %c0_i32, %c0_i32_0 : i32, i32
  }
  func.func @transform_8(%arg0: i32, %arg1: i32) -> (i32, i32) {
    %mul3A = arith.muli %arg1, %arg0 : i32
    %c0_i32 = arith.constant 0 : i32
    %c0_i32_0 = arith.constant 0 : i32
    return %mul3A, %c0_i32 : i32, i32
  }
  func.func @transform_9(%arg0: i32, %arg1: i32) -> (i32, i32) {
    %mul3A = arith.muli %arg1, %arg0 : i32
    %c0_i32 = arith.constant 0 : i32
    %c0_i32_0 = arith.constant 0 : i32
    return %mul3A, %c0_i32 : i32, i32
  }
}

</mosaic_0001>

<sc_bundles>
// kernel: kernel.11.cloned.1.call-start
scs
__scs_entry_jumppad:
0x0: {  	(pc) =	sbr.rel $0x88, $3  }
0x1: {  	(tag) =	ssettag $0x0;
	lr =	simm.s32 $0x1  }
0x2: {  	[smem:$0x3F8F] =	sst lr;
	_ =	strace $0xD0000000  }
0x3: {  	_ = 	snop  }
0x4: {  	_ = 	snop  }
0x5: {  	_ = 	snop  }
0x6: {  	_ = 	snop  }
0x7: {  	_ = 	snop  }
__scs_overlays_trampoline_lowered:
0x8: {  	[smem:$0x3F9E] =	sst s0  }
0x9: {  	[smem:$0x3F9F] =	sst s1  }
0xa: {  	[smem:$0x3FA0] =	sst s2  }
0xb: {  	[smem:$0x3FA1] =	sst s3  }
0xc: {  	[smem:$0x3FA2] =	sst s4  }
0xd: {  	[smem:$0x3FA3] =	sst s5  }
0xe: {  	[smem:$0x3FA4] =	sst s6  }
0xf: {  	[smem:$0x3FA5] =	sst s7  }
0x10: {  	[smem:$0x3FA6] =	sst s8  }
0x11: {  	[smem:$0x3FA7] =	sst s9;
	s0 =	simm.s32 @!p0 $0x0  }
0x12: {  	s1 =	sld [smem:$0x3F8D];
	s0 =	simm.s32 @p0 $0x1  }
0x13: {  	[smem:$0x3FA8] =	sst s0;
	s0 =	simm.s32 @!p1 $0x0  }
0x14: {  	s2 =	sld [smem:$0x3F8C];
	s0 =	simm.s32 @p1 $0x1  }
0x15: {  	[smem:$0x3FA9] =	sst s0;
	s0 =	simm.s32 @!p2 $0x0  }
0x16: {  	s3 =	sld [smem:$0x3FDB];
	s0 =	simm.s32 @p2 $0x1  }
0x17: {  	s4 =	simm.s32 $0x1BF5;
	[smem:$0x3FAB] =	sst s0  }
0x18: {  	s0 =	sld [smem:$0x3F8E];
	_ =	swait.ge [sflag:s4], $0x0  }
0x19: {  	s7 =	sld [smem:$0x3F8F]  }
0x1a: {  	s8 =	sadd.s32 $0xFFFFE003, lr  }
0x1b: {  	s9 =	sadd.s32 $0xFFFFFEF7, lr;
	s5 =	simm.s32 $0xFFFFFFFF;
	p2 =	slt.u32 s8, $0xFFFFF086  }
0x1c: {  	p1 =	slt.u32 s9, $0xF7A;
	s5 =	simm.s32 @!p2 $0x0  }
0x1d: {  	s5 =	simm.s32 @p1 $0x1;
	p0 =	seq.s32 s7, s2  }
0x1e: {  	s7 =	smul.u32 @!p0 $0xF7A, s2;
	p2 =	seq.s32 @!p0 s5, $0x0  }
0x1f: {  	s9 =	smul.u32 $0xF7A, s1;
	s8 =	simm.s32 @!p0 $0x1BF5;
	p2 =	por !p2, p0  }
0x20: {  	[sflag:s8] =	ssyncset.s32 @!p0 $0xFFFFF086;
	s6 =	sadd.s32 @!p0 s3, s7;
	s7 =	simm.s32 @!p0 $0x108  }
0x21: {  	s3 =	sadd.s32 s3, s9;
	s6 =	sadd.s32 @!p0 $0x88, s6;
	s7 =	simm.s32 @p2 $0x1082  }
0x22: {  	[simem:s7], [sflag:s8] =	dma.local @!p0 [hbm:s6], $0xF7A  }
0x23: {  	s9 =	sor.u32 $0xD0000000, s2;
	s6 =	simm.s32 $0x108;
	_ =	swait.ge @!p0 [sflag:s8], $0x0  }
0x24: {  	s3 =	sadd.s32 $0x88, s3;
	s6 =	simm.s32 @!p1 $0x1082;
	[sflag:s4] =	ssyncset.s32 $0xFFFFF086  }
0x25: {  	[simem:s6], [sflag:s4] =	dma.local [hbm:s3], $0xF7A  }
0x26: {  	[smem:$0x3F8F] =	sst s1;
	(tag) =	ssettag s2;
	_ =	strace s9  }
0x27: {  	s1 =	sld [smem:$0x3F9F]  }
0x28: {  	s2 =	sld [smem:$0x3FA0]  }
0x29: {  	s4 =	sld [smem:$0x3FA2]  }
0x2a: {  	p0 =	seq.s32 s5, $0x0;
	s5 =	sld [smem:$0x3FA3]  }
0x2b: {  	s6 =	sld [smem:$0x3FA4]  }
0x2c: {  	s7 =	sld [smem:$0x3FA5]  }
0x2d: {  	s3 =	simm.s32 $0x108;
	s8 =	sld [smem:$0x3FA6]  }
0x2e: {  	s3 =	simm.s32 @!p0 $0x1082;
	s9 =	sld [smem:$0x3FA7]  }
0x2f: {  	lr =	sadd.s32 s0, s3;
	s0 =	sld [smem:$0x3F9E]  }
0x30: {  	s3 =	sld [smem:$0x3FA1]  }
0x31: {  	[smem:$0x3FAA] =	sst s10  }
0x32: {  	s10 =	sld [smem:$0x3FA8];
	_ =	sdelay $0x3  }
0x33: {  	p0 =	seq.s32 s10, $0x1;
	s10 =	sld [smem:$0x3FAA];
	_ =	sdelay $0x3  }
0x34: {  	[smem:$0x3FAA] =	sst s10  }
0x35: {  	s10 =	sld [smem:$0x3FA9];
	_ =	sdelay $0x3  }
0x36: {  	p1 =	seq.s32 s10, $0x1;
	s10 =	sld [smem:$0x3FAA];
	_ =	sdelay $0x3  }
0x37: {  	[smem:$0x3FAA] =	sst s10  }
0x38: {  	s10 =	sld [smem:$0x3FAB]  }
0x39: {  	_ = 	snop;
	(pc) =	sbr.ind lr, $3  }
0x3a: {  	_ = 	snop  }
0x3b: {  	_ = 	snop  }
0x3c: {  	p2 =	seq.s32 s10, $0x1;
	s10 =	sld [smem:$0x3FAA]  }
0x3d: {  	_ =	shalt  }
0x3e: {  	_ =	shalt  }
0x3f: {  	_ =	shalt  }
0x40: {  	_ =	shalt  }
0x41: {  	_ =	shalt  }
0x42: {  	_ =	shalt  }
0x43: {  	_ =	shalt  }
0x44: {  	_ =	shalt  }
0x45: {  	_ =	shalt  }
0x46: {  	_ =	shalt  }
0x47: {  	_ =	shalt  }
0x48: {  	_ =	shalt  }
0x49: {  	_ =	shalt  }
0x4a: {  	_ =	shalt  }
0x4b: {  	_ =	shalt  }
0x4c: {  	_ =	shalt  }
0x4d: {  	_ =	shalt  }
0x4e: {  	_ =	shalt  }
0x4f: {  	_ =	shalt  }
0x50: {  	_ =	shalt  }
0x51: {  	_ =	shalt  }
0x52: {  	_ =	shalt  }
0x53: {  	_ =	shalt  }
0x54: {  	_ =	shalt  }
0x55: {  	_ =	shalt  }
0x56: {  	_ =	shalt  }
0x57: {  	_ =	shalt  }
0x58: {  	_ =	shalt  }
0x59: {  	_ =	shalt  }
0x5a: {  	_ =	shalt  }
0x5b: {  	_ =	shalt  }
0x5c: {  	_ =	shalt  }
0x5d: {  	_ =	shalt  }
0x5e: {  	_ =	shalt  }
0x5f: {  	_ =	shalt  }
0x60: {  	_ =	shalt  }
0x61: {  	_ =	shalt  }
0x62: {  	_ =	shalt  }
0x63: {  	_ =	shalt  }
0x64: {  	_ =	shalt  }
0x65: {  	_ =	shalt  }
0x66: {  	_ =	shalt  }
0x67: {  	_ =	shalt  }
0x68: {  	_ =	shalt  }
0x69: {  	_ =	shalt  }
0x6a: {  	_ =	shalt  }
0x6b: {  	_ =	shalt  }
0x6c: {  	_ =	shalt  }
0x6d: {  	_ =	shalt  }
0x6e: {  	_ =	shalt  }
0x6f: {  	_ =	shalt  }
0x70: {  	_ =	shalt  }
0x71: {  	_ =	shalt  }
0x72: {  	_ =	shalt  }
0x73: {  	_ =	shalt  }
0x74: {  	_ =	shalt  }
0x75: {  	_ =	shalt  }
0x76: {  	_ =	shalt  }
0x77: {  	_ =	shalt  }
0x78: {  	_ =	shalt  }
0x79: {  	_ =	shalt  }
0x7a: {  	_ =	shalt  }
0x7b: {  	_ =	shalt  }
0x7c: {  	_ =	shalt  }
0x7d: {  	_ =	shalt  }
0x7e: {  	_ =	shalt  }
0x7f: {  	_ =	shalt  }
0x80: {  	_ =	shalt  }
0x81: {  	_ =	shalt  }
0x82: {  	_ =	shalt  }
0x83: {  	_ =	shalt  }
0x84: {  	_ =	shalt  }
0x85: {  	_ =	shalt  }
0x86: {  	_ =	shalt  }
0x87: {  	_ =	shalt  }
.Lfunc_end0:
.L_simem_size_0:
called_computation.1_lowered:
.L_overlay_start_0:
0x88: {  	s2 =	sld [smem:$0x3FD9]  }
0x89: {  	s3 =	sld [smem:$0x3FFE];
	_ =	sdelay $0x1  }
0x8a: {  	s1 =	srdreg.scid  }
0x8b: {  	s0 =	sand.u32 $0x1, s1  }
0x8c: {  	s17 =	sshll.u32 s0, $0xA;
	s2 =	sadd.s32 s3, s2  }
0x8d: {  	s2 =	sadd.s32 s2, s17  }
0x8e: {  	[smem:$0x3FB6] =	sst s2  }
0x8f: {  	_ = 	snop  }
0x90: {  	s2 =	sld [smem:$0x3FD0];
	(tm) =	ssettm $0x1  }
0x91: {  	s18 =	sld [smem:$0x3FFB];
	_ =	sdelay $0x3  }
0x92: {  	_ =	strace s18  }
0x93: {  	s3 =	sld [smem:$0x3FFC];
	_ =	sdelay $0x3  }
0x94: {  	_ =	strace s3  }
0x95: {  	s3 =	sld [smem:$0x3FFD];
	_ =	sdelay $0x3  }
0x96: {  	_ =	strace s3  }
0x97: {  	_ =	strace $0x8FFFFFFF  }
0x98: {  	s19 =	sld [smem:$0x3FDB];
	_ =	sdelay $0x1  }
0x99: {  	s4 =	simm.s32 $_scs_section_size  }
0x9a: {  	s5 =	simm.s32 $_size__tile_overlayer_lowered;
	s6 =	simm.s32 $_tile_overlayer_lowered  }
0x9b: {  	s22 =	simm.s32 $0x1BFF;
	s21 =	sshll.u32 s6, $0x1;
	s3 =	sadd.s32 s4, s19  }
0x9c: {  	s7 =	simm.s32 $0x0;
	s20 =	sshll.u32 s5, $0x1;
	s5 =	sadd.s32 s21, s3  }
0x9d: {  	[timem:s7], [sflag:s22] =	dma.local [hbm:s5], s20  }
0x9e: {  	_ =	swait.ge [sflag:s22], s20  }
0x9f: {  	s4 =	ssub.s32 $0x0, s20;
	[sflag:s22] =	ssyncset.done $0x0  }
0xa0: {  	[sflag:s22] =	ssyncadd.s32 s4;
	_ =	sdelay $0x1  }
0xa1: {  	s23 =	simm.s32 $0x1B8B  }
0xa2: {  	_ =	swait.ge [sflag:s23], $0x1  }
0xa3: {  	[sflag:s23] =	ssyncset.done $0x0  }
0xa4: {  	s25 =	simm.s32 $0x1B8E;
	s24 =	sld [smem:$0x3FFE];
	[sflag:s23] =	ssyncadd.s32 $0xFFFFFFFF  }
0xa5: {  	s26 =	simm.s32 $execute0_lowered;
	[smem:$0x3FD2] =	sst s25  }
0xa6: {  	s5 =	sshll.u32 s26, $0x1;
	_ =	strace $0x80000049;
	[dreg:$0x1] =	wrdreg $0xFFFFFFFF  }
0xa7: {  	s28 =	simm.s32 $_size_execute0_lowered;
	s3 =	sadd.s32 s3, s5;
	[dreg:$0x0] =	wrdreg $0x0  }
0xa8: {  	s5 =	sshll.u32 s28, $0x1;
	[dreg:$0x2] =	wrdreg s3  }
0xa9: {  	[dreg:$0x3] =	wrdreg s5  }
0xaa: {  	[dreg:$0x4] =	wrdreg $0xC0  }
0xab: {  	_ =	task [dreg:s7], $0x5FFFF  }
0xac: {  	[dreg:$0x1] =	wrdreg $0xFFFFFFFF  }
0xad: {  	[dreg:$0x0] =	wrdreg $0x60  }
0xae: {  	[dreg:$0x2] =	wrdreg s24  }
0xaf: {  	[dreg:$0x3] =	wrdreg s2  }
0xb0: {  	[dreg:$0x4] =	wrdreg $0xA8000  }
0xb1: {  	[dreg:$0x5] =	wrdreg $0x9  }
0xb2: {  	_ =	task.clear_ibuf [dreg:s7], $0x6FFFF;
	_ =	strace $0x90000049  }
0xb3: {  	s29 =	simm.s32 $0x9;
	_ =	strace $0x8000004B  }
0xb4: {  	_ =	swait.ge [sflag:s29], $0x1  }
0xb5: {  	[sflag:s29] =	ssyncadd.s32 $0xFFFFFFFF  }
0xb6: {  	_ =	strace $0x9000004B  }
0xb7: {  	_ =	sfence  }
0xb8: {  	s30 =	sld [smem:$0x0];
	_ =	sdelay $0x2  }
0xb9: {  	s31 =	sshll.u32 s1, $0xD;
	s1 =	sshrl.u32 s1, $0x2  }
0xba: {  	s3 =	sand.u32 $0x4000, s31;
	s1 =	sadd.s32 s1, s30  }
0xbb: {  	s0 =	sor.u32 s3, s0;
	s1 =	sshll.u32 s1, $0x11  }
0xbc: {  	s0 =	sor.u32 s1, s0  }
0xbd: {  	s0 =	sadd.s32 $0x8F2B, s0  }
0xbe: {  	[sflag:s0] =	ssyncadd.remote.s32 $0x1  }
0xbf: {  	_ =	sfence.sel $0xFFFF  }
0xc0: {  	[dreg:$0x0] =	wrdreg $0xFFFFFFFF;
	(pc) =	sbr.abs _section_cstart, $3  }
0xc1: {  	[dreg:$0x1] =	wrdreg $0xFFFFFFFF  }
0xc2: {  	_ =	task.clear_ibuf [dreg:s7], $0x2FFFF;
	_ =	strace $0x9FFFFFFF  }
0xc3: {  	(tm) =	ssettm $0x7FFFFFFF  }
tec
execute0_lowered:
.L_overlay_start_1:
0x0: {  	(tag) =	ssettag $0x1  }
0x1: {  	s6 =	rddreg [dreg:$0x0]  }
0x2: {  	s10 =	rddreg [dreg:$0x1]  }
0x3: {  	s2 =	rddreg [dreg:$0x2]  }
0x4: {  	s0 =	rddreg [dreg:$0x3]  }
0x5: {  	s1 =	stileid.u32;
	s4 =	srdreg.scid;
	s3 =	simm.s32 $0x0  }
0x6: {  	s18 =	simm.s32 $0x80;
	s19 =	simm.s32 $0x2800;
	s20 =	simm.s32 $0x6800  }
0x7: {  	s21 =	simm.s32 $0x1;
	s22 =	simm.s32 $0x2;
	s28 =	simm.s32 $0x0  }
0x8: {  	s7 =	sand.u32 $0x1, s4;
	s8 =	smul.u32 $0x280, s1;
	[smem:$0x7FF] =	sst s3  }
0x9: {  	s11 =	smul.u32 $0x2800, s1;
	s4 =	sadd.s32 $0x5C00, s6;
	s5 =	sadd.s32 $0x5FC00, s6  }
0xa: {  	s12 =	sadd.s32 $0x2DC00, s6;
	s13 =	sshll.u32 s1, $0x1;
	s14 =	smul.u32 $0x50000, s1  }
0xb: {  	s30 =	sshll.u32 s1, $0x6;
	s9 =	smul.u32 $0x2800, s7;
	_ =	strace $0x8000004A  }
0xc: {  	s24 =	ssub.s32 $0x2, s7;
	s7 =	sor.u32 s7, s13;
	s23 =	sadd.s32 s11, s6  }
0xd: {  	s25 =	sshrl.u32 s24, $0x1;
	s26 =	sshrl.u32 s14, $0x2;
	s29 =	smul.u32 $0x2800, s7  }
0xe: {  	s13 =	smul.u32 $0x500, s7;
	s7 =	sor.u32 $0x1C05, s30;
	s8 =	sadd.s32 s8, s9  }
0xf: {  	s16 =	ssub.s32 s24, s25;
	s17 =	sadd.s32 s26, s2;
	s24 =	simm.s32 $0x4  }
0x10: {  	s25 =	simm.s32 $0x2700;
	s26 =	simm.s32 $0x2780;
	s8 =	sshll.u32 s8, $0x4  }
0x11: {  	s31 =	sshrl.u32 s29, $0x3;
	s9 =	sadd.s32 s12, s13;
	s14 =	smax.u32 s16, $0x1  }
0x12: {  	s16 =	simm.s32 $0x5;
	s15 =	sadd.s32 s8, s6;
	s6 =	sadd.s32 $0x37C00, s23  }
0x13: {  	s8 =	sadd.s32 s10, s13;
	s11 =	sadd.s32 $0x280, s31;
	s23 =	simm.s32 $0x3  }
0x14: {  	s10 =	sadd.s32 s10, s11;
	s11 =	sadd.s32 s12, s11;
	s12 =	sadd.s32 $0x87C00, s15  }
0x15: {  	s13 =	sadd.s32 $0xD7C00, s15;
	s15 =	sshrl.u32 s17, $0x3;
	s17 =	simm.s32 $0x1400  }
.LBB2_1:
0x16: {  	[spmem:s15], [sflag:s7] =	dma.local [hbm:s6], $0x2800  }
0x17: {  	_ =	swait.ge [sflag:s16], $0x2800  }
0x18: {  	[sflag:s16] =	ssyncset.done $0x0  }
0x19: {  	[sflag:s16] =	ssyncadd.s32 $0xFFFFD800  }
0x1a: {  	[bflag:$0x0] =	sbarrier.arrive $0xFFFF  }
0x1b: {  	[tilespmem:s3], [sflag:$0x5] =	stream.linear.gather [hbm4b:s8+s3], $0x1400, $0x38;
	[tilespmem:$0x1E800] =	vst v63  }
0x1c: {  	_ =	swait.ge [sflag:s16], $0x1400  }
0x1d: {  	[sflag:s16] =	ssyncset.done $0x0  }
0x1e: {  	[sflag:s16] =	ssyncadd.s32 $0xFFFFEC00  }
0x1f: {  	[tilespmem:s17], [sflag:$0x5] =	stream.linear.gather [hbm4b:s9+s3], $0x1400, $0x38;
	[tilespmem:$0x1E800] =	vst v63  }
0x20: {  	_ =	swait.ge [sflag:s16], $0x1400  }
0x21: {  	[sflag:s16] =	ssyncset.done $0x0  }
0x22: {  	[sflag:s16] =	ssyncadd.s32 $0xFFFFEC00  }
0x23: {  	[tilespmem:s19], [sflag:$0x1] =	stream.indirect.gather [hbm4b:s4+s18], $0x80, s3, s18, $0xb8;
	[tilespmem:$0x1E800] =	vst v63  }
0x24: {  	_ = 	snop  }
0x25: {  	[tilespmem:s20], [sflag:$0x2] =	stream.indirect.gather [hbm4b:s4+s18], $0x80, s18, s18, $0xb8;
	[tilespmem:$0x1E800] =	vst v63  }
0x26: {  	_ =	swait.ge [sflag:s21], $0x4000  }
0x27: {  	[sflag:s21] =	ssyncset.done $0x0  }
0x28: {  	s29 =	simm.s32 $0x1400;
	[sflag:s21] =	ssyncadd.s32 $0xFFFFC000  }
0x29: {  	[spmem:s2] =	stream.indirect.scatter.add.f32 [tilespmem:s19], [sflag:$0x3], $0x80, s29, s18, $0xb8;
	[tilespmem:$0x1E800] =	vst v63  }
0x2a: {  	_ =	swait.ge [sflag:s22], $0x4000  }
0x2b: {  	[sflag:s22] =	ssyncset.done $0x0  }
0x2c: {  	s29 =	simm.s32 $0x1480;
	[sflag:s22] =	ssyncadd.s32 $0xFFFFC000  }
0x2d: {  	[spmem:s2] =	stream.indirect.scatter.add.f32 [tilespmem:s20], [sflag:$0x4], $0x80, s29, s18, $0xb8;
	[tilespmem:$0x1E800] =	vst v63  }
0x2e: {  	_ =	swait.ge [sflag:s23], $0x4000  }
0x2f: {  	[sflag:s23] =	ssyncset.done $0x0  }
0x30: {  	s29 =	simm.s32 $0x100;
	[sflag:s23] =	ssyncadd.s32 $0xFFFFC000  }
0x31: {  	[tilespmem:s19], [sflag:$0x1] =	stream.indirect.gather [hbm4b:s4+s18], $0x80, s29, s18, $0xb8;
	[tilespmem:$0x1E800] =	vst v63  }
0x32: {  	_ =	swait.ge [sflag:s24], $0x4000  }
0x33: {  	[sflag:s24] =	ssyncset.done $0x0  }
0x34: {  	s30 =	simm.s32 $0x180;
	s29 =	simm.s32 $0x400;
	[sflag:s24] =	ssyncadd.s32 $0xFFFFC000  }
.LBB2_2:
0x35: {  	[tilespmem:s20], [sflag:$0x2] =	stream.indirect.gather [hbm4b:s4+s18], $0x80, s30, s18, $0xb8;
	[tilespmem:$0x1E800] =	vst v63  }
0x36: {  	s30 =	smov.u32 s29  }
0x37: {  	p0 =	sne.s32 s29, $0x4800;
	s29 =	sadd.s32 $0x400, s29;
	_ =	swait.ge [sflag:s21], $0x4000  }
0x38: {  	s30 =	sshra.s32 s30, $0x2;
	[sflag:s21] =	ssyncset.done $0x0  }
0x39: {  	s31 =	sadd.s32 $0x1400, s30;
	[sflag:s21] =	ssyncadd.s32 $0xFFFFC000  }
0x3a: {  	[spmem:s2] =	stream.indirect.scatter.add.f32 [tilespmem:s19], [sflag:$0x3], $0x80, s31, s18, $0xb8;
	[tilespmem:$0x1E800] =	vst v63  }
0x3b: {  	_ =	swait.ge [sflag:s22], $0x4000  }
0x3c: {  	[sflag:s22] =	ssyncset.done $0x0  }
0x3d: {  	s31 =	sadd.s32 $0x1480, s30;
	[sflag:s22] =	ssyncadd.s32 $0xFFFFC000  }
0x3e: {  	[spmem:s2] =	stream.indirect.scatter.add.f32 [tilespmem:s20], [sflag:$0x4], $0x80, s31, s18, $0xb8;
	[tilespmem:$0x1E800] =	vst v63  }
0x3f: {  	_ =	swait.ge [sflag:s23], $0x4000  }
0x40: {  	[sflag:s23] =	ssyncset.done $0x0  }
.Ltmp0:
0x41: {  	s31 =	sadd.s32 $0x100, s30;
	[sflag:s23] =	ssyncadd.s32 $0xFFFFC000;
	(pc) =	sbr.rel @p0 .LBB2_2-.Ltmp0, $4  }
0x42: {  	[tilespmem:s19], [sflag:$0x1] =	stream.indirect.gather [hbm4b:s4+s18], $0x80, s31, s18, $0xb8;
	[tilespmem:$0x1E800] =	vst v63  }
0x43: {  	_ =	swait.ge [sflag:s24], $0x4000  }
0x44: {  	[sflag:s24] =	ssyncset.done $0x0  }
0x45: {  	s30 =	sadd.s32 $0x180, s30;
	[sflag:s24] =	ssyncadd.s32 $0xFFFFC000  }
0x46: {  	[tilespmem:s20], [sflag:$0x2] =	stream.indirect.gather [hbm4b:s4+s18], $0x80, s30, s18, $0xb8;
	[tilespmem:$0x1E800] =	vst v63  }
0x47: {  	_ =	swait.ge [sflag:s21], $0x4000  }
0x48: {  	[sflag:s21] =	ssyncset.done $0x0  }
0x49: {  	[sflag:s21] =	ssyncadd.s32 $0xFFFFC000  }
0x4a: {  	[spmem:s2] =	stream.indirect.scatter.add.f32 [tilespmem:s19], [sflag:$0x3], $0x80, s25, s18, $0xb8;
	[tilespmem:$0x1E800] =	vst v63  }
0x4b: {  	_ =	swait.ge [sflag:s22], $0x4000  }
0x4c: {  	[sflag:s22] =	ssyncset.done $0x0  }
0x4d: {  	[sflag:s22] =	ssyncadd.s32 $0xFFFFC000  }
0x4e: {  	[spmem:s2] =	stream.indirect.scatter.add.f32 [tilespmem:s20], [sflag:$0x4], $0x80, s26, s18, $0xb8;
	[tilespmem:$0x1E800] =	vst v63  }
0x4f: {  	_ =	swait.ge [sflag:s23], $0x4000  }
0x50: {  	[sflag:s23] =	ssyncset.done $0x0  }
0x51: {  	[sflag:s23] =	ssyncadd.s32 $0xFFFFC000  }
0x52: {  	_ =	swait.ge [sflag:s24], $0x4000  }
0x53: {  	[sflag:s24] =	ssyncset.done $0x0  }
0x54: {  	s29 =	simm.s32 $0x0;
	[sflag:s24] =	ssyncadd.s32 $0xFFFFC000  }
0x55: {  	[tilespmem:s29], [sflag:$0x5] =	stream.linear.gather [hbm4b:s10+s29], $0x1400, $0x38;
	[tilespmem:$0x1E800] =	vst v63  }
0x56: {  	_ =	swait.ge [sflag:s16], $0x1400  }
0x57: {  	[sflag:s16] =	ssyncset.done $0x0  }
0x58: {  	[sflag:s16] =	ssyncadd.s32 $0xFFFFEC00  }
0x59: {  	[tilespmem:s17], [sflag:$0x5] =	stream.linear.gather [hbm4b:s11+s29], $0x1400, $0x38;
	[tilespmem:$0x1E800] =	vst v63  }
0x5a: {  	_ =	swait.ge [sflag:s16], $0x1400  }
0x5b: {  	[sflag:s16] =	ssyncset.done $0x0  }
0x5c: {  	[sflag:s16] =	ssyncadd.s32 $0xFFFFEC00  }
0x5d: {  	[tilespmem:s19], [sflag:$0x1] =	stream.indirect.gather [hbm4b:s4+s18], $0x80, s29, s18, $0xb8;
	[tilespmem:$0x1E800] =	vst v63  }
0x5e: {  	_ = 	snop  }
0x5f: {  	[tilespmem:s20], [sflag:$0x2] =	stream.indirect.gather [hbm4b:s4+s18], $0x80, s18, s18, $0xb8;
	[tilespmem:$0x1E800] =	vst v63  }
0x60: {  	_ =	swait.ge [sflag:s21], $0x4000  }
0x61: {  	[sflag:s21] =	ssyncset.done $0x0  }
0x62: {  	s29 =	simm.s32 $0x1400;
	[sflag:s21] =	ssyncadd.s32 $0xFFFFC000  }
0x63: {  	[spmem:s2] =	stream.indirect.scatter.add.f32 [tilespmem:s19], [sflag:$0x3], $0x80, s29, s18, $0xb8;
	[tilespmem:$0x1E800] =	vst v63  }
0x64: {  	_ =	swait.ge [sflag:s22], $0x4000  }
0x65: {  	[sflag:s22] =	ssyncset.done $0x0  }
0x66: {  	s29 =	simm.s32 $0x1480;
	[sflag:s22] =	ssyncadd.s32 $0xFFFFC000  }
0x67: {  	[spmem:s2] =	stream.indirect.scatter.add.f32 [tilespmem:s20], [sflag:$0x4], $0x80, s29, s18, $0xb8;
	[tilespmem:$0x1E800] =	vst v63  }
0x68: {  	_ =	swait.ge [sflag:s23], $0x4000  }
0x69: {  	[sflag:s23] =	ssyncset.done $0x0  }
0x6a: {  	s29 =	simm.s32 $0x100;
	[sflag:s23] =	ssyncadd.s32 $0xFFFFC000  }
0x6b: {  	[tilespmem:s19], [sflag:$0x1] =	stream.indirect.gather [hbm4b:s4+s18], $0x80, s29, s18, $0xb8;
	[tilespmem:$0x1E800] =	vst v63  }
0x6c: {  	_ =	swait.ge [sflag:s24], $0x4000  }
0x6d: {  	[sflag:s24] =	ssyncset.done $0x0  }
0x6e: {  	s30 =	simm.s32 $0x180;
	s29 =	simm.s32 $0x400;
	[sflag:s24] =	ssyncadd.s32 $0xFFFFC000  }
.LBB2_4:
0x6f: {  	[tilespmem:s20], [sflag:$0x2] =	stream.indirect.gather [hbm4b:s4+s18], $0x80, s30, s18, $0xb8;
	[tilespmem:$0x1E800] =	vst v63  }
0x70: {  	s30 =	smov.u32 s29  }
0x71: {  	p0 =	sne.s32 s29, $0x4800;
	s29 =	sadd.s32 $0x400, s29;
	_ =	swait.ge [sflag:s21], $0x4000  }
0x72: {  	s30 =	sshra.s32 s30, $0x2;
	[sflag:s21] =	ssyncset.done $0x0  }
0x73: {  	s31 =	sadd.s32 $0x1400, s30;
	[sflag:s21] =	ssyncadd.s32 $0xFFFFC000  }
0x74: {  	[spmem:s2] =	stream.indirect.scatter.add.f32 [tilespmem:s19], [sflag:$0x3], $0x80, s31, s18, $0xb8;
	[tilespmem:$0x1E800] =	vst v63  }
0x75: {  	_ =	swait.ge [sflag:s22], $0x4000  }
0x76: {  	[sflag:s22] =	ssyncset.done $0x0  }
0x77: {  	s31 =	sadd.s32 $0x1480, s30;
	[sflag:s22] =	ssyncadd.s32 $0xFFFFC000  }
0x78: {  	[spmem:s2] =	stream.indirect.scatter.add.f32 [tilespmem:s20], [sflag:$0x4], $0x80, s31, s18, $0xb8;
	[tilespmem:$0x1E800] =	vst v63  }
0x79: {  	_ =	swait.ge [sflag:s23], $0x4000  }
0x7a: {  	[sflag:s23] =	ssyncset.done $0x0  }
.Ltmp1:
0x7b: {  	s31 =	sadd.s32 $0x100, s30;
	[sflag:s23] =	ssyncadd.s32 $0xFFFFC000;
	(pc) =	sbr.rel @p0 .LBB2_4-.Ltmp1, $4  }
0x7c: {  	[tilespmem:s19], [sflag:$0x1] =	stream.indirect.gather [hbm4b:s4+s18], $0x80, s31, s18, $0xb8;
	[tilespmem:$0x1E800] =	vst v63  }
0x7d: {  	_ =	swait.ge [sflag:s24], $0x4000  }
0x7e: {  	[sflag:s24] =	ssyncset.done $0x0  }
0x7f: {  	s30 =	sadd.s32 $0x180, s30;
	[sflag:s24] =	ssyncadd.s32 $0xFFFFC000  }
0x80: {  	[tilespmem:s20], [sflag:$0x2] =	stream.indirect.gather [hbm4b:s4+s18], $0x80, s30, s18, $0xb8;
	[tilespmem:$0x1E800] =	vst v63  }
0x81: {  	_ =	swait.ge [sflag:s21], $0x4000  }
0x82: {  	[sflag:s21] =	ssyncset.done $0x0  }
0x83: {  	[sflag:s21] =	ssyncadd.s32 $0xFFFFC000  }
0x84: {  	[spmem:s2] =	stream.indirect.scatter.add.f32 [tilespmem:s19], [sflag:$0x3], $0x80, s25, s18, $0xb8;
	[tilespmem:$0x1E800] =	vst v63  }
0x85: {  	_ =	swait.ge [sflag:s22], $0x4000  }
0x86: {  	[sflag:s22] =	ssyncset.done $0x0  }
0x87: {  	[sflag:s22] =	ssyncadd.s32 $0xFFFFC000  }
0x88: {  	[spmem:s2] =	stream.indirect.scatter.add.f32 [tilespmem:s20], [sflag:$0x4], $0x80, s26, s18, $0xb8;
	[tilespmem:$0x1E800] =	vst v63  }
0x89: {  	_ =	swait.ge [sflag:s23], $0x4000  }
0x8a: {  	[sflag:s23] =	ssyncset.done $0x0  }
0x8b: {  	[sflag:s23] =	ssyncadd.s32 $0xFFFFC000  }
0x8c: {  	_ =	swait.ge [sflag:s24], $0x4000  }
0x8d: {  	[sflag:s24] =	ssyncset.done $0x0  }
0x8e: {  	[sflag:s24] =	ssyncadd.s32 $0xFFFFC000  }
0x8f: {  	[bflag:$0x0] =	sbarrier.arrive $0xFFFF  }
0x90: {  	[hbm:s12], [sflag:s7] =	dma.local [spmem:s15], $0x2800  }
0x91: {  	_ =	swait.ge [sflag:s16], $0x2800  }
0x92: {  	[sflag:s16] =	ssyncset.done $0x0  }
0x93: {  	[sflag:s16] =	ssyncadd.s32 $0xFFFFD800  }
0x94: {  	[bflag:$0x0] =	sbarrier.arrive $0xFFFF  }
0x95: {  	[spmem:s15], [sflag:s7] =	dma.local [hbm:s6], $0x2800  }
0x96: {  	_ =	swait.ge [sflag:s16], $0x2800  }
0x97: {  	[sflag:s16] =	ssyncset.done $0x0  }
0x98: {  	[sflag:s16] =	ssyncadd.s32 $0xFFFFD800  }
0x99: {  	s29 =	simm.s32 $0x0;
	[bflag:$0x0] =	sbarrier.arrive $0xFFFF  }
0x9a: {  	[tilespmem:s29], [sflag:$0x5] =	stream.linear.gather [hbm4b:s8+s29], $0x1400, $0x38;
	[tilespmem:$0x1E800] =	vst v63  }
0x9b: {  	_ =	swait.ge [sflag:s16], $0x1400  }
0x9c: {  	[sflag:s16] =	ssyncset.done $0x0  }
0x9d: {  	[sflag:s16] =	ssyncadd.s32 $0xFFFFEC00  }
0x9e: {  	[tilespmem:s17], [sflag:$0x5] =	stream.linear.gather [hbm4b:s9+s29], $0x1400, $0x38;
	[tilespmem:$0x1E800] =	vst v63  }
0x9f: {  	_ =	swait.ge [sflag:s16], $0x1400  }
0xa0: {  	[sflag:s16] =	ssyncset.done $0x0  }
0xa1: {  	[sflag:s16] =	ssyncadd.s32 $0xFFFFEC00  }
0xa2: {  	[tilespmem:s19], [sflag:$0x1] =	stream.indirect.gather [hbm4b:s5+s18], $0x80, s29, s18, $0xb8;
	[tilespmem:$0x1E800] =	vst v63  }
0xa3: {  	_ = 	snop  }
0xa4: {  	[tilespmem:s20], [sflag:$0x2] =	stream.indirect.gather [hbm4b:s5+s18], $0x80, s18, s18, $0xb8;
	[tilespmem:$0x1E800] =	vst v63  }
0xa5: {  	_ =	swait.ge [sflag:s21], $0x4000  }
0xa6: {  	[sflag:s21] =	ssyncset.done $0x0  }
0xa7: {  	s29 =	simm.s32 $0x1400;
	[sflag:s21] =	ssyncadd.s32 $0xFFFFC000  }
0xa8: {  	[spmem:s2] =	stream.indirect.scatter.add.f32 [tilespmem:s19], [sflag:$0x3], $0x80, s29, s18, $0xb8;
	[tilespmem:$0x1E800] =	vst v63  }
0xa9: {  	_ =	swait.ge [sflag:s22], $0x4000  }
0xaa: {  	[sflag:s22] =	ssyncset.done $0x0  }
0xab: {  	s29 =	simm.s32 $0x1480;
	[sflag:s22] =	ssyncadd.s32 $0xFFFFC000  }
0xac: {  	[spmem:s2] =	stream.indirect.scatter.add.f32 [tilespmem:s20], [sflag:$0x4], $0x80, s29, s18, $0xb8;
	[tilespmem:$0x1E800] =	vst v63  }
0xad: {  	_ =	swait.ge [sflag:s23], $0x4000  }
0xae: {  	[sflag:s23] =	ssyncset.done $0x0  }
0xaf: {  	s29 =	simm.s32 $0x100;
	[sflag:s23] =	ssyncadd.s32 $0xFFFFC000  }
0xb0: {  	[tilespmem:s19], [sflag:$0x1] =	stream.indirect.gather [hbm4b:s5+s18], $0x80, s29, s18, $0xb8;
	[tilespmem:$0x1E800] =	vst v63  }
0xb1: {  	_ =	swait.ge [sflag:s24], $0x4000  }
0xb2: {  	[sflag:s24] =	ssyncset.done $0x0  }
0xb3: {  	s30 =	simm.s32 $0x180;
	s29 =	simm.s32 $0x400;
	[sflag:s24] =	ssyncadd.s32 $0xFFFFC000  }
.LBB2_6:
0xb4: {  	[tilespmem:s20], [sflag:$0x2] =	stream.indirect.gather [hbm4b:s5+s18], $0x80, s30, s18, $0xb8;
	[tilespmem:$0x1E800] =	vst v63  }
0xb5: {  	s30 =	smov.u32 s29  }
0xb6: {  	p0 =	sne.s32 s29, $0x4800;
	s29 =	sadd.s32 $0x400, s29;
	_ =	swait.ge [sflag:s21], $0x4000  }
0xb7: {  	s30 =	sshra.s32 s30, $0x2;
	[sflag:s21] =	ssyncset.done $0x0  }
0xb8: {  	s31 =	sadd.s32 $0x1400, s30;
	[sflag:s21] =	ssyncadd.s32 $0xFFFFC000  }
0xb9: {  	[spmem:s2] =	stream.indirect.scatter.add.f32 [tilespmem:s19], [sflag:$0x3], $0x80, s31, s18, $0xb8;
	[tilespmem:$0x1E800] =	vst v63  }
0xba: {  	_ =	swait.ge [sflag:s22], $0x4000  }
0xbb: {  	[sflag:s22] =	ssyncset.done $0x0  }
0xbc: {  	s31 =	sadd.s32 $0x1480, s30;
	[sflag:s22] =	ssyncadd.s32 $0xFFFFC000  }
0xbd: {  	[spmem:s2] =	stream.indirect.scatter.add.f32 [tilespmem:s20], [sflag:$0x4], $0x80, s31, s18, $0xb8;
	[tilespmem:$0x1E800] =	vst v63  }
0xbe: {  	_ =	swait.ge [sflag:s23], $0x4000  }
0xbf: {  	[sflag:s23] =	ssyncset.done $0x0  }
.Ltmp2:
0xc0: {  	s31 =	sadd.s32 $0x100, s30;
	[sflag:s23] =	ssyncadd.s32 $0xFFFFC000;
	(pc) =	sbr.rel @p0 .LBB2_6-.Ltmp2, $4  }
0xc1: {  	[tilespmem:s19], [sflag:$0x1] =	stream.indirect.gather [hbm4b:s5+s18], $0x80, s31, s18, $0xb8;
	[tilespmem:$0x1E800] =	vst v63  }
0xc2: {  	_ =	swait.ge [sflag:s24], $0x4000  }
0xc3: {  	[sflag:s24] =	ssyncset.done $0x0  }
0xc4: {  	s30 =	sadd.s32 $0x180, s30;
	[sflag:s24] =	ssyncadd.s32 $0xFFFFC000  }
0xc5: {  	[tilespmem:s20], [sflag:$0x2] =	stream.indirect.gather [hbm4b:s5+s18], $0x80, s30, s18, $0xb8;
	[tilespmem:$0x1E800] =	vst v63  }
0xc6: {  	_ =	swait.ge [sflag:s21], $0x4000  }
0xc7: {  	[sflag:s21] =	ssyncset.done $0x0  }
0xc8: {  	[sflag:s21] =	ssyncadd.s32 $0xFFFFC000  }
0xc9: {  	[spmem:s2] =	stream.indirect.scatter.add.f32 [tilespmem:s19], [sflag:$0x3], $0x80, s25, s18, $0xb8;
	[tilespmem:$0x1E800] =	vst v63  }
0xca: {  	_ =	swait.ge [sflag:s22], $0x4000  }
0xcb: {  	[sflag:s22] =	ssyncset.done $0x0  }
0xcc: {  	[sflag:s22] =	ssyncadd.s32 $0xFFFFC000  }
0xcd: {  	[spmem:s2] =	stream.indirect.scatter.add.f32 [tilespmem:s20], [sflag:$0x4], $0x80, s26, s18, $0xb8;
	[tilespmem:$0x1E800] =	vst v63  }
0xce: {  	_ =	swait.ge [sflag:s23], $0x4000  }
0xcf: {  	[sflag:s23] =	ssyncset.done $0x0  }
0xd0: {  	[sflag:s23] =	ssyncadd.s32 $0xFFFFC000  }
0xd1: {  	_ =	swait.ge [sflag:s24], $0x4000  }
0xd2: {  	[sflag:s24] =	ssyncset.done $0x0  }
0xd3: {  	s29 =	simm.s32 $0x0;
	[sflag:s24] =	ssyncadd.s32 $0xFFFFC000  }
0xd4: {  	[tilespmem:s29], [sflag:$0x5] =	stream.linear.gather [hbm4b:s10+s29], $0x1400, $0x38;
	[tilespmem:$0x1E800] =	vst v63  }
0xd5: {  	_ =	swait.ge [sflag:s16], $0x1400  }
0xd6: {  	[sflag:s16] =	ssyncset.done $0x0  }
0xd7: {  	[sflag:s16] =	ssyncadd.s32 $0xFFFFEC00  }
0xd8: {  	[tilespmem:s17], [sflag:$0x5] =	stream.linear.gather [hbm4b:s11+s29], $0x1400, $0x38;
	[tilespmem:$0x1E800] =	vst v63  }
0xd9: {  	_ =	swait.ge [sflag:s16], $0x1400  }
0xda: {  	[sflag:s16] =	ssyncset.done $0x0  }
0xdb: {  	[sflag:s16] =	ssyncadd.s32 $0xFFFFEC00  }
0xdc: {  	[tilespmem:s19], [sflag:$0x1] =	stream.indirect.gather [hbm4b:s5+s18], $0x80, s29, s18, $0xb8;
	[tilespmem:$0x1E800] =	vst v63  }
0xdd: {  	_ = 	snop  }
0xde: {  	[tilespmem:s20], [sflag:$0x2] =	stream.indirect.gather [hbm4b:s5+s18], $0x80, s18, s18, $0xb8;
	[tilespmem:$0x1E800] =	vst v63  }
0xdf: {  	_ =	swait.ge [sflag:s21], $0x4000  }
0xe0: {  	[sflag:s21] =	ssyncset.done $0x0  }
0xe1: {  	s29 =	simm.s32 $0x1400;
	[sflag:s21] =	ssyncadd.s32 $0xFFFFC000  }
0xe2: {  	[spmem:s2] =	stream.indirect.scatter.add.f32 [tilespmem:s19], [sflag:$0x3], $0x80, s29, s18, $0xb8;
	[tilespmem:$0x1E800] =	vst v63  }
0xe3: {  	_ =	swait.ge [sflag:s22], $0x4000  }
0xe4: {  	[sflag:s22] =	ssyncset.done $0x0  }
0xe5: {  	s29 =	simm.s32 $0x1480;
	[sflag:s22] =	ssyncadd.s32 $0xFFFFC000  }
0xe6: {  	[spmem:s2] =	stream.indirect.scatter.add.f32 [tilespmem:s20], [sflag:$0x4], $0x80, s29, s18, $0xb8;
	[tilespmem:$0x1E800] =	vst v63  }
0xe7: {  	_ =	swait.ge [sflag:s23], $0x4000  }
0xe8: {  	[sflag:s23] =	ssyncset.done $0x0  }
0xe9: {  	s29 =	simm.s32 $0x100;
	[sflag:s23] =	ssyncadd.s32 $0xFFFFC000  }
0xea: {  	[tilespmem:s19], [sflag:$0x1] =	stream.indirect.gather [hbm4b:s5+s18], $0x80, s29, s18, $0xb8;
	[tilespmem:$0x1E800] =	vst v63  }
0xeb: {  	_ =	swait.ge [sflag:s24], $0x4000  }
0xec: {  	[sflag:s24] =	ssyncset.done $0x0  }
0xed: {  	s30 =	simm.s32 $0x180;
	s29 =	simm.s32 $0x400;
	[sflag:s24] =	ssyncadd.s32 $0xFFFFC000  }
.LBB2_8:
0xee: {  	[tilespmem:s20], [sflag:$0x2] =	stream.indirect.gather [hbm4b:s5+s18], $0x80, s30, s18, $0xb8;
	[tilespmem:$0x1E800] =	vst v63  }
0xef: {  	s30 =	smov.u32 s29  }
0xf0: {  	p0 =	sne.s32 s29, $0x4800;
	s29 =	sadd.s32 $0x400, s29;
	_ =	swait.ge [sflag:s21], $0x4000  }
0xf1: {  	s30 =	sshra.s32 s30, $0x2;
	[sflag:s21] =	ssyncset.done $0x0  }
0xf2: {  	s31 =	sadd.s32 $0x1400, s30;
	[sflag:s21] =	ssyncadd.s32 $0xFFFFC000  }
0xf3: {  	[spmem:s2] =	stream.indirect.scatter.add.f32 [tilespmem:s19], [sflag:$0x3], $0x80, s31, s18, $0xb8;
	[tilespmem:$0x1E800] =	vst v63  }
0xf4: {  	_ =	swait.ge [sflag:s22], $0x4000  }
0xf5: {  	[sflag:s22] =	ssyncset.done $0x0  }
0xf6: {  	s31 =	sadd.s32 $0x1480, s30;
	[sflag:s22] =	ssyncadd.s32 $0xFFFFC000  }
0xf7: {  	[spmem:s2] =	stream.indirect.scatter.add.f32 [tilespmem:s20], [sflag:$0x4], $0x80, s31, s18, $0xb8;
	[tilespmem:$0x1E800] =	vst v63  }
0xf8: {  	_ =	swait.ge [sflag:s23], $0x4000  }
0xf9: {  	[sflag:s23] =	ssyncset.done $0x0  }
.Ltmp3:
0xfa: {  	s31 =	sadd.s32 $0x100, s30;
	[sflag:s23] =	ssyncadd.s32 $0xFFFFC000;
	(pc) =	sbr.rel @p0 .LBB2_8-.Ltmp3, $4  }
0xfb: {  	[tilespmem:s19], [sflag:$0x1] =	stream.indirect.gather [hbm4b:s5+s18], $0x80, s31, s18, $0xb8;
	[tilespmem:$0x1E800] =	vst v63  }
0xfc: {  	_ =	swait.ge [sflag:s24], $0x4000  }
0xfd: {  	[sflag:s24] =	ssyncset.done $0x0  }
0xfe: {  	s30 =	sadd.s32 $0x180, s30;
	[sflag:s24] =	ssyncadd.s32 $0xFFFFC000  }
0xff: {  	[tilespmem:s20], [sflag:$0x2] =	stream.indirect.gather [hbm4b:s5+s18], $0x80, s30, s18, $0xb8;
	[tilespmem:$0x1E800] =	vst v63  }
0x100: {  	_ =	swait.ge [sflag:s21], $0x4000  }
0x101: {  	[sflag:s21] =	ssyncset.done $0x0  }
0x102: {  	[sflag:s21] =	ssyncadd.s32 $0xFFFFC000  }
0x103: {  	[spmem:s2] =	stream.indirect.scatter.add.f32 [tilespmem:s19], [sflag:$0x3], $0x80, s25, s18, $0xb8;
	[tilespmem:$0x1E800] =	vst v63  }
0x104: {  	_ =	swait.ge [sflag:s22], $0x4000  }
0x105: {  	[sflag:s22] =	ssyncset.done $0x0  }
0x106: {  	[sflag:s22] =	ssyncadd.s32 $0xFFFFC000  }
0x107: {  	[spmem:s2] =	stream.indirect.scatter.add.f32 [tilespmem:s20], [sflag:$0x4], $0x80, s26, s18, $0xb8;
	[tilespmem:$0x1E800] =	vst v63  }
0x108: {  	_ =	swait.ge [sflag:s23], $0x4000  }
0x109: {  	[sflag:s23] =	ssyncset.done $0x0  }
0x10a: {  	[sflag:s23] =	ssyncadd.s32 $0xFFFFC000  }
0x10b: {  	_ =	swait.ge [sflag:s24], $0x4000  }
0x10c: {  	[sflag:s24] =	ssyncset.done $0x0  }
0x10d: {  	s28 =	sadd.s32 $0x1, s28;
	[sflag:s24] =	ssyncadd.s32 $0xFFFFC000  }
0x10e: {  	p0 =	sne.s32 s28, s14;
	[bflag:$0x0] =	sbarrier.arrive $0xFFFF  }
0x10f: {  	[hbm:s13], [sflag:s7] =	dma.local [spmem:s15], $0x2800  }
.Ltmp4:
0x110: {  	_ =	swait.ge [sflag:s16], $0x2800;
	(pc) =	sbr.rel @p0 .LBB2_1-.Ltmp4, $3  }
0x111: {  	[sflag:s16] =	ssyncset.done $0x0  }
0x112: {  	[sflag:s16] =	ssyncadd.s32 $0xFFFFD800  }
0x113: {  	[bflag:$0x0] =	sbarrier.arrive $0xFFFF;
	_ =	sdelay $0x1  }
0x114: {  	_ =	sfence.sel $0x180000  }
0x115: {  	[bflag:$0x0] =	sbarrier.arrive $0xFFFF  }
0x116: {  	p0 =	sne.s32 s1, $0x0;
	_ =	strace $0x9000004A  }
0x117: {  	s0 =	sadd.s32 @!p0 $0x100000, s0;
	[bflag:$0x2] =	sbarrier.arrive $0xFFFF  }
0x118: {  	[sflag:s0] =	ssyncadd.tile.s32 @!p0 $0x1;
	_ =	shalt  }
.Lfunc_end2:
_tile_overlayer_lowered:
.L_overlay_start_2:
0x119: {  	(tag) =	ssettag $0x2  }
0x11a: {  	s0 =	rddreg [dreg:$0x0];
	s2 =	stileid.u32  }
0x11b: {  	s1 =	rddreg [dreg:$0x1];
	p0 =	sne.s32 s2, $0x0  }
0x11c: {  	s3 =	rddreg [dreg:$0x2];
	[bflag:$0x3] =	sbarrier.arrive $0xFFFF;
	s2 =	simm.s32 @!p0 $0x1C05  }
0x11d: {  	[timem:s3], [sflag:s2] =	dma.local @!p0 [hbm:s0], s1  }
0x11e: {  	s0 =	simm.s32 @!p0 $0x5  }
0x11f: {  	_ =	swait.ge @!p0 [sflag:s0], s1  }
0x120: {  	s1 =	ssub.s32 @!p0 $0x0, s1;
	[sflag:s0] =	ssyncset.done @!p0 $0x0  }
0x121: {  	[sflag:s0] =	ssyncadd.s32 @!p0 s1  }
0x122: {  	[bflag:$0x3] =	sbarrier.arrive $0xFFFF  }
0x123: {  	_ =	shalt  }

// kernel: kernel.14.cloned.1.call-start
scs
__scs_entry_jumppad:
0x0: {  	(pc) =	sbr.rel $0x88, $3  }
0x1: {  	(tag) =	ssettag $0x0;
	lr =	simm.s32 $0x1  }
0x2: {  	[smem:$0x3F8F] =	sst lr;
	_ =	strace $0xD0000000  }
0x3: {  	_ = 	snop  }
0x4: {  	_ = 	snop  }
0x5: {  	_ = 	snop  }
0x6: {  	_ = 	snop  }
0x7: {  	_ = 	snop  }
__scs_overlays_trampoline_lowered:
0x8: {  	[smem:$0x3F9E] =	sst s0  }
0x9: {  	[smem:$0x3F9F] =	sst s1  }
0xa: {  	[smem:$0x3FA0] =	sst s2  }
0xb: {  	[smem:$0x3FA1] =	sst s3  }
0xc: {  	[smem:$0x3FA2] =	sst s4  }
0xd: {  	[smem:$0x3FA3] =	sst s5  }
0xe: {  	[smem:$0x3FA4] =	sst s6  }
0xf: {  	[smem:$0x3FA5] =	sst s7  }
0x10: {  	[smem:$0x3FA6] =	sst s8  }
0x11: {  	[smem:$0x3FA7] =	sst s9;
	s0 =	simm.s32 @!p0 $0x0  }
0x12: {  	s1 =	sld [smem:$0x3F8D];
	s0 =	simm.s32 @p0 $0x1  }
0x13: {  	[smem:$0x3FA8] =	sst s0;
	s0 =	simm.s32 @!p1 $0x0  }
0x14: {  	s2 =	sld [smem:$0x3F8C];
	s0 =	simm.s32 @p1 $0x1  }
0x15: {  	[smem:$0x3FA9] =	sst s0;
	s0 =	simm.s32 @!p2 $0x0  }
0x16: {  	s3 =	sld [smem:$0x3FDB];
	s0 =	simm.s32 @p2 $0x1  }
0x17: {  	s4 =	simm.s32 $0x1BF5;
	[smem:$0x3FAB] =	sst s0  }
0x18: {  	s0 =	sld [smem:$0x3F8E];
	_ =	swait.ge [sflag:s4], $0x0  }
0x19: {  	s7 =	sld [smem:$0x3F8F]  }
0x1a: {  	s8 =	sadd.s32 $0xFFFFE003, lr  }
0x1b: {  	s9 =	sadd.s32 $0xFFFFFEF7, lr;
	s5 =	simm.s32 $0xFFFFFFFF;
	p2 =	slt.u32 s8, $0xFFFFF086  }
0x1c: {  	p1 =	slt.u32 s9, $0xF7A;
	s5 =	simm.s32 @!p2 $0x0  }
0x1d: {  	s5 =	simm.s32 @p1 $0x1;
	p0 =	seq.s32 s7, s2  }
0x1e: {  	s7 =	smul.u32 @!p0 $0xF7A, s2;
	p2 =	seq.s32 @!p0 s5, $0x0  }
0x1f: {  	s9 =	smul.u32 $0xF7A, s1;
	s8 =	simm.s32 @!p0 $0x1BF5;
	p2 =	por !p2, p0  }
0x20: {  	[sflag:s8] =	ssyncset.s32 @!p0 $0xFFFFF086;
	s6 =	sadd.s32 @!p0 s3, s7;
	s7 =	simm.s32 @!p0 $0x108  }
0x21: {  	s3 =	sadd.s32 s3, s9;
	s6 =	sadd.s32 @!p0 $0x88, s6;
	s7 =	simm.s32 @p2 $0x1082  }
0x22: {  	[simem:s7], [sflag:s8] =	dma.local @!p0 [hbm:s6], $0xF7A  }
0x23: {  	s9 =	sor.u32 $0xD0000000, s2;
	s6 =	simm.s32 $0x108;
	_ =	swait.ge @!p0 [sflag:s8], $0x0  }
0x24: {  	s3 =	sadd.s32 $0x88, s3;
	s6 =	simm.s32 @!p1 $0x1082;
	[sflag:s4] =	ssyncset.s32 $0xFFFFF086  }
0x25: {  	[simem:s6], [sflag:s4] =	dma.local [hbm:s3], $0xF7A  }
0x26: {  	[smem:$0x3F8F] =	sst s1;
	(tag) =	ssettag s2;
	_ =	strace s9  }
0x27: {  	s1 =	sld [smem:$0x3F9F]  }
0x28: {  	s2 =	sld [smem:$0x3FA0]  }
0x29: {  	s4 =	sld [smem:$0x3FA2]  }
0x2a: {  	p0 =	seq.s32 s5, $0x0;
	s5 =	sld [smem:$0x3FA3]  }
0x2b: {  	s6 =	sld [smem:$0x3FA4]  }
0x2c: {  	s7 =	sld [smem:$0x3FA5]  }
0x2d: {  	s3 =	simm.s32 $0x108;
	s8 =	sld [smem:$0x3FA6]  }
0x2e: {  	s3 =	simm.s32 @!p0 $0x1082;
	s9 =	sld [smem:$0x3FA7]  }
0x2f: {  	lr =	sadd.s32 s0, s3;
	s0 =	sld [smem:$0x3F9E]  }
0x30: {  	s3 =	sld [smem:$0x3FA1]  }
0x31: {  	[smem:$0x3FAA] =	sst s10  }
0x32: {  	s10 =	sld [smem:$0x3FA8];
	_ =	sdelay $0x3  }
0x33: {  	p0 =	seq.s32 s10, $0x1;
	s10 =	sld [smem:$0x3FAA];
	_ =	sdelay $0x3  }
0x34: {  	[smem:$0x3FAA] =	sst s10  }
0x35: {  	s10 =	sld [smem:$0x3FA9];
	_ =	sdelay $0x3  }
0x36: {  	p1 =	seq.s32 s10, $0x1;
	s10 =	sld [smem:$0x3FAA];
	_ =	sdelay $0x3  }
0x37: {  	[smem:$0x3FAA] =	sst s10  }
0x38: {  	s10 =	sld [smem:$0x3FAB]  }
0x39: {  	_ = 	snop;
	(pc) =	sbr.ind lr, $3  }
0x3a: {  	_ = 	snop  }
0x3b: {  	_ = 	snop  }
0x3c: {  	p2 =	seq.s32 s10, $0x1;
	s10 =	sld [smem:$0x3FAA]  }
0x3d: {  	_ =	shalt  }
0x3e: {  	_ =	shalt  }
0x3f: {  	_ =	shalt  }
0x40: {  	_ =	shalt  }
0x41: {  	_ =	shalt  }
0x42: {  	_ =	shalt  }
0x43: {  	_ =	shalt  }
0x44: {  	_ =	shalt  }
0x45: {  	_ =	shalt  }
0x46: {  	_ =	shalt  }
0x47: {  	_ =	shalt  }
0x48: {  	_ =	shalt  }
0x49: {  	_ =	shalt  }
0x4a: {  	_ =	shalt  }
0x4b: {  	_ =	shalt  }
0x4c: {  	_ =	shalt  }
0x4d: {  	_ =	shalt  }
0x4e: {  	_ =	shalt  }
0x4f: {  	_ =	shalt  }
0x50: {  	_ =	shalt  }
0x51: {  	_ =	shalt  }
0x52: {  	_ =	shalt  }
0x53: {  	_ =	shalt  }
0x54: {  	_ =	shalt  }
0x55: {  	_ =	shalt  }
0x56: {  	_ =	shalt  }
0x57: {  	_ =	shalt  }
0x58: {  	_ =	shalt  }
0x59: {  	_ =	shalt  }
0x5a: {  	_ =	shalt  }
0x5b: {  	_ =	shalt  }
0x5c: {  	_ =	shalt  }
0x5d: {  	_ =	shalt  }
0x5e: {  	_ =	shalt  }
0x5f: {  	_ =	shalt  }
0x60: {  	_ =	shalt  }
0x61: {  	_ =	shalt  }
0x62: {  	_ =	shalt  }
0x63: {  	_ =	shalt  }
0x64: {  	_ =	shalt  }
0x65: {  	_ =	shalt  }
0x66: {  	_ =	shalt  }
0x67: {  	_ =	shalt  }
0x68: {  	_ =	shalt  }
0x69: {  	_ =	shalt  }
0x6a: {  	_ =	shalt  }
0x6b: {  	_ =	shalt  }
0x6c: {  	_ =	shalt  }
0x6d: {  	_ =	shalt  }
0x6e: {  	_ =	shalt  }
0x6f: {  	_ =	shalt  }
0x70: {  	_ =	shalt  }
0x71: {  	_ =	shalt  }
0x72: {  	_ =	shalt  }
0x73: {  	_ =	shalt  }
0x74: {  	_ =	shalt  }
0x75: {  	_ =	shalt  }
0x76: {  	_ =	shalt  }
0x77: {  	_ =	shalt  }
0x78: {  	_ =	shalt  }
0x79: {  	_ =	shalt  }
0x7a: {  	_ =	shalt  }
0x7b: {  	_ =	shalt  }
0x7c: {  	_ =	shalt  }
0x7d: {  	_ =	shalt  }
0x7e: {  	_ =	shalt  }
0x7f: {  	_ =	shalt  }
0x80: {  	_ =	shalt  }
0x81: {  	_ =	shalt  }
0x82: {  	_ =	shalt  }
0x83: {  	_ =	shalt  }
0x84: {  	_ =	shalt  }
0x85: {  	_ =	shalt  }
0x86: {  	_ =	shalt  }
0x87: {  	_ =	shalt  }
.Lfunc_end0:
.L_simem_size_0:
called_computation.2_lowered:
.L_overlay_start_0:
0x88: {  	s2 =	sld [smem:$0x3FD9]  }
0x89: {  	s3 =	sld [smem:$0x3FFE];
	_ =	sdelay $0x1  }
0x8a: {  	s1 =	srdreg.scid  }
0x8b: {  	s0 =	sand.u32 $0x1, s1  }
0x8c: {  	s17 =	sshll.u32 s0, $0xA;
	s2 =	sadd.s32 s3, s2  }
0x8d: {  	s2 =	sadd.s32 s2, s17  }
0x8e: {  	[smem:$0x3FB6] =	sst s2  }
0x8f: {  	_ = 	snop  }
0x90: {  	s2 =	sld [smem:$0x3FD0];
	(tm) =	ssettm $0x1  }
0x91: {  	s18 =	sld [smem:$0x3FFB];
	_ =	sdelay $0x3  }
0x92: {  	_ =	strace s18  }
0x93: {  	s3 =	sld [smem:$0x3FFC];
	_ =	sdelay $0x3  }
0x94: {  	_ =	strace s3  }
0x95: {  	s3 =	sld [smem:$0x3FFD];
	_ =	sdelay $0x3  }
0x96: {  	_ =	strace s3  }
0x97: {  	_ =	strace $0x8FFFFFFF  }
0x98: {  	s19 =	sld [smem:$0x3FDB];
	_ =	sdelay $0x1  }
0x99: {  	s4 =	simm.s32 $_scs_section_size  }
0x9a: {  	s5 =	simm.s32 $_size__tile_overlayer_lowered;
	s6 =	simm.s32 $_tile_overlayer_lowered  }
0x9b: {  	s22 =	simm.s32 $0x1BFF;
	s21 =	sshll.u32 s6, $0x1;
	s3 =	sadd.s32 s4, s19  }
0x9c: {  	s7 =	simm.s32 $0x0;
	s20 =	sshll.u32 s5, $0x1;
	s5 =	sadd.s32 s21, s3  }
0x9d: {  	[timem:s7], [sflag:s22] =	dma.local [hbm:s5], s20  }
0x9e: {  	_ =	swait.ge [sflag:s22], s20  }
0x9f: {  	s4 =	ssub.s32 $0x0, s20;
	[sflag:s22] =	ssyncset.done $0x0  }
0xa0: {  	[sflag:s22] =	ssyncadd.s32 s4;
	_ =	sdelay $0x1  }
0xa1: {  	s23 =	simm.s32 $0x1B8B  }
0xa2: {  	_ =	swait.ge [sflag:s23], $0x1  }
0xa3: {  	[sflag:s23] =	ssyncset.done $0x0  }
0xa4: {  	s25 =	simm.s32 $0x1B8E;
	s24 =	sld [smem:$0x3FFE];
	[sflag:s23] =	ssyncadd.s32 $0xFFFFFFFF  }
0xa5: {  	s26 =	simm.s32 $execute0_lowered;
	[smem:$0x3FD2] =	sst s25  }
0xa6: {  	s5 =	sshll.u32 s26, $0x1;
	_ =	strace $0x8000004C;
	[dreg:$0x1] =	wrdreg $0xFFFFFFFF  }
0xa7: {  	s28 =	simm.s32 $_size_execute0_lowered;
	s3 =	sadd.s32 s3, s5;
	[dreg:$0x0] =	wrdreg $0x0  }
0xa8: {  	s5 =	sshll.u32 s28, $0x1;
	[dreg:$0x2] =	wrdreg s3  }
0xa9: {  	[dreg:$0x3] =	wrdreg s5  }
0xaa: {  	[dreg:$0x4] =	wrdreg $0xC0  }
0xab: {  	_ =	task [dreg:s7], $0x5FFFF  }
0xac: {  	[dreg:$0x1] =	wrdreg $0xFFFFFFFF  }
0xad: {  	[dreg:$0x0] =	wrdreg $0x60  }
0xae: {  	[dreg:$0x2] =	wrdreg s24  }
0xaf: {  	[dreg:$0x3] =	wrdreg s2  }
0xb0: {  	[dreg:$0x4] =	wrdreg $0xA8000  }
0xb1: {  	[dreg:$0x5] =	wrdreg $0x9  }
0xb2: {  	_ =	task.clear_ibuf [dreg:s7], $0x6FFFF;
	_ =	strace $0x9000004C  }
0xb3: {  	s29 =	simm.s32 $0x9;
	_ =	strace $0x8000004E  }
0xb4: {  	_ =	swait.ge [sflag:s29], $0x1  }
0xb5: {  	[sflag:s29] =	ssyncadd.s32 $0xFFFFFFFF  }
0xb6: {  	_ =	strace $0x9000004E  }
0xb7: {  	_ =	sfence  }
0xb8: {  	s30 =	sld [smem:$0x0];
	_ =	sdelay $0x2  }
0xb9: {  	s31 =	sshll.u32 s1, $0xD;
	s1 =	sshrl.u32 s1, $0x2  }
0xba: {  	s3 =	sand.u32 $0x4000, s31;
	s1 =	sadd.s32 s1, s30  }
0xbb: {  	s0 =	sor.u32 s3, s0;
	s1 =	sshll.u32 s1, $0x11  }
0xbc: {  	s0 =	sor.u32 s1, s0  }
0xbd: {  	s0 =	sadd.s32 $0x8F2B, s0  }
0xbe: {  	[sflag:s0] =	ssyncadd.remote.s32 $0x1  }
0xbf: {  	_ =	sfence.sel $0xFFFF  }
0xc0: {  	[dreg:$0x0] =	wrdreg $0xFFFFFFFF;
	(pc) =	sbr.abs _section_cstart, $3  }
0xc1: {  	[dreg:$0x1] =	wrdreg $0xFFFFFFFF  }
0xc2: {  	_ =	task.clear_ibuf [dreg:s7], $0x2FFFF;
	_ =	strace $0x9FFFFFFF  }
0xc3: {  	(tm) =	ssettm $0x7FFFFFFF  }
tec
execute0_lowered:
.L_overlay_start_1:
0x0: {  	(tag) =	ssettag $0x1  }
0x1: {  	s6 =	rddreg [dreg:$0x0]  }
0x2: {  	s10 =	rddreg [dreg:$0x1]  }
0x3: {  	s2 =	rddreg [dreg:$0x2]  }
0x4: {  	s0 =	rddreg [dreg:$0x3]  }
0x5: {  	s1 =	stileid.u32;
	s4 =	srdreg.scid;
	s3 =	simm.s32 $0x0  }
0x6: {  	s18 =	simm.s32 $0x80;
	s19 =	simm.s32 $0x2800;
	s20 =	simm.s32 $0x6800  }
0x7: {  	s21 =	simm.s32 $0x1;
	s22 =	simm.s32 $0x2;
	s28 =	simm.s32 $0x0  }
0x8: {  	s7 =	sand.u32 $0x1, s4;
	s8 =	smul.u32 $0x280, s1;
	[smem:$0x7FF] =	sst s3  }
0x9: {  	s11 =	smul.u32 $0x2800, s1;
	s4 =	sadd.s32 $0x5C00, s6;
	s5 =	sadd.s32 $0x5FC00, s6  }
0xa: {  	s12 =	sadd.s32 $0x2DC00, s6;
	s13 =	sshll.u32 s1, $0x1;
	s14 =	smul.u32 $0x50000, s1  }
0xb: {  	s30 =	sshll.u32 s1, $0x6;
	s9 =	smul.u32 $0x2800, s7;
	_ =	strace $0x8000004D  }
0xc: {  	s24 =	ssub.s32 $0x2, s7;
	s7 =	sor.u32 s7, s13;
	s23 =	sadd.s32 s11, s6  }
0xd: {  	s25 =	sshrl.u32 s24, $0x1;
	s26 =	sshrl.u32 s14, $0x2;
	s29 =	smul.u32 $0x2800, s7  }
0xe: {  	s13 =	smul.u32 $0x500, s7;
	s7 =	sor.u32 $0x1C05, s30;
	s8 =	sadd.s32 s8, s9  }
0xf: {  	s16 =	ssub.s32 s24, s25;
	s17 =	sadd.s32 s26, s2;
	s24 =	simm.s32 $0x4  }
0x10: {  	s25 =	simm.s32 $0x2700;
	s26 =	simm.s32 $0x2780;
	s8 =	sshll.u32 s8, $0x4  }
0x11: {  	s31 =	sshrl.u32 s29, $0x3;
	s9 =	sadd.s32 s12, s13;
	s14 =	smax.u32 s16, $0x1  }
0x12: {  	s16 =	simm.s32 $0x5;
	s15 =	sadd.s32 s8, s6;
	s6 =	sadd.s32 $0x37C00, s23  }
0x13: {  	s8 =	sadd.s32 s10, s13;
	s11 =	sadd.s32 $0x280, s31;
	s23 =	simm.s32 $0x3  }
0x14: {  	s10 =	sadd.s32 s10, s11;
	s11 =	sadd.s32 s12, s11;
	s12 =	sadd.s32 $0x87C00, s15  }
0x15: {  	s13 =	sadd.s32 $0xD7C00, s15;
	s15 =	sshrl.u32 s17, $0x3;
	s17 =	simm.s32 $0x1400  }
.LBB2_1:
0x16: {  	[spmem:s15], [sflag:s7] =	dma.local [hbm:s6], $0x2800  }
0x17: {  	_ =	swait.ge [sflag:s16], $0x2800  }
0x18: {  	[sflag:s16] =	ssyncset.done $0x0  }
0x19: {  	[sflag:s16] =	ssyncadd.s32 $0xFFFFD800  }
0x1a: {  	[bflag:$0x0] =	sbarrier.arrive $0xFFFF  }
0x1b: {  	[tilespmem:s3], [sflag:$0x5] =	stream.linear.gather [hbm4b:s8+s3], $0x1400, $0x38;
	[tilespmem:$0x1E800] =	vst v63  }
0x1c: {  	_ =	swait.ge [sflag:s16], $0x1400  }
0x1d: {  	[sflag:s16] =	ssyncset.done $0x0  }
0x1e: {  	[sflag:s16] =	ssyncadd.s32 $0xFFFFEC00  }
0x1f: {  	[tilespmem:s17], [sflag:$0x5] =	stream.linear.gather [hbm4b:s9+s3], $0x1400, $0x38;
	[tilespmem:$0x1E800] =	vst v63  }
0x20: {  	_ =	swait.ge [sflag:s16], $0x1400  }
0x21: {  	[sflag:s16] =	ssyncset.done $0x0  }
0x22: {  	[sflag:s16] =	ssyncadd.s32 $0xFFFFEC00  }
0x23: {  	[tilespmem:s19], [sflag:$0x1] =	stream.indirect.gather [hbm4b:s4+s18], $0x80, s3, s18, $0xb8;
	[tilespmem:$0x1E800] =	vst v63  }
0x24: {  	_ = 	snop  }
0x25: {  	[tilespmem:s20], [sflag:$0x2] =	stream.indirect.gather [hbm4b:s4+s18], $0x80, s18, s18, $0xb8;
	[tilespmem:$0x1E800] =	vst v63  }
0x26: {  	_ =	swait.ge [sflag:s21], $0x4000  }
0x27: {  	[sflag:s21] =	ssyncset.done $0x0  }
0x28: {  	s29 =	simm.s32 $0x1400;
	[sflag:s21] =	ssyncadd.s32 $0xFFFFC000  }
0x29: {  	[spmem:s2] =	stream.indirect.scatter.add.f32 [tilespmem:s19], [sflag:$0x3], $0x80, s29, s18, $0xb8;
	[tilespmem:$0x1E800] =	vst v63  }
0x2a: {  	_ =	swait.ge [sflag:s22], $0x4000  }
0x2b: {  	[sflag:s22] =	ssyncset.done $0x0  }
0x2c: {  	s29 =	simm.s32 $0x1480;
	[sflag:s22] =	ssyncadd.s32 $0xFFFFC000  }
0x2d: {  	[spmem:s2] =	stream.indirect.scatter.add.f32 [tilespmem:s20], [sflag:$0x4], $0x80, s29, s18, $0xb8;
	[tilespmem:$0x1E800] =	vst v63  }
0x2e: {  	_ =	swait.ge [sflag:s23], $0x4000  }
0x2f: {  	[sflag:s23] =	ssyncset.done $0x0  }
0x30: {  	s29 =	simm.s32 $0x100;
	[sflag:s23] =	ssyncadd.s32 $0xFFFFC000  }
0x31: {  	[tilespmem:s19], [sflag:$0x1] =	stream.indirect.gather [hbm4b:s4+s18], $0x80, s29, s18, $0xb8;
	[tilespmem:$0x1E800] =	vst v63  }
0x32: {  	_ =	swait.ge [sflag:s24], $0x4000  }
0x33: {  	[sflag:s24] =	ssyncset.done $0x0  }
0x34: {  	s30 =	simm.s32 $0x180;
	s29 =	simm.s32 $0x400;
	[sflag:s24] =	ssyncadd.s32 $0xFFFFC000  }
.LBB2_2:
0x35: {  	[tilespmem:s20], [sflag:$0x2] =	stream.indirect.gather [hbm4b:s4+s18], $0x80, s30, s18, $0xb8;
	[tilespmem:$0x1E800] =	vst v63  }
0x36: {  	s30 =	smov.u32 s29  }
0x37: {  	p0 =	sne.s32 s29, $0x4800;
	s29 =	sadd.s32 $0x400, s29;
	_ =	swait.ge [sflag:s21], $0x4000  }
0x38: {  	s30 =	sshra.s32 s30, $0x2;
	[sflag:s21] =	ssyncset.done $0x0  }
0x39: {  	s31 =	sadd.s32 $0x1400, s30;
	[sflag:s21] =	ssyncadd.s32 $0xFFFFC000  }
0x3a: {  	[spmem:s2] =	stream.indirect.scatter.add.f32 [tilespmem:s19], [sflag:$0x3], $0x80, s31, s18, $0xb8;
	[tilespmem:$0x1E800] =	vst v63  }
0x3b: {  	_ =	swait.ge [sflag:s22], $0x4000  }
0x3c: {  	[sflag:s22] =	ssyncset.done $0x0  }
0x3d: {  	s31 =	sadd.s32 $0x1480, s30;
	[sflag:s22] =	ssyncadd.s32 $0xFFFFC000  }
0x3e: {  	[spmem:s2] =	stream.indirect.scatter.add.f32 [tilespmem:s20], [sflag:$0x4], $0x80, s31, s18, $0xb8;
	[tilespmem:$0x1E800] =	vst v63  }
0x3f: {  	_ =	swait.ge [sflag:s23], $0x4000  }
0x40: {  	[sflag:s23] =	ssyncset.done $0x0  }
.Ltmp0:
0x41: {  	s31 =	sadd.s32 $0x100, s30;
	[sflag:s23] =	ssyncadd.s32 $0xFFFFC000;
	(pc) =	sbr.rel @p0 .LBB2_2-.Ltmp0, $4  }
0x42: {  	[tilespmem:s19], [sflag:$0x1] =	stream.indirect.gather [hbm4b:s4+s18], $0x80, s31, s18, $0xb8;
	[tilespmem:$0x1E800] =	vst v63  }
0x43: {  	_ =	swait.ge [sflag:s24], $0x4000  }
0x44: {  	[sflag:s24] =	ssyncset.done $0x0  }
0x45: {  	s30 =	sadd.s32 $0x180, s30;
	[sflag:s24] =	ssyncadd.s32 $0xFFFFC000  }
0x46: {  	[tilespmem:s20], [sflag:$0x2] =	stream.indirect.gather [hbm4b:s4+s18], $0x80, s30, s18, $0xb8;
	[tilespmem:$0x1E800] =	vst v63  }
0x47: {  	_ =	swait.ge [sflag:s21], $0x4000  }
0x48: {  	[sflag:s21] =	ssyncset.done $0x0  }
0x49: {  	[sflag:s21] =	ssyncadd.s32 $0xFFFFC000  }
0x4a: {  	[spmem:s2] =	stream.indirect.scatter.add.f32 [tilespmem:s19], [sflag:$0x3], $0x80, s25, s18, $0xb8;
	[tilespmem:$0x1E800] =	vst v63  }
0x4b: {  	_ =	swait.ge [sflag:s22], $0x4000  }
0x4c: {  	[sflag:s22] =	ssyncset.done $0x0  }
0x4d: {  	[sflag:s22] =	ssyncadd.s32 $0xFFFFC000  }
0x4e: {  	[spmem:s2] =	stream.indirect.scatter.add.f32 [tilespmem:s20], [sflag:$0x4], $0x80, s26, s18, $0xb8;
	[tilespmem:$0x1E800] =	vst v63  }
0x4f: {  	_ =	swait.ge [sflag:s23], $0x4000  }
0x50: {  	[sflag:s23] =	ssyncset.done $0x0  }
0x51: {  	[sflag:s23] =	ssyncadd.s32 $0xFFFFC000  }
0x52: {  	_ =	swait.ge [sflag:s24], $0x4000  }
0x53: {  	[sflag:s24] =	ssyncset.done $0x0  }
0x54: {  	s29 =	simm.s32 $0x0;
	[sflag:s24] =	ssyncadd.s32 $0xFFFFC000  }
0x55: {  	[tilespmem:s29], [sflag:$0x5] =	stream.linear.gather [hbm4b:s10+s29], $0x1400, $0x38;
	[tilespmem:$0x1E800] =	vst v63  }
0x56: {  	_ =	swait.ge [sflag:s16], $0x1400  }
0x57: {  	[sflag:s16] =	ssyncset.done $0x0  }
0x58: {  	[sflag:s16] =	ssyncadd.s32 $0xFFFFEC00  }
0x59: {  	[tilespmem:s17], [sflag:$0x5] =	stream.linear.gather [hbm4b:s11+s29], $0x1400, $0x38;
	[tilespmem:$0x1E800] =	vst v63  }
0x5a: {  	_ =	swait.ge [sflag:s16], $0x1400  }
0x5b: {  	[sflag:s16] =	ssyncset.done $0x0  }
0x5c: {  	[sflag:s16] =	ssyncadd.s32 $0xFFFFEC00  }
0x5d: {  	[tilespmem:s19], [sflag:$0x1] =	stream.indirect.gather [hbm4b:s4+s18], $0x80, s29, s18, $0xb8;
	[tilespmem:$0x1E800] =	vst v63  }
0x5e: {  	_ = 	snop  }
0x5f: {  	[tilespmem:s20], [sflag:$0x2] =	stream.indirect.gather [hbm4b:s4+s18], $0x80, s18, s18, $0xb8;
	[tilespmem:$0x1E800] =	vst v63  }
0x60: {  	_ =	swait.ge [sflag:s21], $0x4000  }
0x61: {  	[sflag:s21] =	ssyncset.done $0x0  }
0x62: {  	s29 =	simm.s32 $0x1400;
	[sflag:s21] =	ssyncadd.s32 $0xFFFFC000  }
0x63: {  	[spmem:s2] =	stream.indirect.scatter.add.f32 [tilespmem:s19], [sflag:$0x3], $0x80, s29, s18, $0xb8;
	[tilespmem:$0x1E800] =	vst v63  }
0x64: {  	_ =	swait.ge [sflag:s22], $0x4000  }
0x65: {  	[sflag:s22] =	ssyncset.done $0x0  }
0x66: {  	s29 =	simm.s32 $0x1480;
	[sflag:s22] =	ssyncadd.s32 $0xFFFFC000  }
0x67: {  	[spmem:s2] =	stream.indirect.scatter.add.f32 [tilespmem:s20], [sflag:$0x4], $0x80, s29, s18, $0xb8;
	[tilespmem:$0x1E800] =	vst v63  }
0x68: {  	_ =	swait.ge [sflag:s23], $0x4000  }
0x69: {  	[sflag:s23] =	ssyncset.done $0x0  }
0x6a: {  	s29 =	simm.s32 $0x100;
	[sflag:s23] =	ssyncadd.s32 $0xFFFFC000  }
0x6b: {  	[tilespmem:s19], [sflag:$0x1] =	stream.indirect.gather [hbm4b:s4+s18], $0x80, s29, s18, $0xb8;
	[tilespmem:$0x1E800] =	vst v63  }
0x6c: {  	_ =	swait.ge [sflag:s24], $0x4000  }
0x6d: {  	[sflag:s24] =	ssyncset.done $0x0  }
0x6e: {  	s30 =	simm.s32 $0x180;
	s29 =	simm.s32 $0x400;
	[sflag:s24] =	ssyncadd.s32 $0xFFFFC000  }
.LBB2_4:
0x6f: {  	[tilespmem:s20], [sflag:$0x2] =	stream.indirect.gather [hbm4b:s4+s18], $0x80, s30, s18, $0xb8;
	[tilespmem:$0x1E800] =	vst v63  }
0x70: {  	s30 =	smov.u32 s29  }
0x71: {  	p0 =	sne.s32 s29, $0x4800;
	s29 =	sadd.s32 $0x400, s29;
	_ =	swait.ge [sflag:s21], $0x4000  }
0x72: {  	s30 =	sshra.s32 s30, $0x2;
	[sflag:s21] =	ssyncset.done $0x0  }
0x73: {  	s31 =	sadd.s32 $0x1400, s30;
	[sflag:s21] =	ssyncadd.s32 $0xFFFFC000  }
0x74: {  	[spmem:s2] =	stream.indirect.scatter.add.f32 [tilespmem:s19], [sflag:$0x3], $0x80, s31, s18, $0xb8;
	[tilespmem:$0x1E800] =	vst v63  }
0x75: {  	_ =	swait.ge [sflag:s22], $0x4000  }
0x76: {  	[sflag:s22] =	ssyncset.done $0x0  }
0x77: {  	s31 =	sadd.s32 $0x1480, s30;
	[sflag:s22] =	ssyncadd.s32 $0xFFFFC000  }
0x78: {  	[spmem:s2] =	stream.indirect.scatter.add.f32 [tilespmem:s20], [sflag:$0x4], $0x80, s31, s18, $0xb8;
	[tilespmem:$0x1E800] =	vst v63  }
0x79: {  	_ =	swait.ge [sflag:s23], $0x4000  }
0x7a: {  	[sflag:s23] =	ssyncset.done $0x0  }
.Ltmp1:
0x7b: {  	s31 =	sadd.s32 $0x100, s30;
	[sflag:s23] =	ssyncadd.s32 $0xFFFFC000;
	(pc) =	sbr.rel @p0 .LBB2_4-.Ltmp1, $4  }
0x7c: {  	[tilespmem:s19], [sflag:$0x1] =	stream.indirect.gather [hbm4b:s4+s18], $0x80, s31, s18, $0xb8;
	[tilespmem:$0x1E800] =	vst v63  }
0x7d: {  	_ =	swait.ge [sflag:s24], $0x4000  }
0x7e: {  	[sflag:s24] =	ssyncset.done $0x0  }
0x7f: {  	s30 =	sadd.s32 $0x180, s30;
	[sflag:s24] =	ssyncadd.s32 $0xFFFFC000  }
0x80: {  	[tilespmem:s20], [sflag:$0x2] =	stream.indirect.gather [hbm4b:s4+s18], $0x80, s30, s18, $0xb8;
	[tilespmem:$0x1E800] =	vst v63  }
0x81: {  	_ =	swait.ge [sflag:s21], $0x4000  }
0x82: {  	[sflag:s21] =	ssyncset.done $0x0  }
0x83: {  	[sflag:s21] =	ssyncadd.s32 $0xFFFFC000  }
0x84: {  	[spmem:s2] =	stream.indirect.scatter.add.f32 [tilespmem:s19], [sflag:$0x3], $0x80, s25, s18, $0xb8;
	[tilespmem:$0x1E800] =	vst v63  }
0x85: {  	_ =	swait.ge [sflag:s22], $0x4000  }
0x86: {  	[sflag:s22] =	ssyncset.done $0x0  }
0x87: {  	[sflag:s22] =	ssyncadd.s32 $0xFFFFC000  }
0x88: {  	[spmem:s2] =	stream.indirect.scatter.add.f32 [tilespmem:s20], [sflag:$0x4], $0x80, s26, s18, $0xb8;
	[tilespmem:$0x1E800] =	vst v63  }
0x89: {  	_ =	swait.ge [sflag:s23], $0x4000  }
0x8a: {  	[sflag:s23] =	ssyncset.done $0x0  }
0x8b: {  	[sflag:s23] =	ssyncadd.s32 $0xFFFFC000  }
0x8c: {  	_ =	swait.ge [sflag:s24], $0x4000  }
0x8d: {  	[sflag:s24] =	ssyncset.done $0x0  }
0x8e: {  	[sflag:s24] =	ssyncadd.s32 $0xFFFFC000  }
0x8f: {  	[bflag:$0x0] =	sbarrier.arrive $0xFFFF  }
0x90: {  	[hbm:s12], [sflag:s7] =	dma.local [spmem:s15], $0x2800  }
0x91: {  	_ =	swait.ge [sflag:s16], $0x2800  }
0x92: {  	[sflag:s16] =	ssyncset.done $0x0  }
0x93: {  	[sflag:s16] =	ssyncadd.s32 $0xFFFFD800  }
0x94: {  	[bflag:$0x0] =	sbarrier.arrive $0xFFFF  }
0x95: {  	[spmem:s15], [sflag:s7] =	dma.local [hbm:s6], $0x2800  }
0x96: {  	_ =	swait.ge [sflag:s16], $0x2800  }
0x97: {  	[sflag:s16] =	ssyncset.done $0x0  }
0x98: {  	[sflag:s16] =	ssyncadd.s32 $0xFFFFD800  }
0x99: {  	s29 =	simm.s32 $0x0;
	[bflag:$0x0] =	sbarrier.arrive $0xFFFF  }
0x9a: {  	[tilespmem:s29], [sflag:$0x5] =	stream.linear.gather [hbm4b:s8+s29], $0x1400, $0x38;
	[tilespmem:$0x1E800] =	vst v63  }
0x9b: {  	_ =	swait.ge [sflag:s16], $0x1400  }
0x9c: {  	[sflag:s16] =	ssyncset.done $0x0  }
0x9d: {  	[sflag:s16] =	ssyncadd.s32 $0xFFFFEC00  }
0x9e: {  	[tilespmem:s17], [sflag:$0x5] =	stream.linear.gather [hbm4b:s9+s29], $0x1400, $0x38;
	[tilespmem:$0x1E800] =	vst v63  }
0x9f: {  	_ =	swait.ge [sflag:s16], $0x1400  }
0xa0: {  	[sflag:s16] =	ssyncset.done $0x0  }
0xa1: {  	[sflag:s16] =	ssyncadd.s32 $0xFFFFEC00  }
0xa2: {  	[tilespmem:s19], [sflag:$0x1] =	stream.indirect.gather [hbm4b:s5+s18], $0x80, s29, s18, $0xb8;
	[tilespmem:$0x1E800] =	vst v63  }
0xa3: {  	_ = 	snop  }
0xa4: {  	[tilespmem:s20], [sflag:$0x2] =	stream.indirect.gather [hbm4b:s5+s18], $0x80, s18, s18, $0xb8;
	[tilespmem:$0x1E800] =	vst v63  }
0xa5: {  	_ =	swait.ge [sflag:s21], $0x4000  }
0xa6: {  	[sflag:s21] =	ssyncset.done $0x0  }
0xa7: {  	s29 =	simm.s32 $0x1400;
	[sflag:s21] =	ssyncadd.s32 $0xFFFFC000  }
0xa8: {  	[spmem:s2] =	stream.indirect.scatter.add.f32 [tilespmem:s19], [sflag:$0x3], $0x80, s29, s18, $0xb8;
	[tilespmem:$0x1E800] =	vst v63  }
0xa9: {  	_ =	swait.ge [sflag:s22], $0x4000  }
0xaa: {  	[sflag:s22] =	ssyncset.done $0x0  }
0xab: {  	s29 =	simm.s32 $0x1480;
	[sflag:s22] =	ssyncadd.s32 $0xFFFFC000  }
0xac: {  	[spmem:s2] =	stream.indirect.scatter.add.f32 [tilespmem:s20], [sflag:$0x4], $0x80, s29, s18, $0xb8;
	[tilespmem:$0x1E800] =	vst v63  }
0xad: {  	_ =	swait.ge [sflag:s23], $0x4000  }
0xae: {  	[sflag:s23] =	ssyncset.done $0x0  }
0xaf: {  	s29 =	simm.s32 $0x100;
	[sflag:s23] =	ssyncadd.s32 $0xFFFFC000  }
0xb0: {  	[tilespmem:s19], [sflag:$0x1] =	stream.indirect.gather [hbm4b:s5+s18], $0x80, s29, s18, $0xb8;
	[tilespmem:$0x1E800] =	vst v63  }
0xb1: {  	_ =	swait.ge [sflag:s24], $0x4000  }
0xb2: {  	[sflag:s24] =	ssyncset.done $0x0  }
0xb3: {  	s30 =	simm.s32 $0x180;
	s29 =	simm.s32 $0x400;
	[sflag:s24] =	ssyncadd.s32 $0xFFFFC000  }
.LBB2_6:
0xb4: {  	[tilespmem:s20], [sflag:$0x2] =	stream.indirect.gather [hbm4b:s5+s18], $0x80, s30, s18, $0xb8;
	[tilespmem:$0x1E800] =	vst v63  }
0xb5: {  	s30 =	smov.u32 s29  }
0xb6: {  	p0 =	sne.s32 s29, $0x4800;
	s29 =	sadd.s32 $0x400, s29;
	_ =	swait.ge [sflag:s21], $0x4000  }
0xb7: {  	s30 =	sshra.s32 s30, $0x2;
	[sflag:s21] =	ssyncset.done $0x0  }
0xb8: {  	s31 =	sadd.s32 $0x1400, s30;
	[sflag:s21] =	ssyncadd.s32 $0xFFFFC000  }
0xb9: {  	[spmem:s2] =	stream.indirect.scatter.add.f32 [tilespmem:s19], [sflag:$0x3], $0x80, s31, s18, $0xb8;
	[tilespmem:$0x1E800] =	vst v63  }
0xba: {  	_ =	swait.ge [sflag:s22], $0x4000  }
0xbb: {  	[sflag:s22] =	ssyncset.done $0x0  }
0xbc: {  	s31 =	sadd.s32 $0x1480, s30;
	[sflag:s22] =	ssyncadd.s32 $0xFFFFC000  }
0xbd: {  	[spmem:s2] =	stream.indirect.scatter.add.f32 [tilespmem:s20], [sflag:$0x4], $0x80, s31, s18, $0xb8;
	[tilespmem:$0x1E800] =	vst v63  }
0xbe: {  	_ =	swait.ge [sflag:s23], $0x4000  }
0xbf: {  	[sflag:s23] =	ssyncset.done $0x0  }
.Ltmp2:
0xc0: {  	s31 =	sadd.s32 $0x100, s30;
	[sflag:s23] =	ssyncadd.s32 $0xFFFFC000;
	(pc) =	sbr.rel @p0 .LBB2_6-.Ltmp2, $4  }
0xc1: {  	[tilespmem:s19], [sflag:$0x1] =	stream.indirect.gather [hbm4b:s5+s18], $0x80, s31, s18, $0xb8;
	[tilespmem:$0x1E800] =	vst v63  }
0xc2: {  	_ =	swait.ge [sflag:s24], $0x4000  }
0xc3: {  	[sflag:s24] =	ssyncset.done $0x0  }
0xc4: {  	s30 =	sadd.s32 $0x180, s30;
	[sflag:s24] =	ssyncadd.s32 $0xFFFFC000  }
0xc5: {  	[tilespmem:s20], [sflag:$0x2] =	stream.indirect.gather [hbm4b:s5+s18], $0x80, s30, s18, $0xb8;
	[tilespmem:$0x1E800] =	vst v63  }
0xc6: {  	_ =	swait.ge [sflag:s21], $0x4000  }
0xc7: {  	[sflag:s21] =	ssyncset.done $0x0  }
0xc8: {  	[sflag:s21] =	ssyncadd.s32 $0xFFFFC000  }
0xc9: {  	[spmem:s2] =	stream.indirect.scatter.add.f32 [tilespmem:s19], [sflag:$0x3], $0x80, s25, s18, $0xb8;
	[tilespmem:$0x1E800] =	vst v63  }
0xca: {  	_ =	swait.ge [sflag:s22], $0x4000  }
0xcb: {  	[sflag:s22] =	ssyncset.done $0x0  }
0xcc: {  	[sflag:s22] =	ssyncadd.s32 $0xFFFFC000  }
0xcd: {  	[spmem:s2] =	stream.indirect.scatter.add.f32 [tilespmem:s20], [sflag:$0x4], $0x80, s26, s18, $0xb8;
	[tilespmem:$0x1E800] =	vst v63  }
0xce: {  	_ =	swait.ge [sflag:s23], $0x4000  }
0xcf: {  	[sflag:s23] =	ssyncset.done $0x0  }
0xd0: {  	[sflag:s23] =	ssyncadd.s32 $0xFFFFC000  }
0xd1: {  	_ =	swait.ge [sflag:s24], $0x4000  }
0xd2: {  	[sflag:s24] =	ssyncset.done $0x0  }
0xd3: {  	s29 =	simm.s32 $0x0;
	[sflag:s24] =	ssyncadd.s32 $0xFFFFC000  }
0xd4: {  	[tilespmem:s29], [sflag:$0x5] =	stream.linear.gather [hbm4b:s10+s29], $0x1400, $0x38;
	[tilespmem:$0x1E800] =	vst v63  }
0xd5: {  	_ =	swait.ge [sflag:s16], $0x1400  }
0xd6: {  	[sflag:s16] =	ssyncset.done $0x0  }
0xd7: {  	[sflag:s16] =	ssyncadd.s32 $0xFFFFEC00  }
0xd8: {  	[tilespmem:s17], [sflag:$0x5] =	stream.linear.gather [hbm4b:s11+s29], $0x1400, $0x38;
	[tilespmem:$0x1E800] =	vst v63  }
0xd9: {  	_ =	swait.ge [sflag:s16], $0x1400  }
0xda: {  	[sflag:s16] =	ssyncset.done $0x0  }
0xdb: {  	[sflag:s16] =	ssyncadd.s32 $0xFFFFEC00  }
0xdc: {  	[tilespmem:s19], [sflag:$0x1] =	stream.indirect.gather [hbm4b:s5+s18], $0x80, s29, s18, $0xb8;
	[tilespmem:$0x1E800] =	vst v63  }
0xdd: {  	_ = 	snop  }
0xde: {  	[tilespmem:s20], [sflag:$0x2] =	stream.indirect.gather [hbm4b:s5+s18], $0x80, s18, s18, $0xb8;
	[tilespmem:$0x1E800] =	vst v63  }
0xdf: {  	_ =	swait.ge [sflag:s21], $0x4000  }
0xe0: {  	[sflag:s21] =	ssyncset.done $0x0  }
0xe1: {  	s29 =	simm.s32 $0x1400;
	[sflag:s21] =	ssyncadd.s32 $0xFFFFC000  }
0xe2: {  	[spmem:s2] =	stream.indirect.scatter.add.f32 [tilespmem:s19], [sflag:$0x3], $0x80, s29, s18, $0xb8;
	[tilespmem:$0x1E800] =	vst v63  }
0xe3: {  	_ =	swait.ge [sflag:s22], $0x4000  }
0xe4: {  	[sflag:s22] =	ssyncset.done $0x0  }
0xe5: {  	s29 =	simm.s32 $0x1480;
	[sflag:s22] =	ssyncadd.s32 $0xFFFFC000  }
0xe6: {  	[spmem:s2] =	stream.indirect.scatter.add.f32 [tilespmem:s20], [sflag:$0x4], $0x80, s29, s18, $0xb8;
	[tilespmem:$0x1E800] =	vst v63  }
0xe7: {  	_ =	swait.ge [sflag:s23], $0x4000  }
0xe8: {  	[sflag:s23] =	ssyncset.done $0x0  }
0xe9: {  	s29 =	simm.s32 $0x100;
	[sflag:s23] =	ssyncadd.s32 $0xFFFFC000  }
0xea: {  	[tilespmem:s19], [sflag:$0x1] =	stream.indirect.gather [hbm4b:s5+s18], $0x80, s29, s18, $0xb8;
	[tilespmem:$0x1E800] =	vst v63  }
0xeb: {  	_ =	swait.ge [sflag:s24], $0x4000  }
0xec: {  	[sflag:s24] =	ssyncset.done $0x0  }
0xed: {  	s30 =	simm.s32 $0x180;
	s29 =	simm.s32 $0x400;
	[sflag:s24] =	ssyncadd.s32 $0xFFFFC000  }
.LBB2_8:
0xee: {  	[tilespmem:s20], [sflag:$0x2] =	stream.indirect.gather [hbm4b:s5+s18], $0x80, s30, s18, $0xb8;
	[tilespmem:$0x1E800] =	vst v63  }
0xef: {  	s30 =	smov.u32 s29  }
0xf0: {  	p0 =	sne.s32 s29, $0x4800;
	s29 =	sadd.s32 $0x400, s29;
	_ =	swait.ge [sflag:s21], $0x4000  }
0xf1: {  	s30 =	sshra.s32 s30, $0x2;
	[sflag:s21] =	ssyncset.done $0x0  }
0xf2: {  	s31 =	sadd.s32 $0x1400, s30;
	[sflag:s21] =	ssyncadd.s32 $0xFFFFC000  }
0xf3: {  	[spmem:s2] =	stream.indirect.scatter.add.f32 [tilespmem:s19], [sflag:$0x3], $0x80, s31, s18, $0xb8;
	[tilespmem:$0x1E800] =	vst v63  }
0xf4: {  	_ =	swait.ge [sflag:s22], $0x4000  }
0xf5: {  	[sflag:s22] =	ssyncset.done $0x0  }
0xf6: {  	s31 =	sadd.s32 $0x1480, s30;
	[sflag:s22] =	ssyncadd.s32 $0xFFFFC000  }
0xf7: {  	[spmem:s2] =	stream.indirect.scatter.add.f32 [tilespmem:s20], [sflag:$0x4], $0x80, s31, s18, $0xb8;
	[tilespmem:$0x1E800] =	vst v63  }
0xf8: {  	_ =	swait.ge [sflag:s23], $0x4000  }
0xf9: {  	[sflag:s23] =	ssyncset.done $0x0  }
.Ltmp3:
0xfa: {  	s31 =	sadd.s32 $0x100, s30;
	[sflag:s23] =	ssyncadd.s32 $0xFFFFC000;
	(pc) =	sbr.rel @p0 .LBB2_8-.Ltmp3, $4  }
0xfb: {  	[tilespmem:s19], [sflag:$0x1] =	stream.indirect.gather [hbm4b:s5+s18], $0x80, s31, s18, $0xb8;
	[tilespmem:$0x1E800] =	vst v63  }
0xfc: {  	_ =	swait.ge [sflag:s24], $0x4000  }
0xfd: {  	[sflag:s24] =	ssyncset.done $0x0  }
0xfe: {  	s30 =	sadd.s32 $0x180, s30;
	[sflag:s24] =	ssyncadd.s32 $0xFFFFC000  }
0xff: {  	[tilespmem:s20], [sflag:$0x2] =	stream.indirect.gather [hbm4b:s5+s18], $0x80, s30, s18, $0xb8;
	[tilespmem:$0x1E800] =	vst v63  }
0x100: {  	_ =	swait.ge [sflag:s21], $0x4000  }
0x101: {  	[sflag:s21] =	ssyncset.done $0x0  }
0x102: {  	[sflag:s21] =	ssyncadd.s32 $0xFFFFC000  }
0x103: {  	[spmem:s2] =	stream.indirect.scatter.add.f32 [tilespmem:s19], [sflag:$0x3], $0x80, s25, s18, $0xb8;
	[tilespmem:$0x1E800] =	vst v63  }
0x104: {  	_ =	swait.ge [sflag:s22], $0x4000  }
0x105: {  	[sflag:s22] =	ssyncset.done $0x0  }
0x106: {  	[sflag:s22] =	ssyncadd.s32 $0xFFFFC000  }
0x107: {  	[spmem:s2] =	stream.indirect.scatter.add.f32 [tilespmem:s20], [sflag:$0x4], $0x80, s26, s18, $0xb8;
	[tilespmem:$0x1E800] =	vst v63  }
0x108: {  	_ =	swait.ge [sflag:s23], $0x4000  }
0x109: {  	[sflag:s23] =	ssyncset.done $0x0  }
0x10a: {  	[sflag:s23] =	ssyncadd.s32 $0xFFFFC000  }
0x10b: {  	_ =	swait.ge [sflag:s24], $0x4000  }
0x10c: {  	[sflag:s24] =	ssyncset.done $0x0  }
0x10d: {  	s28 =	sadd.s32 $0x1, s28;
	[sflag:s24] =	ssyncadd.s32 $0xFFFFC000  }
0x10e: {  	p0 =	sne.s32 s28, s14;
	[bflag:$0x0] =	sbarrier.arrive $0xFFFF  }
0x10f: {  	[hbm:s13], [sflag:s7] =	dma.local [spmem:s15], $0x2800  }
.Ltmp4:
0x110: {  	_ =	swait.ge [sflag:s16], $0x2800;
	(pc) =	sbr.rel @p0 .LBB2_1-.Ltmp4, $3  }
0x111: {  	[sflag:s16] =	ssyncset.done $0x0  }
0x112: {  	[sflag:s16] =	ssyncadd.s32 $0xFFFFD800  }
0x113: {  	[bflag:$0x0] =	sbarrier.arrive $0xFFFF;
	_ =	sdelay $0x1  }
0x114: {  	_ =	sfence.sel $0x180000  }
0x115: {  	[bflag:$0x0] =	sbarrier.arrive $0xFFFF  }
0x116: {  	p0 =	sne.s32 s1, $0x0;
	_ =	strace $0x9000004D  }
0x117: {  	s0 =	sadd.s32 @!p0 $0x100000, s0;
	[bflag:$0x2] =	sbarrier.arrive $0xFFFF  }
0x118: {  	[sflag:s0] =	ssyncadd.tile.s32 @!p0 $0x1;
	_ =	shalt  }
.Lfunc_end2:
_tile_overlayer_lowered:
.L_overlay_start_2:
0x119: {  	(tag) =	ssettag $0x2  }
0x11a: {  	s0 =	rddreg [dreg:$0x0];
	s2 =	stileid.u32  }
0x11b: {  	s1 =	rddreg [dreg:$0x1];
	p0 =	sne.s32 s2, $0x0  }
0x11c: {  	s3 =	rddreg [dreg:$0x2];
	[bflag:$0x3] =	sbarrier.arrive $0xFFFF;
	s2 =	simm.s32 @!p0 $0x1C05  }
0x11d: {  	[timem:s3], [sflag:s2] =	dma.local @!p0 [hbm:s0], s1  }
0x11e: {  	s0 =	simm.s32 @!p0 $0x5  }
0x11f: {  	_ =	swait.ge @!p0 [sflag:s0], s1  }
0x120: {  	s1 =	ssub.s32 @!p0 $0x0, s1;
	[sflag:s0] =	ssyncset.done @!p0 $0x0  }
0x121: {  	[sflag:s0] =	ssyncadd.s32 @!p0 s1  }
0x122: {  	[bflag:$0x3] =	sbarrier.arrive $0xFFFF  }
0x123: {  	_ =	shalt  }

// kernel: kernel.8.cloned.1.call-start
scs
__scs_entry_jumppad:
0x0: {  	(pc) =	sbr.rel $0x88, $3  }
0x1: {  	(tag) =	ssettag $0x0;
	lr =	simm.s32 $0x1  }
0x2: {  	[smem:$0x3F8F] =	sst lr;
	_ =	strace $0xD0000000  }
0x3: {  	_ = 	snop  }
0x4: {  	_ = 	snop  }
0x5: {  	_ = 	snop  }
0x6: {  	_ = 	snop  }
0x7: {  	_ = 	snop  }
__scs_overlays_trampoline_lowered:
0x8: {  	[smem:$0x3F9E] =	sst s0  }
0x9: {  	[smem:$0x3F9F] =	sst s1  }
0xa: {  	[smem:$0x3FA0] =	sst s2  }
0xb: {  	[smem:$0x3FA1] =	sst s3  }
0xc: {  	[smem:$0x3FA2] =	sst s4  }
0xd: {  	[smem:$0x3FA3] =	sst s5  }
0xe: {  	[smem:$0x3FA4] =	sst s6  }
0xf: {  	[smem:$0x3FA5] =	sst s7  }
0x10: {  	[smem:$0x3FA6] =	sst s8  }
0x11: {  	[smem:$0x3FA7] =	sst s9;
	s0 =	simm.s32 @!p0 $0x0  }
0x12: {  	s1 =	sld [smem:$0x3F8D];
	s0 =	simm.s32 @p0 $0x1  }
0x13: {  	[smem:$0x3FA8] =	sst s0;
	s0 =	simm.s32 @!p1 $0x0  }
0x14: {  	s2 =	sld [smem:$0x3F8C];
	s0 =	simm.s32 @p1 $0x1  }
0x15: {  	[smem:$0x3FA9] =	sst s0;
	s0 =	simm.s32 @!p2 $0x0  }
0x16: {  	s3 =	sld [smem:$0x3FDB];
	s0 =	simm.s32 @p2 $0x1  }
0x17: {  	s4 =	simm.s32 $0x1BF5;
	[smem:$0x3FAB] =	sst s0  }
0x18: {  	s0 =	sld [smem:$0x3F8E];
	_ =	swait.ge [sflag:s4], $0x0  }
0x19: {  	s7 =	sld [smem:$0x3F8F]  }
0x1a: {  	s8 =	sadd.s32 $0xFFFFE003, lr  }
0x1b: {  	s9 =	sadd.s32 $0xFFFFFEF7, lr;
	s5 =	simm.s32 $0xFFFFFFFF;
	p2 =	slt.u32 s8, $0xFFFFF086  }
0x1c: {  	p1 =	slt.u32 s9, $0xF7A;
	s5 =	simm.s32 @!p2 $0x0  }
0x1d: {  	s5 =	simm.s32 @p1 $0x1;
	p0 =	seq.s32 s7, s2  }
0x1e: {  	s7 =	smul.u32 @!p0 $0xF7A, s2;
	p2 =	seq.s32 @!p0 s5, $0x0  }
0x1f: {  	s9 =	smul.u32 $0xF7A, s1;
	s8 =	simm.s32 @!p0 $0x1BF5;
	p2 =	por !p2, p0  }
0x20: {  	[sflag:s8] =	ssyncset.s32 @!p0 $0xFFFFF086;
	s6 =	sadd.s32 @!p0 s3, s7;
	s7 =	simm.s32 @!p0 $0x108  }
0x21: {  	s3 =	sadd.s32 s3, s9;
	s6 =	sadd.s32 @!p0 $0x88, s6;
	s7 =	simm.s32 @p2 $0x1082  }
0x22: {  	[simem:s7], [sflag:s8] =	dma.local @!p0 [hbm:s6], $0xF7A  }
0x23: {  	s9 =	sor.u32 $0xD0000000, s2;
	s6 =	simm.s32 $0x108;
	_ =	swait.ge @!p0 [sflag:s8], $0x0  }
0x24: {  	s3 =	sadd.s32 $0x88, s3;
	s6 =	simm.s32 @!p1 $0x1082;
	[sflag:s4] =	ssyncset.s32 $0xFFFFF086  }
0x25: {  	[simem:s6], [sflag:s4] =	dma.local [hbm:s3], $0xF7A  }
0x26: {  	[smem:$0x3F8F] =	sst s1;
	(tag) =	ssettag s2;
	_ =	strace s9  }
0x27: {  	s1 =	sld [smem:$0x3F9F]  }
0x28: {  	s2 =	sld [smem:$0x3FA0]  }
0x29: {  	s4 =	sld [smem:$0x3FA2]  }
0x2a: {  	p0 =	seq.s32 s5, $0x0;
	s5 =	sld [smem:$0x3FA3]  }
0x2b: {  	s6 =	sld [smem:$0x3FA4]  }
0x2c: {  	s7 =	sld [smem:$0x3FA5]  }
0x2d: {  	s3 =	simm.s32 $0x108;
	s8 =	sld [smem:$0x3FA6]  }
0x2e: {  	s3 =	simm.s32 @!p0 $0x1082;
	s9 =	sld [smem:$0x3FA7]  }
0x2f: {  	lr =	sadd.s32 s0, s3;
	s0 =	sld [smem:$0x3F9E]  }
0x30: {  	s3 =	sld [smem:$0x3FA1]  }
0x31: {  	[smem:$0x3FAA] =	sst s10  }
0x32: {  	s10 =	sld [smem:$0x3FA8];
	_ =	sdelay $0x3  }
0x33: {  	p0 =	seq.s32 s10, $0x1;
	s10 =	sld [smem:$0x3FAA];
	_ =	sdelay $0x3  }
0x34: {  	[smem:$0x3FAA] =	sst s10  }
0x35: {  	s10 =	sld [smem:$0x3FA9];
	_ =	sdelay $0x3  }
0x36: {  	p1 =	seq.s32 s10, $0x1;
	s10 =	sld [smem:$0x3FAA];
	_ =	sdelay $0x3  }
0x37: {  	[smem:$0x3FAA] =	sst s10  }
0x38: {  	s10 =	sld [smem:$0x3FAB]  }
0x39: {  	_ = 	snop;
	(pc) =	sbr.ind lr, $3  }
0x3a: {  	_ = 	snop  }
0x3b: {  	_ = 	snop  }
0x3c: {  	p2 =	seq.s32 s10, $0x1;
	s10 =	sld [smem:$0x3FAA]  }
0x3d: {  	_ =	shalt  }
0x3e: {  	_ =	shalt  }
0x3f: {  	_ =	shalt  }
0x40: {  	_ =	shalt  }
0x41: {  	_ =	shalt  }
0x42: {  	_ =	shalt  }
0x43: {  	_ =	shalt  }
0x44: {  	_ =	shalt  }
0x45: {  	_ =	shalt  }
0x46: {  	_ =	shalt  }
0x47: {  	_ =	shalt  }
0x48: {  	_ =	shalt  }
0x49: {  	_ =	shalt  }
0x4a: {  	_ =	shalt  }
0x4b: {  	_ =	shalt  }
0x4c: {  	_ =	shalt  }
0x4d: {  	_ =	shalt  }
0x4e: {  	_ =	shalt  }
0x4f: {  	_ =	shalt  }
0x50: {  	_ =	shalt  }
0x51: {  	_ =	shalt  }
0x52: {  	_ =	shalt  }
0x53: {  	_ =	shalt  }
0x54: {  	_ =	shalt  }
0x55: {  	_ =	shalt  }
0x56: {  	_ =	shalt  }
0x57: {  	_ =	shalt  }
0x58: {  	_ =	shalt  }
0x59: {  	_ =	shalt  }
0x5a: {  	_ =	shalt  }
0x5b: {  	_ =	shalt  }
0x5c: {  	_ =	shalt  }
0x5d: {  	_ =	shalt  }
0x5e: {  	_ =	shalt  }
0x5f: {  	_ =	shalt  }
0x60: {  	_ =	shalt  }
0x61: {  	_ =	shalt  }
0x62: {  	_ =	shalt  }
0x63: {  	_ =	shalt  }
0x64: {  	_ =	shalt  }
0x65: {  	_ =	shalt  }
0x66: {  	_ =	shalt  }
0x67: {  	_ =	shalt  }
0x68: {  	_ =	shalt  }
0x69: {  	_ =	shalt  }
0x6a: {  	_ =	shalt  }
0x6b: {  	_ =	shalt  }
0x6c: {  	_ =	shalt  }
0x6d: {  	_ =	shalt  }
0x6e: {  	_ =	shalt  }
0x6f: {  	_ =	shalt  }
0x70: {  	_ =	shalt  }
0x71: {  	_ =	shalt  }
0x72: {  	_ =	shalt  }
0x73: {  	_ =	shalt  }
0x74: {  	_ =	shalt  }
0x75: {  	_ =	shalt  }
0x76: {  	_ =	shalt  }
0x77: {  	_ =	shalt  }
0x78: {  	_ =	shalt  }
0x79: {  	_ =	shalt  }
0x7a: {  	_ =	shalt  }
0x7b: {  	_ =	shalt  }
0x7c: {  	_ =	shalt  }
0x7d: {  	_ =	shalt  }
0x7e: {  	_ =	shalt  }
0x7f: {  	_ =	shalt  }
0x80: {  	_ =	shalt  }
0x81: {  	_ =	shalt  }
0x82: {  	_ =	shalt  }
0x83: {  	_ =	shalt  }
0x84: {  	_ =	shalt  }
0x85: {  	_ =	shalt  }
0x86: {  	_ =	shalt  }
0x87: {  	_ =	shalt  }
.Lfunc_end0:
.L_simem_size_0:
called_computation_lowered:
.L_overlay_start_0:
0x88: {  	s2 =	sld [smem:$0x3FD9]  }
0x89: {  	s3 =	sld [smem:$0x3FFE];
	_ =	sdelay $0x1  }
0x8a: {  	s1 =	srdreg.scid  }
0x8b: {  	s0 =	sand.u32 $0x1, s1  }
0x8c: {  	s17 =	sshll.u32 s0, $0xA;
	s2 =	sadd.s32 s3, s2  }
0x8d: {  	s2 =	sadd.s32 s2, s17  }
0x8e: {  	[smem:$0x3FB6] =	sst s2  }
0x8f: {  	_ = 	snop  }
0x90: {  	s2 =	sld [smem:$0x3FD0];
	(tm) =	ssettm $0x1  }
0x91: {  	s18 =	sld [smem:$0x3FFB];
	_ =	sdelay $0x3  }
0x92: {  	_ =	strace s18  }
0x93: {  	s3 =	sld [smem:$0x3FFC];
	_ =	sdelay $0x3  }
0x94: {  	_ =	strace s3  }
0x95: {  	s3 =	sld [smem:$0x3FFD];
	_ =	sdelay $0x3  }
0x96: {  	_ =	strace s3  }
0x97: {  	_ =	strace $0x8FFFFFFF  }
0x98: {  	s19 =	sld [smem:$0x3FDB];
	_ =	sdelay $0x1  }
0x99: {  	s4 =	simm.s32 $_scs_section_size  }
0x9a: {  	s5 =	simm.s32 $_size__tile_overlayer_lowered;
	s6 =	simm.s32 $_tile_overlayer_lowered  }
0x9b: {  	s22 =	simm.s32 $0x1BFF;
	s21 =	sshll.u32 s6, $0x1;
	s3 =	sadd.s32 s4, s19  }
0x9c: {  	s7 =	simm.s32 $0x0;
	s20 =	sshll.u32 s5, $0x1;
	s5 =	sadd.s32 s21, s3  }
0x9d: {  	[timem:s7], [sflag:s22] =	dma.local [hbm:s5], s20  }
0x9e: {  	_ =	swait.ge [sflag:s22], s20  }
0x9f: {  	s4 =	ssub.s32 $0x0, s20;
	[sflag:s22] =	ssyncset.done $0x0  }
0xa0: {  	[sflag:s22] =	ssyncadd.s32 s4;
	_ =	sdelay $0x1  }
0xa1: {  	s23 =	simm.s32 $0x1B8B  }
0xa2: {  	_ =	swait.ge [sflag:s23], $0x1  }
0xa3: {  	[sflag:s23] =	ssyncset.done $0x0  }
0xa4: {  	s25 =	simm.s32 $0x1B8E;
	s24 =	sld [smem:$0x3FFE];
	[sflag:s23] =	ssyncadd.s32 $0xFFFFFFFF  }
0xa5: {  	s26 =	simm.s32 $execute0_lowered;
	[smem:$0x3FD2] =	sst s25  }
0xa6: {  	s5 =	sshll.u32 s26, $0x1;
	_ =	strace $0x80000046;
	[dreg:$0x1] =	wrdreg $0xFFFFFFFF  }
0xa7: {  	s28 =	simm.s32 $_size_execute0_lowered;
	s3 =	sadd.s32 s3, s5;
	[dreg:$0x0] =	wrdreg $0x0  }
0xa8: {  	s5 =	sshll.u32 s28, $0x1;
	[dreg:$0x2] =	wrdreg s3  }
0xa9: {  	[dreg:$0x3] =	wrdreg s5  }
0xaa: {  	[dreg:$0x4] =	wrdreg $0xC0  }
0xab: {  	_ =	task [dreg:s7], $0x5FFFF  }
0xac: {  	[dreg:$0x1] =	wrdreg $0xFFFFFFFF  }
0xad: {  	[dreg:$0x0] =	wrdreg $0x60  }
0xae: {  	[dreg:$0x2] =	wrdreg s24  }
0xaf: {  	[dreg:$0x3] =	wrdreg s2  }
0xb0: {  	[dreg:$0x4] =	wrdreg $0xA8000  }
0xb1: {  	[dreg:$0x5] =	wrdreg $0x9  }
0xb2: {  	_ =	task.clear_ibuf [dreg:s7], $0x6FFFF;
	_ =	strace $0x90000046  }
0xb3: {  	s29 =	simm.s32 $0x9;
	_ =	strace $0x80000048  }
0xb4: {  	_ =	swait.ge [sflag:s29], $0x1  }
0xb5: {  	[sflag:s29] =	ssyncadd.s32 $0xFFFFFFFF  }
0xb6: {  	_ =	strace $0x90000048  }
0xb7: {  	_ =	sfence  }
0xb8: {  	s30 =	sld [smem:$0x0];
	_ =	sdelay $0x2  }
0xb9: {  	s31 =	sshll.u32 s1, $0xD;
	s1 =	sshrl.u32 s1, $0x2  }
0xba: {  	s3 =	sand.u32 $0x4000, s31;
	s1 =	sadd.s32 s1, s30  }
0xbb: {  	s0 =	sor.u32 s3, s0;
	s1 =	sshll.u32 s1, $0x11  }
0xbc: {  	s0 =	sor.u32 s1, s0  }
0xbd: {  	s0 =	sadd.s32 $0x8F2B, s0  }
0xbe: {  	[sflag:s0] =	ssyncadd.remote.s32 $0x1  }
0xbf: {  	_ =	sfence.sel $0xFFFF  }
0xc0: {  	[dreg:$0x0] =	wrdreg $0xFFFFFFFF;
	(pc) =	sbr.abs _section_cstart, $3  }
0xc1: {  	[dreg:$0x1] =	wrdreg $0xFFFFFFFF  }
0xc2: {  	_ =	task.clear_ibuf [dreg:s7], $0x2FFFF;
	_ =	strace $0x9FFFFFFF  }
0xc3: {  	(tm) =	ssettm $0x7FFFFFFF  }
tec
execute0_lowered:
.L_overlay_start_1:
0x0: {  	(tag) =	ssettag $0x1  }
0x1: {  	s5 =	rddreg [dreg:$0x0]  }
0x2: {  	s9 =	rddreg [dreg:$0x1]  }
0x3: {  	s2 =	rddreg [dreg:$0x2]  }
0x4: {  	s0 =	rddreg [dreg:$0x3];
	s3 =	simm.s32 $0x0;
	s1 =	stileid.u32  }
0x5: {  	s4 =	srdreg.scid;
	s16 =	simm.s32 $0x80;
	s17 =	simm.s32 $0x2800  }
0x6: {  	s18 =	simm.s32 $0x6800;
	s19 =	simm.s32 $0x1;
	s20 =	simm.s32 $0x2  }
0x7: {  	s21 =	simm.s32 $0x3;
	[smem:$0x7FF] =	sst s3;
	s6 =	smul.u32 $0x2800, s1  }
0x8: {  	s7 =	sand.u32 $0x1, s4;
	s4 =	sadd.s32 $0x5C00, s5;
	s10 =	sadd.s32 $0x2DC00, s5  }
0x9: {  	s22 =	sshll.u32 s1, $0x1;
	s12 =	smul.u32 $0x50000, s1;
	s30 =	sshll.u32 s1, $0x6  }
0xa: {  	_ =	strace $0x80000047;
	s8 =	smul.u32 $0x28000, s7;
	s23 =	ssub.s32 $0x2, s7  }
0xb: {  	s24 =	sor.u32 s7, s22;
	s22 =	simm.s32 $0x4;
	s11 =	sadd.s32 s6, s5  }
0xc: {  	s25 =	sshrl.u32 s23, $0x1;
	s26 =	sshrl.u32 s12, $0x2;
	s28 =	smul.u32 $0x2800, s24  }
0xd: {  	s29 =	smul.u32 $0x500, s24;
	s24 =	simm.s32 $0x2780;
	s6 =	sadd.s32 s6, s8  }
0xe: {  	s14 =	ssub.s32 s23, s25;
	s15 =	sadd.s32 s26, s2;
	s23 =	simm.s32 $0x2700  }
0xf: {  	s25 =	simm.s32 $0x0;
	s13 =	sadd.s32 s6, s5;
	s5 =	sadd.s32 $0x37C00, s11  }
0x10: {  	s31 =	sshrl.u32 s28, $0x3;
	s6 =	sor.u32 $0x1C05, s30;
	s7 =	sadd.s32 s9, s29  }
0x11: {  	s8 =	sadd.s32 s10, s29;
	s12 =	smax.u32 s14, $0x1;
	s11 =	sadd.s32 $0x280, s31  }
0x12: {  	s14 =	simm.s32 $0x5;
	s9 =	sadd.s32 s9, s11;
	s10 =	sadd.s32 s10, s11  }
0x13: {  	s11 =	sadd.s32 $0x5FC00, s13;
	s13 =	sshrl.u32 s15, $0x3;
	s15 =	simm.s32 $0x1400  }
.LBB2_1:
0x14: {  	[spmem:s13], [sflag:s6] =	dma.local [hbm:s5], $0x2800  }
0x15: {  	_ =	swait.ge [sflag:s14], $0x2800  }
0x16: {  	[sflag:s14] =	ssyncset.done $0x0  }
0x17: {  	[sflag:s14] =	ssyncadd.s32 $0xFFFFD800  }
0x18: {  	[bflag:$0x0] =	sbarrier.arrive $0xFFFF  }
0x19: {  	[tilespmem:s3], [sflag:$0x5] =	stream.linear.gather [hbm4b:s7+s3], $0x1400, $0x38;
	[tilespmem:$0x1E800] =	vst v63  }
0x1a: {  	_ =	swait.ge [sflag:s14], $0x1400  }
0x1b: {  	[sflag:s14] =	ssyncset.done $0x0  }
0x1c: {  	[sflag:s14] =	ssyncadd.s32 $0xFFFFEC00  }
0x1d: {  	[tilespmem:s15], [sflag:$0x5] =	stream.linear.gather [hbm4b:s8+s3], $0x1400, $0x38;
	[tilespmem:$0x1E800] =	vst v63  }
0x1e: {  	_ =	swait.ge [sflag:s14], $0x1400  }
0x1f: {  	[sflag:s14] =	ssyncset.done $0x0  }
0x20: {  	[sflag:s14] =	ssyncadd.s32 $0xFFFFEC00  }
0x21: {  	[tilespmem:s17], [sflag:$0x1] =	stream.indirect.gather [hbm4b:s4+s16], $0x80, s3, s16, $0xb8;
	[tilespmem:$0x1E800] =	vst v63  }
0x22: {  	_ = 	snop  }
0x23: {  	[tilespmem:s18], [sflag:$0x2] =	stream.indirect.gather [hbm4b:s4+s16], $0x80, s16, s16, $0xb8;
	[tilespmem:$0x1E800] =	vst v63  }
0x24: {  	_ =	swait.ge [sflag:s19], $0x4000  }
0x25: {  	[sflag:s19] =	ssyncset.done $0x0  }
0x26: {  	s26 =	simm.s32 $0x1400;
	[sflag:s19] =	ssyncadd.s32 $0xFFFFC000  }
0x27: {  	[spmem:s2] =	stream.indirect.scatter.add.f32 [tilespmem:s17], [sflag:$0x3], $0x80, s26, s16, $0xb8;
	[tilespmem:$0x1E800] =	vst v63  }
0x28: {  	_ =	swait.ge [sflag:s20], $0x4000  }
0x29: {  	[sflag:s20] =	ssyncset.done $0x0  }
0x2a: {  	s30 =	simm.s32 $0x1480;
	[sflag:s20] =	ssyncadd.s32 $0xFFFFC000  }
0x2b: {  	[spmem:s2] =	stream.indirect.scatter.add.f32 [tilespmem:s18], [sflag:$0x4], $0x80, s30, s16, $0xb8;
	[tilespmem:$0x1E800] =	vst v63  }
0x2c: {  	_ =	swait.ge [sflag:s21], $0x4000  }
0x2d: {  	[sflag:s21] =	ssyncset.done $0x0  }
0x2e: {  	s31 =	simm.s32 $0x100;
	[sflag:s21] =	ssyncadd.s32 $0xFFFFC000  }
0x2f: {  	[tilespmem:s17], [sflag:$0x1] =	stream.indirect.gather [hbm4b:s4+s16], $0x80, s31, s16, $0xb8;
	[tilespmem:$0x1E800] =	vst v63  }
0x30: {  	_ =	swait.ge [sflag:s22], $0x4000  }
0x31: {  	[sflag:s22] =	ssyncset.done $0x0  }
0x32: {  	s28 =	simm.s32 $0x180;
	s26 =	simm.s32 $0x400;
	[sflag:s22] =	ssyncadd.s32 $0xFFFFC000  }
.LBB2_2:
0x33: {  	[tilespmem:s18], [sflag:$0x2] =	stream.indirect.gather [hbm4b:s4+s16], $0x80, s28, s16, $0xb8;
	[tilespmem:$0x1E800] =	vst v63  }
0x34: {  	s28 =	smov.u32 s26  }
0x35: {  	p0 =	sne.s32 s26, $0x4800;
	s26 =	sadd.s32 $0x400, s26;
	_ =	swait.ge [sflag:s19], $0x4000  }
0x36: {  	s28 =	sshra.s32 s28, $0x2;
	[sflag:s19] =	ssyncset.done $0x0  }
0x37: {  	s29 =	sadd.s32 $0x1400, s28;
	[sflag:s19] =	ssyncadd.s32 $0xFFFFC000  }
0x38: {  	[spmem:s2] =	stream.indirect.scatter.add.f32 [tilespmem:s17], [sflag:$0x3], $0x80, s29, s16, $0xb8;
	[tilespmem:$0x1E800] =	vst v63  }
0x39: {  	_ =	swait.ge [sflag:s20], $0x4000  }
0x3a: {  	[sflag:s20] =	ssyncset.done $0x0  }
0x3b: {  	s29 =	sadd.s32 $0x1480, s28;
	[sflag:s20] =	ssyncadd.s32 $0xFFFFC000  }
0x3c: {  	[spmem:s2] =	stream.indirect.scatter.add.f32 [tilespmem:s18], [sflag:$0x4], $0x80, s29, s16, $0xb8;
	[tilespmem:$0x1E800] =	vst v63  }
0x3d: {  	_ =	swait.ge [sflag:s21], $0x4000  }
0x3e: {  	[sflag:s21] =	ssyncset.done $0x0  }
.Ltmp0:
0x3f: {  	s29 =	sadd.s32 $0x100, s28;
	[sflag:s21] =	ssyncadd.s32 $0xFFFFC000;
	(pc) =	sbr.rel @p0 .LBB2_2-.Ltmp0, $4  }
0x40: {  	[tilespmem:s17], [sflag:$0x1] =	stream.indirect.gather [hbm4b:s4+s16], $0x80, s29, s16, $0xb8;
	[tilespmem:$0x1E800] =	vst v63  }
0x41: {  	_ =	swait.ge [sflag:s22], $0x4000  }
0x42: {  	[sflag:s22] =	ssyncset.done $0x0  }
0x43: {  	s28 =	sadd.s32 $0x180, s28;
	[sflag:s22] =	ssyncadd.s32 $0xFFFFC000  }
0x44: {  	[tilespmem:s18], [sflag:$0x2] =	stream.indirect.gather [hbm4b:s4+s16], $0x80, s28, s16, $0xb8;
	[tilespmem:$0x1E800] =	vst v63  }
0x45: {  	_ =	swait.ge [sflag:s19], $0x4000  }
0x46: {  	[sflag:s19] =	ssyncset.done $0x0  }
0x47: {  	[sflag:s19] =	ssyncadd.s32 $0xFFFFC000  }
0x48: {  	[spmem:s2] =	stream.indirect.scatter.add.f32 [tilespmem:s17], [sflag:$0x3], $0x80, s23, s16, $0xb8;
	[tilespmem:$0x1E800] =	vst v63  }
0x49: {  	_ =	swait.ge [sflag:s20], $0x4000  }
0x4a: {  	[sflag:s20] =	ssyncset.done $0x0  }
0x4b: {  	[sflag:s20] =	ssyncadd.s32 $0xFFFFC000  }
0x4c: {  	[spmem:s2] =	stream.indirect.scatter.add.f32 [tilespmem:s18], [sflag:$0x4], $0x80, s24, s16, $0xb8;
	[tilespmem:$0x1E800] =	vst v63  }
0x4d: {  	_ =	swait.ge [sflag:s21], $0x4000  }
0x4e: {  	[sflag:s21] =	ssyncset.done $0x0  }
0x4f: {  	[sflag:s21] =	ssyncadd.s32 $0xFFFFC000  }
0x50: {  	_ =	swait.ge [sflag:s22], $0x4000  }
0x51: {  	[sflag:s22] =	ssyncset.done $0x0  }
0x52: {  	s26 =	simm.s32 $0x0;
	[sflag:s22] =	ssyncadd.s32 $0xFFFFC000  }
0x53: {  	[tilespmem:s26], [sflag:$0x5] =	stream.linear.gather [hbm4b:s9+s26], $0x1400, $0x38;
	[tilespmem:$0x1E800] =	vst v63  }
0x54: {  	_ =	swait.ge [sflag:s14], $0x1400  }
0x55: {  	[sflag:s14] =	ssyncset.done $0x0  }
0x56: {  	[sflag:s14] =	ssyncadd.s32 $0xFFFFEC00  }
0x57: {  	[tilespmem:s15], [sflag:$0x5] =	stream.linear.gather [hbm4b:s10+s26], $0x1400, $0x38;
	[tilespmem:$0x1E800] =	vst v63  }
0x58: {  	_ =	swait.ge [sflag:s14], $0x1400  }
0x59: {  	[sflag:s14] =	ssyncset.done $0x0  }
0x5a: {  	[sflag:s14] =	ssyncadd.s32 $0xFFFFEC00  }
0x5b: {  	[tilespmem:s17], [sflag:$0x1] =	stream.indirect.gather [hbm4b:s4+s16], $0x80, s26, s16, $0xb8;
	[tilespmem:$0x1E800] =	vst v63  }
0x5c: {  	_ = 	snop  }
0x5d: {  	[tilespmem:s18], [sflag:$0x2] =	stream.indirect.gather [hbm4b:s4+s16], $0x80, s16, s16, $0xb8;
	[tilespmem:$0x1E800] =	vst v63  }
0x5e: {  	_ =	swait.ge [sflag:s19], $0x4000  }
0x5f: {  	[sflag:s19] =	ssyncset.done $0x0  }
0x60: {  	s29 =	simm.s32 $0x1400;
	[sflag:s19] =	ssyncadd.s32 $0xFFFFC000  }
0x61: {  	[spmem:s2] =	stream.indirect.scatter.add.f32 [tilespmem:s17], [sflag:$0x3], $0x80, s29, s16, $0xb8;
	[tilespmem:$0x1E800] =	vst v63  }
0x62: {  	_ =	swait.ge [sflag:s20], $0x4000  }
0x63: {  	[sflag:s20] =	ssyncset.done $0x0  }
0x64: {  	s30 =	simm.s32 $0x1480;
	[sflag:s20] =	ssyncadd.s32 $0xFFFFC000  }
0x65: {  	[spmem:s2] =	stream.indirect.scatter.add.f32 [tilespmem:s18], [sflag:$0x4], $0x80, s30, s16, $0xb8;
	[tilespmem:$0x1E800] =	vst v63  }
0x66: {  	_ =	swait.ge [sflag:s21], $0x4000  }
0x67: {  	[sflag:s21] =	ssyncset.done $0x0  }
0x68: {  	s31 =	simm.s32 $0x100;
	[sflag:s21] =	ssyncadd.s32 $0xFFFFC000  }
0x69: {  	[tilespmem:s17], [sflag:$0x1] =	stream.indirect.gather [hbm4b:s4+s16], $0x80, s31, s16, $0xb8;
	[tilespmem:$0x1E800] =	vst v63  }
0x6a: {  	_ =	swait.ge [sflag:s22], $0x4000  }
0x6b: {  	[sflag:s22] =	ssyncset.done $0x0  }
0x6c: {  	s28 =	simm.s32 $0x180;
	s26 =	simm.s32 $0x400;
	[sflag:s22] =	ssyncadd.s32 $0xFFFFC000  }
.LBB2_4:
0x6d: {  	[tilespmem:s18], [sflag:$0x2] =	stream.indirect.gather [hbm4b:s4+s16], $0x80, s28, s16, $0xb8;
	[tilespmem:$0x1E800] =	vst v63  }
0x6e: {  	s28 =	smov.u32 s26  }
0x6f: {  	p0 =	sne.s32 s26, $0x4800;
	s26 =	sadd.s32 $0x400, s26;
	_ =	swait.ge [sflag:s19], $0x4000  }
0x70: {  	s28 =	sshra.s32 s28, $0x2;
	[sflag:s19] =	ssyncset.done $0x0  }
0x71: {  	s29 =	sadd.s32 $0x1400, s28;
	[sflag:s19] =	ssyncadd.s32 $0xFFFFC000  }
0x72: {  	[spmem:s2] =	stream.indirect.scatter.add.f32 [tilespmem:s17], [sflag:$0x3], $0x80, s29, s16, $0xb8;
	[tilespmem:$0x1E800] =	vst v63  }
0x73: {  	_ =	swait.ge [sflag:s20], $0x4000  }
0x74: {  	[sflag:s20] =	ssyncset.done $0x0  }
0x75: {  	s29 =	sadd.s32 $0x1480, s28;
	[sflag:s20] =	ssyncadd.s32 $0xFFFFC000  }
0x76: {  	[spmem:s2] =	stream.indirect.scatter.add.f32 [tilespmem:s18], [sflag:$0x4], $0x80, s29, s16, $0xb8;
	[tilespmem:$0x1E800] =	vst v63  }
0x77: {  	_ =	swait.ge [sflag:s21], $0x4000  }
0x78: {  	[sflag:s21] =	ssyncset.done $0x0  }
.Ltmp1:
0x79: {  	s29 =	sadd.s32 $0x100, s28;
	[sflag:s21] =	ssyncadd.s32 $0xFFFFC000;
	(pc) =	sbr.rel @p0 .LBB2_4-.Ltmp1, $4  }
0x7a: {  	[tilespmem:s17], [sflag:$0x1] =	stream.indirect.gather [hbm4b:s4+s16], $0x80, s29, s16, $0xb8;
	[tilespmem:$0x1E800] =	vst v63  }
0x7b: {  	_ =	swait.ge [sflag:s22], $0x4000  }
0x7c: {  	[sflag:s22] =	ssyncset.done $0x0  }
0x7d: {  	s28 =	sadd.s32 $0x180, s28;
	[sflag:s22] =	ssyncadd.s32 $0xFFFFC000  }
0x7e: {  	[tilespmem:s18], [sflag:$0x2] =	stream.indirect.gather [hbm4b:s4+s16], $0x80, s28, s16, $0xb8;
	[tilespmem:$0x1E800] =	vst v63  }
0x7f: {  	_ =	swait.ge [sflag:s19], $0x4000  }
0x80: {  	[sflag:s19] =	ssyncset.done $0x0  }
0x81: {  	[sflag:s19] =	ssyncadd.s32 $0xFFFFC000  }
0x82: {  	[spmem:s2] =	stream.indirect.scatter.add.f32 [tilespmem:s17], [sflag:$0x3], $0x80, s23, s16, $0xb8;
	[tilespmem:$0x1E800] =	vst v63  }
0x83: {  	_ =	swait.ge [sflag:s20], $0x4000  }
0x84: {  	[sflag:s20] =	ssyncset.done $0x0  }
0x85: {  	[sflag:s20] =	ssyncadd.s32 $0xFFFFC000  }
0x86: {  	[spmem:s2] =	stream.indirect.scatter.add.f32 [tilespmem:s18], [sflag:$0x4], $0x80, s24, s16, $0xb8;
	[tilespmem:$0x1E800] =	vst v63  }
0x87: {  	_ =	swait.ge [sflag:s21], $0x4000  }
0x88: {  	[sflag:s21] =	ssyncset.done $0x0  }
0x89: {  	[sflag:s21] =	ssyncadd.s32 $0xFFFFC000  }
0x8a: {  	_ =	swait.ge [sflag:s22], $0x4000  }
0x8b: {  	[sflag:s22] =	ssyncset.done $0x0  }
0x8c: {  	s25 =	sadd.s32 $0x1, s25;
	[sflag:s22] =	ssyncadd.s32 $0xFFFFC000  }
0x8d: {  	p0 =	sne.s32 s25, s12;
	[bflag:$0x0] =	sbarrier.arrive $0xFFFF  }
0x8e: {  	[hbm:s11], [sflag:s6] =	dma.local [spmem:s13], $0x2800  }
.Ltmp2:
0x8f: {  	_ =	swait.ge [sflag:s14], $0x2800;
	(pc) =	sbr.rel @p0 .LBB2_1-.Ltmp2, $3  }
0x90: {  	[sflag:s14] =	ssyncset.done $0x0  }
0x91: {  	[sflag:s14] =	ssyncadd.s32 $0xFFFFD800  }
0x92: {  	[bflag:$0x0] =	sbarrier.arrive $0xFFFF;
	_ =	sdelay $0x1  }
0x93: {  	_ =	sfence.sel $0x180000  }
0x94: {  	[bflag:$0x0] =	sbarrier.arrive $0xFFFF  }
0x95: {  	p0 =	sne.s32 s1, $0x0;
	_ =	strace $0x90000047  }
0x96: {  	s0 =	sadd.s32 @!p0 $0x100000, s0;
	[bflag:$0x2] =	sbarrier.arrive $0xFFFF  }
0x97: {  	[sflag:s0] =	ssyncadd.tile.s32 @!p0 $0x1;
	_ =	shalt  }
.Lfunc_end2:
_tile_overlayer_lowered:
.L_overlay_start_2:
0x98: {  	(tag) =	ssettag $0x2  }
0x99: {  	s0 =	rddreg [dreg:$0x0];
	s2 =	stileid.u32  }
0x9a: {  	s1 =	rddreg [dreg:$0x1];
	p0 =	sne.s32 s2, $0x0  }
0x9b: {  	s3 =	rddreg [dreg:$0x2];
	[bflag:$0x3] =	sbarrier.arrive $0xFFFF;
	s2 =	simm.s32 @!p0 $0x1C05  }
0x9c: {  	[timem:s3], [sflag:s2] =	dma.local @!p0 [hbm:s0], s1  }
0x9d: {  	s0 =	simm.s32 @!p0 $0x5  }
0x9e: {  	_ =	swait.ge @!p0 [sflag:s0], s1  }
0x9f: {  	s1 =	ssub.s32 @!p0 $0x0, s1;
	[sflag:s0] =	ssyncset.done @!p0 $0x0  }
0xa0: {  	[sflag:s0] =	ssyncadd.s32 @!p0 s1  }
0xa1: {  	[bflag:$0x3] =	sbarrier.arrive $0xFFFF  }
0xa2: {  	_ =	shalt  }

</sc_bundles>
